<compile_context>
chip_gen: v7x
topology: tpu7x:2x2x1
jax: 0.10.2.dev20260603
libtpu: 0.0.44.dev20260713+nightly
codegen_flags: <defaults>
</compile_context>

<pallas_src>
import functools

import jax
import jax.numpy as jnp
from jax import lax
from jax.experimental import pallas as pl
from jax.experimental.pallas import tpu as pltpu
from jax.experimental.pallas import tpu_sc as plsc

N = 10000
D = 128
E = 320000
NC = 2
NS = 16
NW = NC * NS
CHUNK = 128
NCH = 80
EPAD = NW * NCH * CHUNK
NPAD = 10240
TRASH = N
ROWS_PT = NPAD // NS

_MESH = dict(core_axis_name="c", subcore_axis_name="s")


def _spmm_sc(hp, src_t, dst_t):
    @functools.partial(
        pl.kernel,
        out_type=jax.ShapeDtypeStruct((NC, NPAD, D), jnp.float32),
        mesh=plsc.VectorSubcoreMesh(**_MESH),
        scratch_types=[
            pltpu.VMEM((NCH, CHUNK), jnp.int32),
            pltpu.VMEM((NCH, CHUNK), jnp.int32),
            pltpu.VMEM((CHUNK, D), jnp.float32),
            pltpu.VMEM_SHARED((NPAD, D), jnp.float32),
            pltpu.SemaphoreType.DMA,
        ],
    )
    def k(hp_hbm, src_hbm, dst_hbm, out_hbm, src_v, dst_v, rows_v, acc, sem):
        c = lax.axis_index("c")
        s = lax.axis_index("s")
        wid = c * NS + s
        pltpu.sync_copy(src_hbm.at[wid], src_v)
        pltpu.sync_copy(dst_hbm.at[wid], dst_v)
        base = s * ROWS_PT

        @pl.when(c == 0)
        def _():
            pltpu.sync_copy(hp_hbm.at[pl.ds(base, ROWS_PT)],
                            acc.at[pl.ds(base, ROWS_PT)])

        @pl.when(c != 0)
        def _():
            zero16 = jnp.zeros((16,), jnp.float32)

            def zr(r, _):
                for kk in range(D // 16):
                    rows_v[r, pl.ds(kk * 16, 16)] = zero16
                return 0

            lax.fori_loop(0, CHUNK, zr, 0)
            for kk in range(ROWS_PT // CHUNK):
                pltpu.sync_copy(rows_v,
                                acc.at[pl.ds(base + kk * CHUNK, CHUNK)])

        plsc.subcore_barrier()

        def chunk(t, _):
            pltpu.async_copy(hp_hbm.at[src_v.at[t]], rows_v, sem).wait()
            pltpu.sync_copy(rows_v, acc.at[dst_v.at[t]], add=True)
            return 0

        lax.fori_loop(0, NCH, chunk, 0)
        plsc.subcore_barrier()
        pltpu.sync_copy(acc.at[pl.ds(base, ROWS_PT)],
                        out_hbm.at[c, pl.ds(base, ROWS_PT)])

    return k(hp, src_t, dst_t)


BR = 512


def _tc_first(x, W1, degp):
    def body(x_ref, w_ref, dp_ref, hp_ref, dv_ref):
        dp = dp_ref[...]
        deg = dp[0, :, 0:1] + dp[1, :, 0:1]
        dinv = lax.rsqrt(deg)
        dv = jnp.broadcast_to(dinv, (BR, D))
        dv_ref[...] = dv
        hp_ref[...] = dv * jnp.dot(x_ref[...], w_ref[...],
                                   preferred_element_type=jnp.float32)

    return pl.pallas_call(
        body,
        grid=(NPAD // BR,),
        in_specs=[
            pl.BlockSpec((BR, D), lambda i: (i, 0)),
            pl.BlockSpec((D, D), lambda i: (0, 0)),
            pl.BlockSpec((NC, BR, D), lambda i: (0, i, 0)),
        ],
        out_specs=[pl.BlockSpec((BR, D), lambda i: (i, 0)),
                   pl.BlockSpec((BR, D), lambda i: (i, 0))],
        out_shape=[jax.ShapeDtypeStruct((NPAD, D), jnp.float32),
                   jax.ShapeDtypeStruct((NPAD, D), jnp.float32)],
    )(x, W1, degp)


def _tc_mid(p, dinv2, b_row, W):
    def body(p_ref, dv_ref, b_ref, w_ref, hp_ref):
        pp = p_ref[...]
        dv = dv_ref[...]
        h = jax.nn.relu(dv * (pp[0] + pp[1]) + b_ref[...])
        hp_ref[...] = dv * jnp.dot(h, w_ref[...],
                                   preferred_element_type=jnp.float32)

    return pl.pallas_call(
        body,
        grid=(NPAD // BR,),
        in_specs=[
            pl.BlockSpec((NC, BR, D), lambda i: (0, i, 0)),
            pl.BlockSpec((BR, D), lambda i: (i, 0)),
            pl.BlockSpec((1, D), lambda i: (0, 0)),
            pl.BlockSpec((D, D), lambda i: (0, 0)),
        ],
        out_specs=pl.BlockSpec((BR, D), lambda i: (i, 0)),
        out_shape=jax.ShapeDtypeStruct((NPAD, D), jnp.float32),
    )(p, dinv2, b_row, W)


def _tc_last(p, dinv2, b_row):
    def body(p_ref, dv_ref, b_ref, o_ref):
        pp = p_ref[...]
        o_ref[...] = dv_ref[...] * (pp[0] + pp[1]) + b_ref[...]

    return pl.pallas_call(
        body,
        grid=(NPAD // BR,),
        in_specs=[
            pl.BlockSpec((NC, BR, D), lambda i: (0, i, 0)),
            pl.BlockSpec((BR, D), lambda i: (i, 0)),
            pl.BlockSpec((1, D), lambda i: (0, 0)),
        ],
        out_specs=pl.BlockSpec((BR, D), lambda i: (i, 0)),
        out_shape=jax.ShapeDtypeStruct((NPAD, D), jnp.float32),
    )(p, dinv2, b_row)


def kernel(x, edge_index, W1, b1, W2, b2, W3, b3):
    pad = EPAD - E
    src_t = jnp.concatenate(
        [edge_index[0], jnp.zeros((pad,), jnp.int32)]).reshape(NW, NCH, CHUNK)
    dst_t = jnp.concatenate(
        [edge_index[1], jnp.full((pad,), TRASH, jnp.int32)]).reshape(NW, NCH, CHUNK)

    x_p = jnp.pad(x, ((0, NPAD - N), (0, 0)))
    degp = _spmm_sc(jnp.ones((NPAD, D), jnp.float32), src_t, dst_t)
    hp, dinv2 = _tc_first(x_p, W1, degp)
    p = _spmm_sc(hp, src_t, dst_t)
    hp = _tc_mid(p, dinv2, b1.reshape(1, D), W2)
    p = _spmm_sc(hp, src_t, dst_t)
    hp = _tc_mid(p, dinv2, b2.reshape(1, D), W3)
    p = _spmm_sc(hp, src_t, dst_t)
    return _tc_last(p, dinv2, b3.reshape(1, D))[:N]

# --- scband reference (transcript-rebuilt; emitter-appended) ---
"""Pipeline reference for scband-gcn-25417616458233 (READ-ONLY COPY).

The authoritative reference and input builder live on the scoring server;
editing this copy changes nothing except your own understanding.
"""

import jax, jax.numpy as jnp
import numpy as np

N_NODES = 10000
N_EDGES = 320000
D_IN = 128
D_HID = 128
D_OUT = 128


def _gcn_conv(x, W, b, src, dst):
    n = x.shape[0]
    h = x @ W
    deg = jax.ops.segment_sum(jnp.ones_like(dst, dtype=h.dtype), dst, num_segments=n)
    dinv = jnp.where(deg > 0, deg ** -0.5, 0.0)
    norm = dinv[src] * dinv[dst]
    msg = jnp.take(h, src, axis=0) * norm[:, None]
    out = jax.ops.segment_sum(msg, dst, num_segments=n)
    return out + b


def setup_inputs(seed: int = 0) -> dict:
    key = jax.random.key(seed)
    ks = jax.random.split(key, 10)
    x = jax.random.normal(ks[0], (N_NODES, D_IN), dtype=jnp.float32)
    edge_index = jax.random.randint(ks[1], (2, N_EDGES), 0, N_NODES, dtype=jnp.int32)
    s1 = (2.0 / (D_IN + D_HID)) ** 0.5
    s2 = (2.0 / (D_HID + D_HID)) ** 0.5
    s3 = (2.0 / (D_HID + D_OUT)) ** 0.5
    W1 = jax.random.normal(ks[2], (D_IN, D_HID), dtype=jnp.float32) * s1
    b1 = jnp.zeros((D_HID,), dtype=jnp.float32)
    W2 = jax.random.normal(ks[3], (D_HID, D_HID), dtype=jnp.float32) * s2
    b2 = jnp.zeros((D_HID,), dtype=jnp.float32)
    W3 = jax.random.normal(ks[4], (D_HID, D_OUT), dtype=jnp.float32) * s3
    b3 = jnp.zeros((D_OUT,), dtype=jnp.float32)
    return {"x": x, "edge_index": edge_index, "W1": W1, "b1": b1, "W2": W2, "b2": b2, "W3": W3, "b3": b3}


def reference(x, edge_index, W1, b1, W2, b2, W3, b3):
    # GCN with 3 GCNConv layers (PyG semantics: add self-loops, symmetric norm).
    # Eval mode: dropout is identity.
    n = x.shape[0]
    loop = jnp.arange(n, dtype=edge_index.dtype)
    src = jnp.concatenate([edge_index[0], loop])
    dst = jnp.concatenate([edge_index[1], loop])
    h = jax.nn.relu(_gcn_conv(x, W1, b1, src, dst))
    h = jax.nn.relu(_gcn_conv(h, W2, b2, src, dst))
    return _gcn_conv(h, W3, b3, src, dst)

if __name__ == "__main__":
    import jax
    _d = setup_inputs()
    print(jax.jit(kernel)(*tuple(_d.values())))

</pallas_src>

<mosaic_0001>
#map = affine_map<(d0, d1) -> (0, 0)>
#map1 = affine_map<(d0, d1) -> (0, 0, 0)>
module attributes {stable_mosaic.version = 14 : i64} {
  func.func @k(%arg0: i32, %arg1: i32, %arg2: memref<10240x128xf32, #tpu.memory_space<hbm>>, %arg3: memref<32x80x128xi32, #tpu.memory_space<hbm>>, %arg4: memref<32x80x128xi32, #tpu.memory_space<hbm>>, %arg5: memref<2x10240x128xf32, #tpu.memory_space<hbm>>, %arg6: memref<80x128xi32, #tpu.memory_space<vmem>>, %arg7: memref<80x128xi32, #tpu.memory_space<vmem>>, %arg8: memref<128x128xf32, #tpu.memory_space<vmem>>, %arg9: memref<10240x128xf32, #tpu.memory_space<vmem_shared>>, %arg10: memref<!tpu.dma_semaphore, #tpu.memory_space<semaphore_mem>>) attributes {dimension_semantics = [#tpu.dimension_semantics<core_parallel>, #tpu.dimension_semantics<subcore_parallel>], iteration_bounds = array<i64: 2, 16>, scalar_prefetch = 0 : i64, scratch_operands = 5 : i64, tpu.core_type = #tpu.core_type<sc_vector_subcore>, window_params = [{transform_indices = #map}, {transform_indices = #map1}, {transform_indices = #map1}, {transform_indices = #map1}]} {
    %mul3A = arith.constant 16 : i32
    %mul3A_0 = arith.muli %arg0, %mul3A : i32
    %add3A = arith.addi %mul3A_0, %arg1 : i32
    "tpu.region"() ({
      %run_scoped3A = tpu.sem_alloc : memref<!tpu.dma_semaphore, #tpu.memory_space<semaphore_mem>>
      %dma_start3A = arith.constant 0 : i32
      %dma_start3A_16 = arith.constant 0 : i32
      %dma_start3A_17 = tpu.memref_slice %arg3[%add3A, %dma_start3A, %dma_start3A_16] : memref<32x80x128xi32, #tpu.memory_space<hbm>> -> memref<1x80x128xi32, #tpu.memory_space<hbm>>
      %dma_start3A_18 = tpu.memref_squeeze %dma_start3A_17 : memref<1x80x128xi32, #tpu.memory_space<hbm>> -> memref<80x128xi32, #tpu.memory_space<hbm>>
      %dma_start3A_19 = arith.constant 0 : i32
      %dma_start3A_20 = arith.constant 0 : i32
      %dma_start3A_21 = tpu.memref_slice %arg3[%add3A, %dma_start3A_19, %dma_start3A_20] : memref<32x80x128xi32, #tpu.memory_space<hbm>> -> memref<1x80x128xi32, #tpu.memory_space<hbm>>
      %dma_start3A_22 = tpu.memref_squeeze %dma_start3A_21 : memref<1x80x128xi32, #tpu.memory_space<hbm>> -> memref<80x128xi32, #tpu.memory_space<hbm>>
      tpu.enqueue_dma source(%dma_start3A_22 : memref<80x128xi32, #tpu.memory_space<hbm>>) target(%arg6 : memref<80x128xi32, #tpu.memory_space<vmem>>) target_semaphore(%run_scoped3A : memref<!tpu.dma_semaphore, #tpu.memory_space<semaphore_mem>>)
      %dma_wait3A = arith.constant 0 : i32
      %dma_wait3A_23 = arith.constant 0 : i32
      %dma_wait3A_24 = tpu.memref_slice %arg3[%add3A, %dma_wait3A, %dma_wait3A_23] : memref<32x80x128xi32, #tpu.memory_space<hbm>> -> memref<1x80x128xi32, #tpu.memory_space<hbm>>
      %dma_wait3A_25 = tpu.memref_squeeze %dma_wait3A_24 : memref<1x80x128xi32, #tpu.memory_space<hbm>> -> memref<80x128xi32, #tpu.memory_space<hbm>>
      %dma_wait3A_26 = arith.constant 0 : i32
      %dma_wait3A_27 = arith.constant 0 : i32
      %dma_wait3A_28 = tpu.memref_slice %arg3[%add3A, %dma_wait3A_26, %dma_wait3A_27] : memref<32x80x128xi32, #tpu.memory_space<hbm>> -> memref<1x80x128xi32, #tpu.memory_space<hbm>>
      %dma_wait3A_29 = tpu.memref_squeeze %dma_wait3A_28 : memref<1x80x128xi32, #tpu.memory_space<hbm>> -> memref<80x128xi32, #tpu.memory_space<hbm>>
      tpu.wait_dma2 semaphore(%run_scoped3A : memref<!tpu.dma_semaphore, #tpu.memory_space<semaphore_mem>>) src(%dma_wait3A_29 : memref<80x128xi32, #tpu.memory_space<hbm>>) dst(%arg6 : memref<80x128xi32, #tpu.memory_space<vmem>>)
      tpu.yield
    }) : () -> ()
    "tpu.region"() ({
      %run_scoped3A = tpu.sem_alloc : memref<!tpu.dma_semaphore, #tpu.memory_space<semaphore_mem>>
      %dma_start3A = arith.constant 0 : i32
      %dma_start3A_16 = arith.constant 0 : i32
      %dma_start3A_17 = tpu.memref_slice %arg4[%add3A, %dma_start3A, %dma_start3A_16] : memref<32x80x128xi32, #tpu.memory_space<hbm>> -> memref<1x80x128xi32, #tpu.memory_space<hbm>>
      %dma_start3A_18 = tpu.memref_squeeze %dma_start3A_17 : memref<1x80x128xi32, #tpu.memory_space<hbm>> -> memref<80x128xi32, #tpu.memory_space<hbm>>
      %dma_start3A_19 = arith.constant 0 : i32
      %dma_start3A_20 = arith.constant 0 : i32
      %dma_start3A_21 = tpu.memref_slice %arg4[%add3A, %dma_start3A_19, %dma_start3A_20] : memref<32x80x128xi32, #tpu.memory_space<hbm>> -> memref<1x80x128xi32, #tpu.memory_space<hbm>>
      %dma_start3A_22 = tpu.memref_squeeze %dma_start3A_21 : memref<1x80x128xi32, #tpu.memory_space<hbm>> -> memref<80x128xi32, #tpu.memory_space<hbm>>
      tpu.enqueue_dma source(%dma_start3A_22 : memref<80x128xi32, #tpu.memory_space<hbm>>) target(%arg7 : memref<80x128xi32, #tpu.memory_space<vmem>>) target_semaphore(%run_scoped3A : memref<!tpu.dma_semaphore, #tpu.memory_space<semaphore_mem>>)
      %dma_wait3A = arith.constant 0 : i32
      %dma_wait3A_23 = arith.constant 0 : i32
      %dma_wait3A_24 = tpu.memref_slice %arg4[%add3A, %dma_wait3A, %dma_wait3A_23] : memref<32x80x128xi32, #tpu.memory_space<hbm>> -> memref<1x80x128xi32, #tpu.memory_space<hbm>>
      %dma_wait3A_25 = tpu.memref_squeeze %dma_wait3A_24 : memref<1x80x128xi32, #tpu.memory_space<hbm>> -> memref<80x128xi32, #tpu.memory_space<hbm>>
      %dma_wait3A_26 = arith.constant 0 : i32
      %dma_wait3A_27 = arith.constant 0 : i32
      %dma_wait3A_28 = tpu.memref_slice %arg4[%add3A, %dma_wait3A_26, %dma_wait3A_27] : memref<32x80x128xi32, #tpu.memory_space<hbm>> -> memref<1x80x128xi32, #tpu.memory_space<hbm>>
      %dma_wait3A_29 = tpu.memref_squeeze %dma_wait3A_28 : memref<1x80x128xi32, #tpu.memory_space<hbm>> -> memref<80x128xi32, #tpu.memory_space<hbm>>
      tpu.wait_dma2 semaphore(%run_scoped3A : memref<!tpu.dma_semaphore, #tpu.memory_space<semaphore_mem>>) src(%dma_wait3A_29 : memref<80x128xi32, #tpu.memory_space<hbm>>) dst(%arg7 : memref<80x128xi32, #tpu.memory_space<vmem>>)
      tpu.yield
    }) : () -> ()
    %mul3A_1 = arith.constant 640 : i32
    %mul3A_2 = arith.muli %arg1, %mul3A_1 : i32
    %eq3A = arith.constant 0 : i32
    %eq3A_3 = arith.cmpi eq, %arg0, %eq3A : i32
    %convert_element_type3A = arith.extui %eq3A_3 : i1 to i32
    %cond3A = arith.constant 0 : i32
    %cond3A_4 = arith.cmpi ne, %convert_element_type3A, %cond3A : i32
    scf.if %cond3A_4 {
      "tpu.region"() ({
        %run_scoped3A = tpu.sem_alloc : memref<!tpu.dma_semaphore, #tpu.memory_space<semaphore_mem>>
        %dma_start3A = arith.constant 0 : i32
        %dma_start3A_16 = tpu.memref_slice %arg9[%mul3A_2, %dma_start3A] : memref<10240x128xf32, #tpu.memory_space<vmem_shared>> -> memref<640x128xf32, #tpu.memory_space<vmem_shared>>
        %dma_start3A_17 = arith.constant 0 : i32
        %dma_start3A_18 = tpu.memref_slice %arg2[%mul3A_2, %dma_start3A_17] : memref<10240x128xf32, #tpu.memory_space<hbm>> -> memref<640x128xf32, #tpu.memory_space<hbm>>
        tpu.enqueue_dma source(%dma_start3A_18 : memref<640x128xf32, #tpu.memory_space<hbm>>) target(%dma_start3A_16 : memref<640x128xf32, #tpu.memory_space<vmem_shared>>) target_semaphore(%run_scoped3A : memref<!tpu.dma_semaphore, #tpu.memory_space<semaphore_mem>>)
        %dma_wait3A = arith.constant 0 : i32
        %dma_wait3A_19 = tpu.memref_slice %arg9[%mul3A_2, %dma_wait3A] : memref<10240x128xf32, #tpu.memory_space<vmem_shared>> -> memref<640x128xf32, #tpu.memory_space<vmem_shared>>
        %dma_wait3A_20 = arith.constant 0 : i32
        %dma_wait3A_21 = tpu.memref_slice %arg2[%mul3A_2, %dma_wait3A_20] : memref<10240x128xf32, #tpu.memory_space<hbm>> -> memref<640x128xf32, #tpu.memory_space<hbm>>
        tpu.wait_dma2 semaphore(%run_scoped3A : memref<!tpu.dma_semaphore, #tpu.memory_space<semaphore_mem>>) src(%dma_wait3A_21 : memref<640x128xf32, #tpu.memory_space<hbm>>) dst(%dma_wait3A_19 : memref<640x128xf32, #tpu.memory_space<vmem_shared>>)
        tpu.yield
      }) : () -> ()
    } else {
    }
    %ne3A = arith.constant 0 : i32
    %ne3A_5 = arith.cmpi ne, %arg0, %ne3A : i32
    %convert_element_type3A_6 = arith.extui %ne3A_5 : i1 to i32
    %cond3A_7 = arith.constant 0 : i32
    %cond3A_8 = arith.cmpi ne, %convert_element_type3A_6, %cond3A_7 : i32
    scf.if %cond3A_8 {
      %broadcast_in_dim3A = arith.constant 0.000000e+00 : f32
      %broadcast_in_dim3A_16 = vector.broadcast %broadcast_in_dim3A : f32 to vector<16xf32>
      %scan3A_17 = arith.constant 0 : i32
      %scan3A_18 = arith.constant 0 : i32
      %scan3A_19 = arith.constant 128 : i32
      %scan3A_20 = arith.addi %scan3A_18, %scan3A_19 : i32
      %scan3A_21 = arith.constant 1 : i32
      %scan3A_22 = scf.for %scan3A_34 = %scan3A_18 to %scan3A_20 step %scan3A_21 iter_args(%scan3A_35 = %scan3A_17) -> (i32)  : i32 {
        %swap3A = arith.index_cast %scan3A_34 : i32 to index
        %swap3A_36 = arith.constant 0 : index
        %swap3A_37 = tpu.vector_load %arg8[%swap3A, %swap3A_36] {strides = array<i32>} : memref<128x128xf32, #tpu.memory_space<vmem>>, vector<1x16xf32>,
        %swap3A_38 = vector.shape_cast %swap3A_37 : vector<1x16xf32> to vector<16xf32>
        %swap3A_39 = vector.shape_cast %broadcast_in_dim3A_16 : vector<16xf32> to vector<1x16xf32>
        tpu.vector_store %arg8[%swap3A, %swap3A_36], %swap3A_39 {strides = array<i32>} : memref<128x128xf32, #tpu.memory_space<vmem>>, vector<1x16xf32>,
        %swap3A_40 = arith.index_cast %scan3A_34 : i32 to index
        %swap3A_41 = arith.constant 16 : index
        %swap3A_42 = tpu.vector_load %arg8[%swap3A_40, %swap3A_41] {strides = array<i32>} : memref<128x128xf32, #tpu.memory_space<vmem>>, vector<1x16xf32>,
        %swap3A_43 = vector.shape_cast %swap3A_42 : vector<1x16xf32> to vector<16xf32>
        %swap3A_44 = vector.shape_cast %broadcast_in_dim3A_16 : vector<16xf32> to vector<1x16xf32>
        tpu.vector_store %arg8[%swap3A_40, %swap3A_41], %swap3A_44 {strides = array<i32>} : memref<128x128xf32, #tpu.memory_space<vmem>>, vector<1x16xf32>,
        %swap3A_45 = arith.index_cast %scan3A_34 : i32 to index
        %swap3A_46 = arith.constant 32 : index
        %swap3A_47 = tpu.vector_load %arg8[%swap3A_45, %swap3A_46] {strides = array<i32>} : memref<128x128xf32, #tpu.memory_space<vmem>>, vector<1x16xf32>,
        %swap3A_48 = vector.shape_cast %swap3A_47 : vector<1x16xf32> to vector<16xf32>
        %swap3A_49 = vector.shape_cast %broadcast_in_dim3A_16 : vector<16xf32> to vector<1x16xf32>
        tpu.vector_store %arg8[%swap3A_45, %swap3A_46], %swap3A_49 {strides = array<i32>} : memref<128x128xf32, #tpu.memory_space<vmem>>, vector<1x16xf32>,
        %swap3A_50 = arith.index_cast %scan3A_34 : i32 to index
        %swap3A_51 = arith.constant 48 : index
        %swap3A_52 = tpu.vector_load %arg8[%swap3A_50, %swap3A_51] {strides = array<i32>} : memref<128x128xf32, #tpu.memory_space<vmem>>, vector<1x16xf32>,
        %swap3A_53 = vector.shape_cast %swap3A_52 : vector<1x16xf32> to vector<16xf32>
        %swap3A_54 = vector.shape_cast %broadcast_in_dim3A_16 : vector<16xf32> to vector<1x16xf32>
        tpu.vector_store %arg8[%swap3A_50, %swap3A_51], %swap3A_54 {strides = array<i32>} : memref<128x128xf32, #tpu.memory_space<vmem>>, vector<1x16xf32>,
        %swap3A_55 = arith.index_cast %scan3A_34 : i32 to index
        %swap3A_56 = arith.constant 64 : index
        %swap3A_57 = tpu.vector_load %arg8[%swap3A_55, %swap3A_56] {strides = array<i32>} : memref<128x128xf32, #tpu.memory_space<vmem>>, vector<1x16xf32>,
        %swap3A_58 = vector.shape_cast %swap3A_57 : vector<1x16xf32> to vector<16xf32>
        %swap3A_59 = vector.shape_cast %broadcast_in_dim3A_16 : vector<16xf32> to vector<1x16xf32>
        tpu.vector_store %arg8[%swap3A_55, %swap3A_56], %swap3A_59 {strides = array<i32>} : memref<128x128xf32, #tpu.memory_space<vmem>>, vector<1x16xf32>,
        %swap3A_60 = arith.index_cast %scan3A_34 : i32 to index
        %swap3A_61 = arith.constant 80 : index
        %swap3A_62 = tpu.vector_load %arg8[%swap3A_60, %swap3A_61] {strides = array<i32>} : memref<128x128xf32, #tpu.memory_space<vmem>>, vector<1x16xf32>,
        %swap3A_63 = vector.shape_cast %swap3A_62 : vector<1x16xf32> to vector<16xf32>
        %swap3A_64 = vector.shape_cast %broadcast_in_dim3A_16 : vector<16xf32> to vector<1x16xf32>
        tpu.vector_store %arg8[%swap3A_60, %swap3A_61], %swap3A_64 {strides = array<i32>} : memref<128x128xf32, #tpu.memory_space<vmem>>, vector<1x16xf32>,
        %swap3A_65 = arith.index_cast %scan3A_34 : i32 to index
        %swap3A_66 = arith.constant 96 : index
        %swap3A_67 = tpu.vector_load %arg8[%swap3A_65, %swap3A_66] {strides = array<i32>} : memref<128x128xf32, #tpu.memory_space<vmem>>, vector<1x16xf32>,
        %swap3A_68 = vector.shape_cast %swap3A_67 : vector<1x16xf32> to vector<16xf32>
        %swap3A_69 = vector.shape_cast %broadcast_in_dim3A_16 : vector<16xf32> to vector<1x16xf32>
        tpu.vector_store %arg8[%swap3A_65, %swap3A_66], %swap3A_69 {strides = array<i32>} : memref<128x128xf32, #tpu.memory_space<vmem>>, vector<1x16xf32>,
        %swap3A_70 = arith.index_cast %scan3A_34 : i32 to index
        %swap3A_71 = arith.constant 112 : index
        %swap3A_72 = tpu.vector_load %arg8[%swap3A_70, %swap3A_71] {strides = array<i32>} : memref<128x128xf32, #tpu.memory_space<vmem>>, vector<1x16xf32>,
        %swap3A_73 = vector.shape_cast %swap3A_72 : vector<1x16xf32> to vector<16xf32>
        %swap3A_74 = vector.shape_cast %broadcast_in_dim3A_16 : vector<16xf32> to vector<1x16xf32>
        tpu.vector_store %arg8[%swap3A_70, %swap3A_71], %swap3A_74 {strides = array<i32>} : memref<128x128xf32, #tpu.memory_space<vmem>>, vector<1x16xf32>,
        %scan3A_75 = arith.constant 0 : i32
        scf.yield %scan3A_75 : i32
      }
      %scan3A_23 = arith.constant 128 : i32
      %add3A_24 = arith.constant 0 : i32
      %add3A_25 = arith.addi %mul3A_2, %add3A_24 : i32
      "tpu.region"() ({
        %run_scoped3A = tpu.sem_alloc : memref<!tpu.dma_semaphore, #tpu.memory_space<semaphore_mem>>
        %dma_start3A = arith.constant 0 : i32
        %dma_start3A_34 = tpu.memref_slice %arg9[%add3A_25, %dma_start3A] : memref<10240x128xf32, #tpu.memory_space<vmem_shared>> -> memref<128x128xf32, #tpu.memory_space<vmem_shared>>
        %dma_start3A_35 = arith.constant 0 : i32
        %dma_start3A_36 = tpu.memref_slice %arg9[%add3A_25, %dma_start3A_35] : memref<10240x128xf32, #tpu.memory_space<vmem_shared>> -> memref<128x128xf32, #tpu.memory_space<vmem_shared>>
        tpu.enqueue_dma source(%arg8 : memref<128x128xf32, #tpu.memory_space<vmem>>) target(%dma_start3A_36 : memref<128x128xf32, #tpu.memory_space<vmem_shared>>) target_semaphore(%run_scoped3A : memref<!tpu.dma_semaphore, #tpu.memory_space<semaphore_mem>>)
        %dma_wait3A = arith.constant 0 : i32
        %dma_wait3A_37 = tpu.memref_slice %arg9[%add3A_25, %dma_wait3A] : memref<10240x128xf32, #tpu.memory_space<vmem_shared>> -> memref<128x128xf32, #tpu.memory_space<vmem_shared>>
        %dma_wait3A_38 = arith.constant 0 : i32
        %dma_wait3A_39 = tpu.memref_slice %arg9[%add3A_25, %dma_wait3A_38] : memref<10240x128xf32, #tpu.memory_space<vmem_shared>> -> memref<128x128xf32, #tpu.memory_space<vmem_shared>>
        tpu.wait_dma2 semaphore(%run_scoped3A : memref<!tpu.dma_semaphore, #tpu.memory_space<semaphore_mem>>) src(%arg8 : memref<128x128xf32, #tpu.memory_space<vmem>>) dst(%dma_wait3A_39 : memref<128x128xf32, #tpu.memory_space<vmem_shared>>)
        tpu.yield
      }) : () -> ()
      %add3A_26 = arith.constant 128 : i32
      %add3A_27 = arith.addi %mul3A_2, %add3A_26 : i32
      "tpu.region"() ({
        %run_scoped3A = tpu.sem_alloc : memref<!tpu.dma_semaphore, #tpu.memory_space<semaphore_mem>>
        %dma_start3A = arith.constant 0 : i32
        %dma_start3A_34 = tpu.memref_slice %arg9[%add3A_27, %dma_start3A] : memref<10240x128xf32, #tpu.memory_space<vmem_shared>> -> memref<128x128xf32, #tpu.memory_space<vmem_shared>>
        %dma_start3A_35 = arith.constant 0 : i32
        %dma_start3A_36 = tpu.memref_slice %arg9[%add3A_27, %dma_start3A_35] : memref<10240x128xf32, #tpu.memory_space<vmem_shared>> -> memref<128x128xf32, #tpu.memory_space<vmem_shared>>
        tpu.enqueue_dma source(%arg8 : memref<128x128xf32, #tpu.memory_space<vmem>>) target(%dma_start3A_36 : memref<128x128xf32, #tpu.memory_space<vmem_shared>>) target_semaphore(%run_scoped3A : memref<!tpu.dma_semaphore, #tpu.memory_space<semaphore_mem>>)
        %dma_wait3A = arith.constant 0 : i32
        %dma_wait3A_37 = tpu.memref_slice %arg9[%add3A_27, %dma_wait3A] : memref<10240x128xf32, #tpu.memory_space<vmem_shared>> -> memref<128x128xf32, #tpu.memory_space<vmem_shared>>
        %dma_wait3A_38 = arith.constant 0 : i32
        %dma_wait3A_39 = tpu.memref_slice %arg9[%add3A_27, %dma_wait3A_38] : memref<10240x128xf32, #tpu.memory_space<vmem_shared>> -> memref<128x128xf32, #tpu.memory_space<vmem_shared>>
        tpu.wait_dma2 semaphore(%run_scoped3A : memref<!tpu.dma_semaphore, #tpu.memory_space<semaphore_mem>>) src(%arg8 : memref<128x128xf32, #tpu.memory_space<vmem>>) dst(%dma_wait3A_39 : memref<128x128xf32, #tpu.memory_space<vmem_shared>>)
        tpu.yield
      }) : () -> ()
      %add3A_28 = arith.constant 256 : i32
      %add3A_29 = arith.addi %mul3A_2, %add3A_28 : i32
      "tpu.region"() ({
        %run_scoped3A = tpu.sem_alloc : memref<!tpu.dma_semaphore, #tpu.memory_space<semaphore_mem>>
        %dma_start3A = arith.constant 0 : i32
        %dma_start3A_34 = tpu.memref_slice %arg9[%add3A_29, %dma_start3A] : memref<10240x128xf32, #tpu.memory_space<vmem_shared>> -> memref<128x128xf32, #tpu.memory_space<vmem_shared>>
        %dma_start3A_35 = arith.constant 0 : i32
        %dma_start3A_36 = tpu.memref_slice %arg9[%add3A_29, %dma_start3A_35] : memref<10240x128xf32, #tpu.memory_space<vmem_shared>> -> memref<128x128xf32, #tpu.memory_space<vmem_shared>>
        tpu.enqueue_dma source(%arg8 : memref<128x128xf32, #tpu.memory_space<vmem>>) target(%dma_start3A_36 : memref<128x128xf32, #tpu.memory_space<vmem_shared>>) target_semaphore(%run_scoped3A : memref<!tpu.dma_semaphore, #tpu.memory_space<semaphore_mem>>)
        %dma_wait3A = arith.constant 0 : i32
        %dma_wait3A_37 = tpu.memref_slice %arg9[%add3A_29, %dma_wait3A] : memref<10240x128xf32, #tpu.memory_space<vmem_shared>> -> memref<128x128xf32, #tpu.memory_space<vmem_shared>>
        %dma_wait3A_38 = arith.constant 0 : i32
        %dma_wait3A_39 = tpu.memref_slice %arg9[%add3A_29, %dma_wait3A_38] : memref<10240x128xf32, #tpu.memory_space<vmem_shared>> -> memref<128x128xf32, #tpu.memory_space<vmem_shared>>
        tpu.wait_dma2 semaphore(%run_scoped3A : memref<!tpu.dma_semaphore, #tpu.memory_space<semaphore_mem>>) src(%arg8 : memref<128x128xf32, #tpu.memory_space<vmem>>) dst(%dma_wait3A_39 : memref<128x128xf32, #tpu.memory_space<vmem_shared>>)
        tpu.yield
      }) : () -> ()
      %add3A_30 = arith.constant 384 : i32
      %add3A_31 = arith.addi %mul3A_2, %add3A_30 : i32
      "tpu.region"() ({
        %run_scoped3A = tpu.sem_alloc : memref<!tpu.dma_semaphore, #tpu.memory_space<semaphore_mem>>
        %dma_start3A = arith.constant 0 : i32
        %dma_start3A_34 = tpu.memref_slice %arg9[%add3A_31, %dma_start3A] : memref<10240x128xf32, #tpu.memory_space<vmem_shared>> -> memref<128x128xf32, #tpu.memory_space<vmem_shared>>
        %dma_start3A_35 = arith.constant 0 : i32
        %dma_start3A_36 = tpu.memref_slice %arg9[%add3A_31, %dma_start3A_35] : memref<10240x128xf32, #tpu.memory_space<vmem_shared>> -> memref<128x128xf32, #tpu.memory_space<vmem_shared>>
        tpu.enqueue_dma source(%arg8 : memref<128x128xf32, #tpu.memory_space<vmem>>) target(%dma_start3A_36 : memref<128x128xf32, #tpu.memory_space<vmem_shared>>) target_semaphore(%run_scoped3A : memref<!tpu.dma_semaphore, #tpu.memory_space<semaphore_mem>>)
        %dma_wait3A = arith.constant 0 : i32
        %dma_wait3A_37 = tpu.memref_slice %arg9[%add3A_31, %dma_wait3A] : memref<10240x128xf32, #tpu.memory_space<vmem_shared>> -> memref<128x128xf32, #tpu.memory_space<vmem_shared>>
        %dma_wait3A_38 = arith.constant 0 : i32
        %dma_wait3A_39 = tpu.memref_slice %arg9[%add3A_31, %dma_wait3A_38] : memref<10240x128xf32, #tpu.memory_space<vmem_shared>> -> memref<128x128xf32, #tpu.memory_space<vmem_shared>>
        tpu.wait_dma2 semaphore(%run_scoped3A : memref<!tpu.dma_semaphore, #tpu.memory_space<semaphore_mem>>) src(%arg8 : memref<128x128xf32, #tpu.memory_space<vmem>>) dst(%dma_wait3A_39 : memref<128x128xf32, #tpu.memory_space<vmem_shared>>)
        tpu.yield
      }) : () -> ()
      %add3A_32 = arith.constant 512 : i32
      %add3A_33 = arith.addi %mul3A_2, %add3A_32 : i32
      "tpu.region"() ({
        %run_scoped3A = tpu.sem_alloc : memref<!tpu.dma_semaphore, #tpu.memory_space<semaphore_mem>>
        %dma_start3A = arith.constant 0 : i32
        %dma_start3A_34 = tpu.memref_slice %arg9[%add3A_33, %dma_start3A] : memref<10240x128xf32, #tpu.memory_space<vmem_shared>> -> memref<128x128xf32, #tpu.memory_space<vmem_shared>>
        %dma_start3A_35 = arith.constant 0 : i32
        %dma_start3A_36 = tpu.memref_slice %arg9[%add3A_33, %dma_start3A_35] : memref<10240x128xf32, #tpu.memory_space<vmem_shared>> -> memref<128x128xf32, #tpu.memory_space<vmem_shared>>
        tpu.enqueue_dma source(%arg8 : memref<128x128xf32, #tpu.memory_space<vmem>>) target(%dma_start3A_36 : memref<128x128xf32, #tpu.memory_space<vmem_shared>>) target_semaphore(%run_scoped3A : memref<!tpu.dma_semaphore, #tpu.memory_space<semaphore_mem>>)
        %dma_wait3A = arith.constant 0 : i32
        %dma_wait3A_37 = tpu.memref_slice %arg9[%add3A_33, %dma_wait3A] : memref<10240x128xf32, #tpu.memory_space<vmem_shared>> -> memref<128x128xf32, #tpu.memory_space<vmem_shared>>
        %dma_wait3A_38 = arith.constant 0 : i32
        %dma_wait3A_39 = tpu.memref_slice %arg9[%add3A_33, %dma_wait3A_38] : memref<10240x128xf32, #tpu.memory_space<vmem_shared>> -> memref<128x128xf32, #tpu.memory_space<vmem_shared>>
        tpu.wait_dma2 semaphore(%run_scoped3A : memref<!tpu.dma_semaphore, #tpu.memory_space<semaphore_mem>>) src(%arg8 : memref<128x128xf32, #tpu.memory_space<vmem>>) dst(%dma_wait3A_39 : memref<128x128xf32, #tpu.memory_space<vmem_shared>>)
        tpu.yield
      }) : () -> ()
    } else {
    }
    %barrier3A = arith.constant 0 : index
    tpu.barrier barrier_id(%barrier3A)
    %scan3A = arith.constant 0 : i32
    %scan3A_9 = arith.constant 0 : i32
    %scan3A_10 = arith.constant 80 : i32
    %scan3A_11 = arith.addi %scan3A_9, %scan3A_10 : i32
    %scan3A_12 = arith.constant 1 : i32
    %scan3A_13 = scf.for %scan3A_16 = %scan3A_9 to %scan3A_11 step %scan3A_12 iter_args(%scan3A_17 = %scan3A) -> (i32)  : i32 {
      %dma_start3A = arith.constant 0 : i32
      %dma_start3A_18 = tpu.memref_slice %arg6[%scan3A_16, %dma_start3A] : memref<80x128xi32, #tpu.memory_space<vmem>> -> memref<1x128xi32, #tpu.memory_space<vmem>>
      %dma_start3A_19 = tpu.memref_squeeze %dma_start3A_18 : memref<1x128xi32, #tpu.memory_space<vmem>> -> memref<128xi32, #tpu.memory_space<vmem>>
      %dma_start3A_20 = arith.constant 0 : i32
      %dma_start3A_21 = arith.constant 0 : i32
      %dma_start3A_22 = tpu.memref_slice %arg2[%dma_start3A_20, %dma_start3A_21] : memref<10240x128xf32, #tpu.memory_space<hbm>> -> memref<10240x128xf32, #tpu.memory_space<hbm>>
      tpu.enqueue_indirect_dma source(%dma_start3A_22 : memref<10240x128xf32, #tpu.memory_space<hbm>>) target(%arg8 : memref<128x128xf32, #tpu.memory_space<vmem>>) offsets(%dma_start3A_19 : memref<128xi32, #tpu.memory_space<vmem>>) semaphore(%arg10 : memref<!tpu.dma_semaphore, #tpu.memory_space<semaphore_mem>>)
      %dma_wait3A = arith.constant 0 : i32
      %dma_wait3A_23 = tpu.memref_slice %arg6[%scan3A_16, %dma_wait3A] : memref<80x128xi32, #tpu.memory_space<vmem>> -> memref<1x128xi32, #tpu.memory_space<vmem>>
      %dma_wait3A_24 = tpu.memref_squeeze %dma_wait3A_23 : memref<1x128xi32, #tpu.memory_space<vmem>> -> memref<128xi32, #tpu.memory_space<vmem>>
      %dma_wait3A_25 = arith.constant 0 : i32
      %dma_wait3A_26 = arith.constant 0 : i32
      %dma_wait3A_27 = tpu.memref_slice %arg2[%dma_wait3A_25, %dma_wait3A_26] : memref<10240x128xf32, #tpu.memory_space<hbm>> -> memref<10240x128xf32, #tpu.memory_space<hbm>>
      tpu.wait_indirect_dma semaphore(%arg10 : memref<!tpu.dma_semaphore, #tpu.memory_space<semaphore_mem>>) src(%dma_wait3A_27 : memref<10240x128xf32, #tpu.memory_space<hbm>>) dst(%arg8 : memref<128x128xf32, #tpu.memory_space<vmem>>)
      "tpu.region"() ({
        %run_scoped3A = tpu.sem_alloc : memref<!tpu.dma_semaphore, #tpu.memory_space<semaphore_mem>>
        %dma_start3A_29 = arith.constant 0 : i32
        %dma_start3A_30 = tpu.memref_slice %arg7[%scan3A_16, %dma_start3A_29] : memref<80x128xi32, #tpu.memory_space<vmem>> -> memref<1x128xi32, #tpu.memory_space<vmem>>
        %dma_start3A_31 = tpu.memref_squeeze %dma_start3A_30 : memref<1x128xi32, #tpu.memory_space<vmem>> -> memref<128xi32, #tpu.memory_space<vmem>>
        %dma_start3A_32 = arith.constant 0 : i32
        %dma_start3A_33 = arith.constant 0 : i32
        %dma_start3A_34 = tpu.memref_slice %arg9[%dma_start3A_32, %dma_start3A_33] : memref<10240x128xf32, #tpu.memory_space<vmem_shared>> -> memref<10240x128xf32, #tpu.memory_space<vmem_shared>>
        tpu.enqueue_indirect_dma source(%arg8 : memref<128x128xf32, #tpu.memory_space<vmem>>) target(%dma_start3A_34 : memref<10240x128xf32, #tpu.memory_space<vmem_shared>>) offsets(%dma_start3A_31 : memref<128xi32, #tpu.memory_space<vmem>>) semaphore(%run_scoped3A : memref<!tpu.dma_semaphore, #tpu.memory_space<semaphore_mem>>) {add = true}
        %dma_wait3A_35 = arith.constant 0 : i32
        %dma_wait3A_36 = tpu.memref_slice %arg7[%scan3A_16, %dma_wait3A_35] : memref<80x128xi32, #tpu.memory_space<vmem>> -> memref<1x128xi32, #tpu.memory_space<vmem>>
        %dma_wait3A_37 = tpu.memref_squeeze %dma_wait3A_36 : memref<1x128xi32, #tpu.memory_space<vmem>> -> memref<128xi32, #tpu.memory_space<vmem>>
        %dma_wait3A_38 = arith.constant 0 : i32
        %dma_wait3A_39 = arith.constant 0 : i32
        %dma_wait3A_40 = tpu.memref_slice %arg9[%dma_wait3A_38, %dma_wait3A_39] : memref<10240x128xf32, #tpu.memory_space<vmem_shared>> -> memref<10240x128xf32, #tpu.memory_space<vmem_shared>>
        tpu.wait_indirect_dma semaphore(%run_scoped3A : memref<!tpu.dma_semaphore, #tpu.memory_space<semaphore_mem>>) src(%arg8 : memref<128x128xf32, #tpu.memory_space<vmem>>) dst(%dma_wait3A_40 : memref<10240x128xf32, #tpu.memory_space<vmem_shared>>)
        tpu.yield
      }) : () -> ()
      %scan3A_28 = arith.constant 0 : i32
      scf.yield %scan3A_28 : i32
    }
    %scan3A_14 = arith.constant 80 : i32
    %barrier3A_15 = arith.constant 0 : index
    tpu.barrier barrier_id(%barrier3A_15)
    "tpu.region"() ({
      %run_scoped3A = tpu.sem_alloc : memref<!tpu.dma_semaphore, #tpu.memory_space<semaphore_mem>>
      %dma_start3A = arith.constant 0 : i32
      %dma_start3A_16 = tpu.memref_slice %arg5[%arg0, %mul3A_2, %dma_start3A] : memref<2x10240x128xf32, #tpu.memory_space<hbm>> -> memref<1x640x128xf32, #tpu.memory_space<hbm>>
      %dma_start3A_17 = tpu.memref_squeeze %dma_start3A_16 : memref<1x640x128xf32, #tpu.memory_space<hbm>> -> memref<640x128xf32, #tpu.memory_space<hbm>>
      %dma_start3A_18 = arith.constant 0 : i32
      %dma_start3A_19 = tpu.memref_slice %arg9[%mul3A_2, %dma_start3A_18] : memref<10240x128xf32, #tpu.memory_space<vmem_shared>> -> memref<640x128xf32, #tpu.memory_space<vmem_shared>>
      tpu.enqueue_dma source(%dma_start3A_19 : memref<640x128xf32, #tpu.memory_space<vmem_shared>>) target(%dma_start3A_17 : memref<640x128xf32, #tpu.memory_space<hbm>>) target_semaphore(%run_scoped3A : memref<!tpu.dma_semaphore, #tpu.memory_space<semaphore_mem>>)
      %dma_wait3A = arith.constant 0 : i32
      %dma_wait3A_20 = tpu.memref_slice %arg5[%arg0, %mul3A_2, %dma_wait3A] : memref<2x10240x128xf32, #tpu.memory_space<hbm>> -> memref<1x640x128xf32, #tpu.memory_space<hbm>>
      %dma_wait3A_21 = tpu.memref_squeeze %dma_wait3A_20 : memref<1x640x128xf32, #tpu.memory_space<hbm>> -> memref<640x128xf32, #tpu.memory_space<hbm>>
      %dma_wait3A_22 = arith.constant 0 : i32
      %dma_wait3A_23 = tpu.memref_slice %arg9[%mul3A_2, %dma_wait3A_22] : memref<10240x128xf32, #tpu.memory_space<vmem_shared>> -> memref<640x128xf32, #tpu.memory_space<vmem_shared>>
      tpu.wait_dma2 semaphore(%run_scoped3A : memref<!tpu.dma_semaphore, #tpu.memory_space<semaphore_mem>>) src(%dma_wait3A_23 : memref<640x128xf32, #tpu.memory_space<vmem_shared>>) dst(%dma_wait3A_21 : memref<640x128xf32, #tpu.memory_space<hbm>>)
      tpu.yield
    }) : () -> ()
    return
  }
}

#map = affine_map<(d0, d1) -> (0, 0)>
#map1 = affine_map<(d0, d1) -> (0, 0, 0)>
module attributes {stable_mosaic.version = 14 : i64} {
  func.func @k(%arg0: i32, %arg1: i32, %arg2: memref<10240x128xf32, #tpu.memory_space<hbm>>, %arg3: memref<32x80x128xi32, #tpu.memory_space<hbm>>, %arg4: memref<32x80x128xi32, #tpu.memory_space<hbm>>, %arg5: memref<2x10240x128xf32, #tpu.memory_space<hbm>>, %arg6: memref<80x128xi32, #tpu.memory_space<vmem>>, %arg7: memref<80x128xi32, #tpu.memory_space<vmem>>, %arg8: memref<128x128xf32, #tpu.memory_space<vmem>>, %arg9: memref<10240x128xf32, #tpu.memory_space<vmem_shared>>, %arg10: memref<!tpu.dma_semaphore, #tpu.memory_space<semaphore_mem>>) attributes {dimension_semantics = [#tpu.dimension_semantics<core_parallel>, #tpu.dimension_semantics<subcore_parallel>], iteration_bounds = array<i64: 2, 16>, scalar_prefetch = 0 : i64, scratch_operands = 5 : i64, tpu.core_type = #tpu.core_type<sc_vector_subcore>, window_params = [{transform_indices = #map}, {transform_indices = #map1}, {transform_indices = #map1}, {transform_indices = #map1}]} {
    %mul3A = arith.constant 16 : i32
    %mul3A_0 = arith.muli %arg0, %mul3A : i32
    %add3A = arith.addi %mul3A_0, %arg1 : i32
    "tpu.region"() ({
      %run_scoped3A = tpu.sem_alloc : memref<!tpu.dma_semaphore, #tpu.memory_space<semaphore_mem>>
      %dma_start3A = arith.constant 0 : i32
      %dma_start3A_16 = arith.constant 0 : i32
      %dma_start3A_17 = tpu.memref_slice %arg3[%add3A, %dma_start3A, %dma_start3A_16] : memref<32x80x128xi32, #tpu.memory_space<hbm>> -> memref<1x80x128xi32, #tpu.memory_space<hbm>>
      %dma_start3A_18 = tpu.memref_squeeze %dma_start3A_17 : memref<1x80x128xi32, #tpu.memory_space<hbm>> -> memref<80x128xi32, #tpu.memory_space<hbm>>
      %dma_start3A_19 = arith.constant 0 : i32
      %dma_start3A_20 = arith.constant 0 : i32
      %dma_start3A_21 = tpu.memref_slice %arg3[%add3A, %dma_start3A_19, %dma_start3A_20] : memref<32x80x128xi32, #tpu.memory_space<hbm>> -> memref<1x80x128xi32, #tpu.memory_space<hbm>>
      %dma_start3A_22 = tpu.memref_squeeze %dma_start3A_21 : memref<1x80x128xi32, #tpu.memory_space<hbm>> -> memref<80x128xi32, #tpu.memory_space<hbm>>
      tpu.enqueue_dma source(%dma_start3A_22 : memref<80x128xi32, #tpu.memory_space<hbm>>) target(%arg6 : memref<80x128xi32, #tpu.memory_space<vmem>>) target_semaphore(%run_scoped3A : memref<!tpu.dma_semaphore, #tpu.memory_space<semaphore_mem>>)
      %dma_wait3A = arith.constant 0 : i32
      %dma_wait3A_23 = arith.constant 0 : i32
      %dma_wait3A_24 = tpu.memref_slice %arg3[%add3A, %dma_wait3A, %dma_wait3A_23] : memref<32x80x128xi32, #tpu.memory_space<hbm>> -> memref<1x80x128xi32, #tpu.memory_space<hbm>>
      %dma_wait3A_25 = tpu.memref_squeeze %dma_wait3A_24 : memref<1x80x128xi32, #tpu.memory_space<hbm>> -> memref<80x128xi32, #tpu.memory_space<hbm>>
      %dma_wait3A_26 = arith.constant 0 : i32
      %dma_wait3A_27 = arith.constant 0 : i32
      %dma_wait3A_28 = tpu.memref_slice %arg3[%add3A, %dma_wait3A_26, %dma_wait3A_27] : memref<32x80x128xi32, #tpu.memory_space<hbm>> -> memref<1x80x128xi32, #tpu.memory_space<hbm>>
      %dma_wait3A_29 = tpu.memref_squeeze %dma_wait3A_28 : memref<1x80x128xi32, #tpu.memory_space<hbm>> -> memref<80x128xi32, #tpu.memory_space<hbm>>
      tpu.wait_dma2 semaphore(%run_scoped3A : memref<!tpu.dma_semaphore, #tpu.memory_space<semaphore_mem>>) src(%dma_wait3A_29 : memref<80x128xi32, #tpu.memory_space<hbm>>) dst(%arg6 : memref<80x128xi32, #tpu.memory_space<vmem>>)
      tpu.yield
    }) : () -> ()
    "tpu.region"() ({
      %run_scoped3A = tpu.sem_alloc : memref<!tpu.dma_semaphore, #tpu.memory_space<semaphore_mem>>
      %dma_start3A = arith.constant 0 : i32
      %dma_start3A_16 = arith.constant 0 : i32
      %dma_start3A_17 = tpu.memref_slice %arg4[%add3A, %dma_start3A, %dma_start3A_16] : memref<32x80x128xi32, #tpu.memory_space<hbm>> -> memref<1x80x128xi32, #tpu.memory_space<hbm>>
      %dma_start3A_18 = tpu.memref_squeeze %dma_start3A_17 : memref<1x80x128xi32, #tpu.memory_space<hbm>> -> memref<80x128xi32, #tpu.memory_space<hbm>>
      %dma_start3A_19 = arith.constant 0 : i32
      %dma_start3A_20 = arith.constant 0 : i32
      %dma_start3A_21 = tpu.memref_slice %arg4[%add3A, %dma_start3A_19, %dma_start3A_20] : memref<32x80x128xi32, #tpu.memory_space<hbm>> -> memref<1x80x128xi32, #tpu.memory_space<hbm>>
      %dma_start3A_22 = tpu.memref_squeeze %dma_start3A_21 : memref<1x80x128xi32, #tpu.memory_space<hbm>> -> memref<80x128xi32, #tpu.memory_space<hbm>>
      tpu.enqueue_dma source(%dma_start3A_22 : memref<80x128xi32, #tpu.memory_space<hbm>>) target(%arg7 : memref<80x128xi32, #tpu.memory_space<vmem>>) target_semaphore(%run_scoped3A : memref<!tpu.dma_semaphore, #tpu.memory_space<semaphore_mem>>)
      %dma_wait3A = arith.constant 0 : i32
      %dma_wait3A_23 = arith.constant 0 : i32
      %dma_wait3A_24 = tpu.memref_slice %arg4[%add3A, %dma_wait3A, %dma_wait3A_23] : memref<32x80x128xi32, #tpu.memory_space<hbm>> -> memref<1x80x128xi32, #tpu.memory_space<hbm>>
      %dma_wait3A_25 = tpu.memref_squeeze %dma_wait3A_24 : memref<1x80x128xi32, #tpu.memory_space<hbm>> -> memref<80x128xi32, #tpu.memory_space<hbm>>
      %dma_wait3A_26 = arith.constant 0 : i32
      %dma_wait3A_27 = arith.constant 0 : i32
      %dma_wait3A_28 = tpu.memref_slice %arg4[%add3A, %dma_wait3A_26, %dma_wait3A_27] : memref<32x80x128xi32, #tpu.memory_space<hbm>> -> memref<1x80x128xi32, #tpu.memory_space<hbm>>
      %dma_wait3A_29 = tpu.memref_squeeze %dma_wait3A_28 : memref<1x80x128xi32, #tpu.memory_space<hbm>> -> memref<80x128xi32, #tpu.memory_space<hbm>>
      tpu.wait_dma2 semaphore(%run_scoped3A : memref<!tpu.dma_semaphore, #tpu.memory_space<semaphore_mem>>) src(%dma_wait3A_29 : memref<80x128xi32, #tpu.memory_space<hbm>>) dst(%arg7 : memref<80x128xi32, #tpu.memory_space<vmem>>)
      tpu.yield
    }) : () -> ()
    %mul3A_1 = arith.constant 640 : i32
    %mul3A_2 = arith.muli %arg1, %mul3A_1 : i32
    %eq3A = arith.constant 0 : i32
    %eq3A_3 = arith.cmpi eq, %arg0, %eq3A : i32
    %convert_element_type3A = arith.extui %eq3A_3 : i1 to i32
    %cond3A = arith.constant 0 : i32
    %cond3A_4 = arith.cmpi ne, %convert_element_type3A, %cond3A : i32
    scf.if %cond3A_4 {
      "tpu.region"() ({
        %run_scoped3A = tpu.sem_alloc : memref<!tpu.dma_semaphore, #tpu.memory_space<semaphore_mem>>
        %dma_start3A = arith.constant 0 : i32
        %dma_start3A_16 = tpu.memref_slice %arg9[%mul3A_2, %dma_start3A] : memref<10240x128xf32, #tpu.memory_space<vmem_shared>> -> memref<640x128xf32, #tpu.memory_space<vmem_shared>>
        %dma_start3A_17 = arith.constant 0 : i32
        %dma_start3A_18 = tpu.memref_slice %arg2[%mul3A_2, %dma_start3A_17] : memref<10240x128xf32, #tpu.memory_space<hbm>> -> memref<640x128xf32, #tpu.memory_space<hbm>>
        tpu.enqueue_dma source(%dma_start3A_18 : memref<640x128xf32, #tpu.memory_space<hbm>>) target(%dma_start3A_16 : memref<640x128xf32, #tpu.memory_space<vmem_shared>>) target_semaphore(%run_scoped3A : memref<!tpu.dma_semaphore, #tpu.memory_space<semaphore_mem>>)
        %dma_wait3A = arith.constant 0 : i32
        %dma_wait3A_19 = tpu.memref_slice %arg9[%mul3A_2, %dma_wait3A] : memref<10240x128xf32, #tpu.memory_space<vmem_shared>> -> memref<640x128xf32, #tpu.memory_space<vmem_shared>>
        %dma_wait3A_20 = arith.constant 0 : i32
        %dma_wait3A_21 = tpu.memref_slice %arg2[%mul3A_2, %dma_wait3A_20] : memref<10240x128xf32, #tpu.memory_space<hbm>> -> memref<640x128xf32, #tpu.memory_space<hbm>>
        tpu.wait_dma2 semaphore(%run_scoped3A : memref<!tpu.dma_semaphore, #tpu.memory_space<semaphore_mem>>) src(%dma_wait3A_21 : memref<640x128xf32, #tpu.memory_space<hbm>>) dst(%dma_wait3A_19 : memref<640x128xf32, #tpu.memory_space<vmem_shared>>)
        tpu.yield
      }) : () -> ()
    } else {
    }
    %ne3A = arith.constant 0 : i32
    %ne3A_5 = arith.cmpi ne, %arg0, %ne3A : i32
    %convert_element_type3A_6 = arith.extui %ne3A_5 : i1 to i32
    %cond3A_7 = arith.constant 0 : i32
    %cond3A_8 = arith.cmpi ne, %convert_element_type3A_6, %cond3A_7 : i32
    scf.if %cond3A_8 {
      %broadcast_in_dim3A = arith.constant 0.000000e+00 : f32
      %broadcast_in_dim3A_16 = vector.broadcast %broadcast_in_dim3A : f32 to vector<16xf32>
      %scan3A_17 = arith.constant 0 : i32
      %scan3A_18 = arith.constant 0 : i32
      %scan3A_19 = arith.constant 128 : i32
      %scan3A_20 = arith.addi %scan3A_18, %scan3A_19 : i32
      %scan3A_21 = arith.constant 1 : i32
      %scan3A_22 = scf.for %scan3A_34 = %scan3A_18 to %scan3A_20 step %scan3A_21 iter_args(%scan3A_35 = %scan3A_17) -> (i32)  : i32 {
        %swap3A = arith.index_cast %scan3A_34 : i32 to index
        %swap3A_36 = arith.constant 0 : index
        %swap3A_37 = tpu.vector_load %arg8[%swap3A, %swap3A_36] {strides = array<i32>} : memref<128x128xf32, #tpu.memory_space<vmem>>, vector<1x16xf32>,
        %swap3A_38 = vector.shape_cast %swap3A_37 : vector<1x16xf32> to vector<16xf32>
        %swap3A_39 = vector.shape_cast %broadcast_in_dim3A_16 : vector<16xf32> to vector<1x16xf32>
        tpu.vector_store %arg8[%swap3A, %swap3A_36], %swap3A_39 {strides = array<i32>} : memref<128x128xf32, #tpu.memory_space<vmem>>, vector<1x16xf32>,
        %swap3A_40 = arith.index_cast %scan3A_34 : i32 to index
        %swap3A_41 = arith.constant 16 : index
        %swap3A_42 = tpu.vector_load %arg8[%swap3A_40, %swap3A_41] {strides = array<i32>} : memref<128x128xf32, #tpu.memory_space<vmem>>, vector<1x16xf32>,
        %swap3A_43 = vector.shape_cast %swap3A_42 : vector<1x16xf32> to vector<16xf32>
        %swap3A_44 = vector.shape_cast %broadcast_in_dim3A_16 : vector<16xf32> to vector<1x16xf32>
        tpu.vector_store %arg8[%swap3A_40, %swap3A_41], %swap3A_44 {strides = array<i32>} : memref<128x128xf32, #tpu.memory_space<vmem>>, vector<1x16xf32>,
        %swap3A_45 = arith.index_cast %scan3A_34 : i32 to index
        %swap3A_46 = arith.constant 32 : index
        %swap3A_47 = tpu.vector_load %arg8[%swap3A_45, %swap3A_46] {strides = array<i32>} : memref<128x128xf32, #tpu.memory_space<vmem>>, vector<1x16xf32>,
        %swap3A_48 = vector.shape_cast %swap3A_47 : vector<1x16xf32> to vector<16xf32>
        %swap3A_49 = vector.shape_cast %broadcast_in_dim3A_16 : vector<16xf32> to vector<1x16xf32>
        tpu.vector_store %arg8[%swap3A_45, %swap3A_46], %swap3A_49 {strides = array<i32>} : memref<128x128xf32, #tpu.memory_space<vmem>>, vector<1x16xf32>,
        %swap3A_50 = arith.index_cast %scan3A_34 : i32 to index
        %swap3A_51 = arith.constant 48 : index
        %swap3A_52 = tpu.vector_load %arg8[%swap3A_50, %swap3A_51] {strides = array<i32>} : memref<128x128xf32, #tpu.memory_space<vmem>>, vector<1x16xf32>,
        %swap3A_53 = vector.shape_cast %swap3A_52 : vector<1x16xf32> to vector<16xf32>
        %swap3A_54 = vector.shape_cast %broadcast_in_dim3A_16 : vector<16xf32> to vector<1x16xf32>
        tpu.vector_store %arg8[%swap3A_50, %swap3A_51], %swap3A_54 {strides = array<i32>} : memref<128x128xf32, #tpu.memory_space<vmem>>, vector<1x16xf32>,
        %swap3A_55 = arith.index_cast %scan3A_34 : i32 to index
        %swap3A_56 = arith.constant 64 : index
        %swap3A_57 = tpu.vector_load %arg8[%swap3A_55, %swap3A_56] {strides = array<i32>} : memref<128x128xf32, #tpu.memory_space<vmem>>, vector<1x16xf32>,
        %swap3A_58 = vector.shape_cast %swap3A_57 : vector<1x16xf32> to vector<16xf32>
        %swap3A_59 = vector.shape_cast %broadcast_in_dim3A_16 : vector<16xf32> to vector<1x16xf32>
        tpu.vector_store %arg8[%swap3A_55, %swap3A_56], %swap3A_59 {strides = array<i32>} : memref<128x128xf32, #tpu.memory_space<vmem>>, vector<1x16xf32>,
        %swap3A_60 = arith.index_cast %scan3A_34 : i32 to index
        %swap3A_61 = arith.constant 80 : index
        %swap3A_62 = tpu.vector_load %arg8[%swap3A_60, %swap3A_61] {strides = array<i32>} : memref<128x128xf32, #tpu.memory_space<vmem>>, vector<1x16xf32>,
        %swap3A_63 = vector.shape_cast %swap3A_62 : vector<1x16xf32> to vector<16xf32>
        %swap3A_64 = vector.shape_cast %broadcast_in_dim3A_16 : vector<16xf32> to vector<1x16xf32>
        tpu.vector_store %arg8[%swap3A_60, %swap3A_61], %swap3A_64 {strides = array<i32>} : memref<128x128xf32, #tpu.memory_space<vmem>>, vector<1x16xf32>,
        %swap3A_65 = arith.index_cast %scan3A_34 : i32 to index
        %swap3A_66 = arith.constant 96 : index
        %swap3A_67 = tpu.vector_load %arg8[%swap3A_65, %swap3A_66] {strides = array<i32>} : memref<128x128xf32, #tpu.memory_space<vmem>>, vector<1x16xf32>,
        %swap3A_68 = vector.shape_cast %swap3A_67 : vector<1x16xf32> to vector<16xf32>
        %swap3A_69 = vector.shape_cast %broadcast_in_dim3A_16 : vector<16xf32> to vector<1x16xf32>
        tpu.vector_store %arg8[%swap3A_65, %swap3A_66], %swap3A_69 {strides = array<i32>} : memref<128x128xf32, #tpu.memory_space<vmem>>, vector<1x16xf32>,
        %swap3A_70 = arith.index_cast %scan3A_34 : i32 to index
        %swap3A_71 = arith.constant 112 : index
        %swap3A_72 = tpu.vector_load %arg8[%swap3A_70, %swap3A_71] {strides = array<i32>} : memref<128x128xf32, #tpu.memory_space<vmem>>, vector<1x16xf32>,
        %swap3A_73 = vector.shape_cast %swap3A_72 : vector<1x16xf32> to vector<16xf32>
        %swap3A_74 = vector.shape_cast %broadcast_in_dim3A_16 : vector<16xf32> to vector<1x16xf32>
        tpu.vector_store %arg8[%swap3A_70, %swap3A_71], %swap3A_74 {strides = array<i32>} : memref<128x128xf32, #tpu.memory_space<vmem>>, vector<1x16xf32>,
        %scan3A_75 = arith.constant 0 : i32
        scf.yield %scan3A_75 : i32
      }
      %scan3A_23 = arith.constant 128 : i32
      %add3A_24 = arith.constant 0 : i32
      %add3A_25 = arith.addi %mul3A_2, %add3A_24 : i32
      "tpu.region"() ({
        %run_scoped3A = tpu.sem_alloc : memref<!tpu.dma_semaphore, #tpu.memory_space<semaphore_mem>>
        %dma_start3A = arith.constant 0 : i32
        %dma_start3A_34 = tpu.memref_slice %arg9[%add3A_25, %dma_start3A] : memref<10240x128xf32, #tpu.memory_space<vmem_shared>> -> memref<128x128xf32, #tpu.memory_space<vmem_shared>>
        %dma_start3A_35 = arith.constant 0 : i32
        %dma_start3A_36 = tpu.memref_slice %arg9[%add3A_25, %dma_start3A_35] : memref<10240x128xf32, #tpu.memory_space<vmem_shared>> -> memref<128x128xf32, #tpu.memory_space<vmem_shared>>
        tpu.enqueue_dma source(%arg8 : memref<128x128xf32, #tpu.memory_space<vmem>>) target(%dma_start3A_36 : memref<128x128xf32, #tpu.memory_space<vmem_shared>>) target_semaphore(%run_scoped3A : memref<!tpu.dma_semaphore, #tpu.memory_space<semaphore_mem>>)
        %dma_wait3A = arith.constant 0 : i32
        %dma_wait3A_37 = tpu.memref_slice %arg9[%add3A_25, %dma_wait3A] : memref<10240x128xf32, #tpu.memory_space<vmem_shared>> -> memref<128x128xf32, #tpu.memory_space<vmem_shared>>
        %dma_wait3A_38 = arith.constant 0 : i32
        %dma_wait3A_39 = tpu.memref_slice %arg9[%add3A_25, %dma_wait3A_38] : memref<10240x128xf32, #tpu.memory_space<vmem_shared>> -> memref<128x128xf32, #tpu.memory_space<vmem_shared>>
        tpu.wait_dma2 semaphore(%run_scoped3A : memref<!tpu.dma_semaphore, #tpu.memory_space<semaphore_mem>>) src(%arg8 : memref<128x128xf32, #tpu.memory_space<vmem>>) dst(%dma_wait3A_39 : memref<128x128xf32, #tpu.memory_space<vmem_shared>>)
        tpu.yield
      }) : () -> ()
      %add3A_26 = arith.constant 128 : i32
      %add3A_27 = arith.addi %mul3A_2, %add3A_26 : i32
      "tpu.region"() ({
        %run_scoped3A = tpu.sem_alloc : memref<!tpu.dma_semaphore, #tpu.memory_space<semaphore_mem>>
        %dma_start3A = arith.constant 0 : i32
        %dma_start3A_34 = tpu.memref_slice %arg9[%add3A_27, %dma_start3A] : memref<10240x128xf32, #tpu.memory_space<vmem_shared>> -> memref<128x128xf32, #tpu.memory_space<vmem_shared>>
        %dma_start3A_35 = arith.constant 0 : i32
        %dma_start3A_36 = tpu.memref_slice %arg9[%add3A_27, %dma_start3A_35] : memref<10240x128xf32, #tpu.memory_space<vmem_shared>> -> memref<128x128xf32, #tpu.memory_space<vmem_shared>>
        tpu.enqueue_dma source(%arg8 : memref<128x128xf32, #tpu.memory_space<vmem>>) target(%dma_start3A_36 : memref<128x128xf32, #tpu.memory_space<vmem_shared>>) target_semaphore(%run_scoped3A : memref<!tpu.dma_semaphore, #tpu.memory_space<semaphore_mem>>)
        %dma_wait3A = arith.constant 0 : i32
        %dma_wait3A_37 = tpu.memref_slice %arg9[%add3A_27, %dma_wait3A] : memref<10240x128xf32, #tpu.memory_space<vmem_shared>> -> memref<128x128xf32, #tpu.memory_space<vmem_shared>>
        %dma_wait3A_38 = arith.constant 0 : i32
        %dma_wait3A_39 = tpu.memref_slice %arg9[%add3A_27, %dma_wait3A_38] : memref<10240x128xf32, #tpu.memory_space<vmem_shared>> -> memref<128x128xf32, #tpu.memory_space<vmem_shared>>
        tpu.wait_dma2 semaphore(%run_scoped3A : memref<!tpu.dma_semaphore, #tpu.memory_space<semaphore_mem>>) src(%arg8 : memref<128x128xf32, #tpu.memory_space<vmem>>) dst(%dma_wait3A_39 : memref<128x128xf32, #tpu.memory_space<vmem_shared>>)
        tpu.yield
      }) : () -> ()
      %add3A_28 = arith.constant 256 : i32
      %add3A_29 = arith.addi %mul3A_2, %add3A_28 : i32
      "tpu.region"() ({
        %run_scoped3A = tpu.sem_alloc : memref<!tpu.dma_semaphore, #tpu.memory_space<semaphore_mem>>
        %dma_start3A = arith.constant 0 : i32
        %dma_start3A_34 = tpu.memref_slice %arg9[%add3A_29, %dma_start3A] : memref<10240x128xf32, #tpu.memory_space<vmem_shared>> -> memref<128x128xf32, #tpu.memory_space<vmem_shared>>
        %dma_start3A_35 = arith.constant 0 : i32
        %dma_start3A_36 = tpu.memref_slice %arg9[%add3A_29, %dma_start3A_35] : memref<10240x128xf32, #tpu.memory_space<vmem_shared>> -> memref<128x128xf32, #tpu.memory_space<vmem_shared>>
        tpu.enqueue_dma source(%arg8 : memref<128x128xf32, #tpu.memory_space<vmem>>) target(%dma_start3A_36 : memref<128x128xf32, #tpu.memory_space<vmem_shared>>) target_semaphore(%run_scoped3A : memref<!tpu.dma_semaphore, #tpu.memory_space<semaphore_mem>>)
        %dma_wait3A = arith.constant 0 : i32
        %dma_wait3A_37 = tpu.memref_slice %arg9[%add3A_29, %dma_wait3A] : memref<10240x128xf32, #tpu.memory_space<vmem_shared>> -> memref<128x128xf32, #tpu.memory_space<vmem_shared>>
        %dma_wait3A_38 = arith.constant 0 : i32
        %dma_wait3A_39 = tpu.memref_slice %arg9[%add3A_29, %dma_wait3A_38] : memref<10240x128xf32, #tpu.memory_space<vmem_shared>> -> memref<128x128xf32, #tpu.memory_space<vmem_shared>>
        tpu.wait_dma2 semaphore(%run_scoped3A : memref<!tpu.dma_semaphore, #tpu.memory_space<semaphore_mem>>) src(%arg8 : memref<128x128xf32, #tpu.memory_space<vmem>>) dst(%dma_wait3A_39 : memref<128x128xf32, #tpu.memory_space<vmem_shared>>)
        tpu.yield
      }) : () -> ()
      %add3A_30 = arith.constant 384 : i32
      %add3A_31 = arith.addi %mul3A_2, %add3A_30 : i32
      "tpu.region"() ({
        %run_scoped3A = tpu.sem_alloc : memref<!tpu.dma_semaphore, #tpu.memory_space<semaphore_mem>>
        %dma_start3A = arith.constant 0 : i32
        %dma_start3A_34 = tpu.memref_slice %arg9[%add3A_31, %dma_start3A] : memref<10240x128xf32, #tpu.memory_space<vmem_shared>> -> memref<128x128xf32, #tpu.memory_space<vmem_shared>>
        %dma_start3A_35 = arith.constant 0 : i32
        %dma_start3A_36 = tpu.memref_slice %arg9[%add3A_31, %dma_start3A_35] : memref<10240x128xf32, #tpu.memory_space<vmem_shared>> -> memref<128x128xf32, #tpu.memory_space<vmem_shared>>
        tpu.enqueue_dma source(%arg8 : memref<128x128xf32, #tpu.memory_space<vmem>>) target(%dma_start3A_36 : memref<128x128xf32, #tpu.memory_space<vmem_shared>>) target_semaphore(%run_scoped3A : memref<!tpu.dma_semaphore, #tpu.memory_space<semaphore_mem>>)
        %dma_wait3A = arith.constant 0 : i32
        %dma_wait3A_37 = tpu.memref_slice %arg9[%add3A_31, %dma_wait3A] : memref<10240x128xf32, #tpu.memory_space<vmem_shared>> -> memref<128x128xf32, #tpu.memory_space<vmem_shared>>
        %dma_wait3A_38 = arith.constant 0 : i32
        %dma_wait3A_39 = tpu.memref_slice %arg9[%add3A_31, %dma_wait3A_38] : memref<10240x128xf32, #tpu.memory_space<vmem_shared>> -> memref<128x128xf32, #tpu.memory_space<vmem_shared>>
        tpu.wait_dma2 semaphore(%run_scoped3A : memref<!tpu.dma_semaphore, #tpu.memory_space<semaphore_mem>>) src(%arg8 : memref<128x128xf32, #tpu.memory_space<vmem>>) dst(%dma_wait3A_39 : memref<128x128xf32, #tpu.memory_space<vmem_shared>>)
        tpu.yield
      }) : () -> ()
      %add3A_32 = arith.constant 512 : i32
      %add3A_33 = arith.addi %mul3A_2, %add3A_32 : i32
      "tpu.region"() ({
        %run_scoped3A = tpu.sem_alloc : memref<!tpu.dma_semaphore, #tpu.memory_space<semaphore_mem>>
        %dma_start3A = arith.constant 0 : i32
        %dma_start3A_34 = tpu.memref_slice %arg9[%add3A_33, %dma_start3A] : memref<10240x128xf32, #tpu.memory_space<vmem_shared>> -> memref<128x128xf32, #tpu.memory_space<vmem_shared>>
        %dma_start3A_35 = arith.constant 0 : i32
        %dma_start3A_36 = tpu.memref_slice %arg9[%add3A_33, %dma_start3A_35] : memref<10240x128xf32, #tpu.memory_space<vmem_shared>> -> memref<128x128xf32, #tpu.memory_space<vmem_shared>>
        tpu.enqueue_dma source(%arg8 : memref<128x128xf32, #tpu.memory_space<vmem>>) target(%dma_start3A_36 : memref<128x128xf32, #tpu.memory_space<vmem_shared>>) target_semaphore(%run_scoped3A : memref<!tpu.dma_semaphore, #tpu.memory_space<semaphore_mem>>)
        %dma_wait3A = arith.constant 0 : i32
        %dma_wait3A_37 = tpu.memref_slice %arg9[%add3A_33, %dma_wait3A] : memref<10240x128xf32, #tpu.memory_space<vmem_shared>> -> memref<128x128xf32, #tpu.memory_space<vmem_shared>>
        %dma_wait3A_38 = arith.constant 0 : i32
        %dma_wait3A_39 = tpu.memref_slice %arg9[%add3A_33, %dma_wait3A_38] : memref<10240x128xf32, #tpu.memory_space<vmem_shared>> -> memref<128x128xf32, #tpu.memory_space<vmem_shared>>
        tpu.wait_dma2 semaphore(%run_scoped3A : memref<!tpu.dma_semaphore, #tpu.memory_space<semaphore_mem>>) src(%arg8 : memref<128x128xf32, #tpu.memory_space<vmem>>) dst(%dma_wait3A_39 : memref<128x128xf32, #tpu.memory_space<vmem_shared>>)
        tpu.yield
      }) : () -> ()
    } else {
    }
    %barrier3A = arith.constant 0 : index
    tpu.barrier barrier_id(%barrier3A)
    %scan3A = arith.constant 0 : i32
    %scan3A_9 = arith.constant 0 : i32
    %scan3A_10 = arith.constant 80 : i32
    %scan3A_11 = arith.addi %scan3A_9, %scan3A_10 : i32
    %scan3A_12 = arith.constant 1 : i32
    %scan3A_13 = scf.for %scan3A_16 = %scan3A_9 to %scan3A_11 step %scan3A_12 iter_args(%scan3A_17 = %scan3A) -> (i32)  : i32 {
      %dma_start3A = arith.constant 0 : i32
      %dma_start3A_18 = tpu.memref_slice %arg6[%scan3A_16, %dma_start3A] : memref<80x128xi32, #tpu.memory_space<vmem>> -> memref<1x128xi32, #tpu.memory_space<vmem>>
      %dma_start3A_19 = tpu.memref_squeeze %dma_start3A_18 : memref<1x128xi32, #tpu.memory_space<vmem>> -> memref<128xi32, #tpu.memory_space<vmem>>
      %dma_start3A_20 = arith.constant 0 : i32
      %dma_start3A_21 = arith.constant 0 : i32
      %dma_start3A_22 = tpu.memref_slice %arg2[%dma_start3A_20, %dma_start3A_21] : memref<10240x128xf32, #tpu.memory_space<hbm>> -> memref<10240x128xf32, #tpu.memory_space<hbm>>
      tpu.enqueue_indirect_dma source(%dma_start3A_22 : memref<10240x128xf32, #tpu.memory_space<hbm>>) target(%arg8 : memref<128x128xf32, #tpu.memory_space<vmem>>) offsets(%dma_start3A_19 : memref<128xi32, #tpu.memory_space<vmem>>) semaphore(%arg10 : memref<!tpu.dma_semaphore, #tpu.memory_space<semaphore_mem>>)
      %dma_wait3A = arith.constant 0 : i32
      %dma_wait3A_23 = tpu.memref_slice %arg6[%scan3A_16, %dma_wait3A] : memref<80x128xi32, #tpu.memory_space<vmem>> -> memref<1x128xi32, #tpu.memory_space<vmem>>
      %dma_wait3A_24 = tpu.memref_squeeze %dma_wait3A_23 : memref<1x128xi32, #tpu.memory_space<vmem>> -> memref<128xi32, #tpu.memory_space<vmem>>
      %dma_wait3A_25 = arith.constant 0 : i32
      %dma_wait3A_26 = arith.constant 0 : i32
      %dma_wait3A_27 = tpu.memref_slice %arg2[%dma_wait3A_25, %dma_wait3A_26] : memref<10240x128xf32, #tpu.memory_space<hbm>> -> memref<10240x128xf32, #tpu.memory_space<hbm>>
      tpu.wait_indirect_dma semaphore(%arg10 : memref<!tpu.dma_semaphore, #tpu.memory_space<semaphore_mem>>) src(%dma_wait3A_27 : memref<10240x128xf32, #tpu.memory_space<hbm>>) dst(%arg8 : memref<128x128xf32, #tpu.memory_space<vmem>>)
      "tpu.region"() ({
        %run_scoped3A = tpu.sem_alloc : memref<!tpu.dma_semaphore, #tpu.memory_space<semaphore_mem>>
        %dma_start3A_29 = arith.constant 0 : i32
        %dma_start3A_30 = tpu.memref_slice %arg7[%scan3A_16, %dma_start3A_29] : memref<80x128xi32, #tpu.memory_space<vmem>> -> memref<1x128xi32, #tpu.memory_space<vmem>>
        %dma_start3A_31 = tpu.memref_squeeze %dma_start3A_30 : memref<1x128xi32, #tpu.memory_space<vmem>> -> memref<128xi32, #tpu.memory_space<vmem>>
        %dma_start3A_32 = arith.constant 0 : i32
        %dma_start3A_33 = arith.constant 0 : i32
        %dma_start3A_34 = tpu.memref_slice %arg9[%dma_start3A_32, %dma_start3A_33] : memref<10240x128xf32, #tpu.memory_space<vmem_shared>> -> memref<10240x128xf32, #tpu.memory_space<vmem_shared>>
        tpu.enqueue_indirect_dma source(%arg8 : memref<128x128xf32, #tpu.memory_space<vmem>>) target(%dma_start3A_34 : memref<10240x128xf32, #tpu.memory_space<vmem_shared>>) offsets(%dma_start3A_31 : memref<128xi32, #tpu.memory_space<vmem>>) semaphore(%run_scoped3A : memref<!tpu.dma_semaphore, #tpu.memory_space<semaphore_mem>>) {add = true}
        %dma_wait3A_35 = arith.constant 0 : i32
        %dma_wait3A_36 = tpu.memref_slice %arg7[%scan3A_16, %dma_wait3A_35] : memref<80x128xi32, #tpu.memory_space<vmem>> -> memref<1x128xi32, #tpu.memory_space<vmem>>
        %dma_wait3A_37 = tpu.memref_squeeze %dma_wait3A_36 : memref<1x128xi32, #tpu.memory_space<vmem>> -> memref<128xi32, #tpu.memory_space<vmem>>
        %dma_wait3A_38 = arith.constant 0 : i32
        %dma_wait3A_39 = arith.constant 0 : i32
        %dma_wait3A_40 = tpu.memref_slice %arg9[%dma_wait3A_38, %dma_wait3A_39] : memref<10240x128xf32, #tpu.memory_space<vmem_shared>> -> memref<10240x128xf32, #tpu.memory_space<vmem_shared>>
        tpu.wait_indirect_dma semaphore(%run_scoped3A : memref<!tpu.dma_semaphore, #tpu.memory_space<semaphore_mem>>) src(%arg8 : memref<128x128xf32, #tpu.memory_space<vmem>>) dst(%dma_wait3A_40 : memref<10240x128xf32, #tpu.memory_space<vmem_shared>>)
        tpu.yield
      }) : () -> ()
      %scan3A_28 = arith.constant 0 : i32
      scf.yield %scan3A_28 : i32
    }
    %scan3A_14 = arith.constant 80 : i32
    %barrier3A_15 = arith.constant 0 : index
    tpu.barrier barrier_id(%barrier3A_15)
    "tpu.region"() ({
      %run_scoped3A = tpu.sem_alloc : memref<!tpu.dma_semaphore, #tpu.memory_space<semaphore_mem>>
      %dma_start3A = arith.constant 0 : i32
      %dma_start3A_16 = tpu.memref_slice %arg5[%arg0, %mul3A_2, %dma_start3A] : memref<2x10240x128xf32, #tpu.memory_space<hbm>> -> memref<1x640x128xf32, #tpu.memory_space<hbm>>
      %dma_start3A_17 = tpu.memref_squeeze %dma_start3A_16 : memref<1x640x128xf32, #tpu.memory_space<hbm>> -> memref<640x128xf32, #tpu.memory_space<hbm>>
      %dma_start3A_18 = arith.constant 0 : i32
      %dma_start3A_19 = tpu.memref_slice %arg9[%mul3A_2, %dma_start3A_18] : memref<10240x128xf32, #tpu.memory_space<vmem_shared>> -> memref<640x128xf32, #tpu.memory_space<vmem_shared>>
      tpu.enqueue_dma source(%dma_start3A_19 : memref<640x128xf32, #tpu.memory_space<vmem_shared>>) target(%dma_start3A_17 : memref<640x128xf32, #tpu.memory_space<hbm>>) target_semaphore(%run_scoped3A : memref<!tpu.dma_semaphore, #tpu.memory_space<semaphore_mem>>)
      %dma_wait3A = arith.constant 0 : i32
      %dma_wait3A_20 = tpu.memref_slice %arg5[%arg0, %mul3A_2, %dma_wait3A] : memref<2x10240x128xf32, #tpu.memory_space<hbm>> -> memref<1x640x128xf32, #tpu.memory_space<hbm>>
      %dma_wait3A_21 = tpu.memref_squeeze %dma_wait3A_20 : memref<1x640x128xf32, #tpu.memory_space<hbm>> -> memref<640x128xf32, #tpu.memory_space<hbm>>
      %dma_wait3A_22 = arith.constant 0 : i32
      %dma_wait3A_23 = tpu.memref_slice %arg9[%mul3A_2, %dma_wait3A_22] : memref<10240x128xf32, #tpu.memory_space<vmem_shared>> -> memref<640x128xf32, #tpu.memory_space<vmem_shared>>
      tpu.wait_dma2 semaphore(%run_scoped3A : memref<!tpu.dma_semaphore, #tpu.memory_space<semaphore_mem>>) src(%dma_wait3A_23 : memref<640x128xf32, #tpu.memory_space<vmem_shared>>) dst(%dma_wait3A_21 : memref<640x128xf32, #tpu.memory_space<hbm>>)
      tpu.yield
    }) : () -> ()
    return
  }
}

#map = affine_map<(d0, d1) -> (0, 0)>
#map1 = affine_map<(d0, d1) -> (0, 0, 0)>
module attributes {stable_mosaic.version = 14 : i64} {
  func.func @k(%arg0: i32, %arg1: i32, %arg2: memref<10240x128xf32, #tpu.memory_space<hbm>>, %arg3: memref<32x80x128xi32, #tpu.memory_space<hbm>>, %arg4: memref<32x80x128xi32, #tpu.memory_space<hbm>>, %arg5: memref<2x10240x128xf32, #tpu.memory_space<hbm>>, %arg6: memref<80x128xi32, #tpu.memory_space<vmem>>, %arg7: memref<80x128xi32, #tpu.memory_space<vmem>>, %arg8: memref<128x128xf32, #tpu.memory_space<vmem>>, %arg9: memref<10240x128xf32, #tpu.memory_space<vmem_shared>>, %arg10: memref<!tpu.dma_semaphore, #tpu.memory_space<semaphore_mem>>) attributes {dimension_semantics = [#tpu.dimension_semantics<core_parallel>, #tpu.dimension_semantics<subcore_parallel>], iteration_bounds = array<i64: 2, 16>, scalar_prefetch = 0 : i64, scratch_operands = 5 : i64, tpu.core_type = #tpu.core_type<sc_vector_subcore>, window_params = [{transform_indices = #map}, {transform_indices = #map1}, {transform_indices = #map1}, {transform_indices = #map1}]} {
    %mul3A = arith.constant 16 : i32
    %mul3A_0 = arith.muli %arg0, %mul3A : i32
    %add3A = arith.addi %mul3A_0, %arg1 : i32
    "tpu.region"() ({
      %run_scoped3A = tpu.sem_alloc : memref<!tpu.dma_semaphore, #tpu.memory_space<semaphore_mem>>
      %dma_start3A = arith.constant 0 : i32
      %dma_start3A_16 = arith.constant 0 : i32
      %dma_start3A_17 = tpu.memref_slice %arg3[%add3A, %dma_start3A, %dma_start3A_16] : memref<32x80x128xi32, #tpu.memory_space<hbm>> -> memref<1x80x128xi32, #tpu.memory_space<hbm>>
      %dma_start3A_18 = tpu.memref_squeeze %dma_start3A_17 : memref<1x80x128xi32, #tpu.memory_space<hbm>> -> memref<80x128xi32, #tpu.memory_space<hbm>>
      %dma_start3A_19 = arith.constant 0 : i32
      %dma_start3A_20 = arith.constant 0 : i32
      %dma_start3A_21 = tpu.memref_slice %arg3[%add3A, %dma_start3A_19, %dma_start3A_20] : memref<32x80x128xi32, #tpu.memory_space<hbm>> -> memref<1x80x128xi32, #tpu.memory_space<hbm>>
      %dma_start3A_22 = tpu.memref_squeeze %dma_start3A_21 : memref<1x80x128xi32, #tpu.memory_space<hbm>> -> memref<80x128xi32, #tpu.memory_space<hbm>>
      tpu.enqueue_dma source(%dma_start3A_22 : memref<80x128xi32, #tpu.memory_space<hbm>>) target(%arg6 : memref<80x128xi32, #tpu.memory_space<vmem>>) target_semaphore(%run_scoped3A : memref<!tpu.dma_semaphore, #tpu.memory_space<semaphore_mem>>)
      %dma_wait3A = arith.constant 0 : i32
      %dma_wait3A_23 = arith.constant 0 : i32
      %dma_wait3A_24 = tpu.memref_slice %arg3[%add3A, %dma_wait3A, %dma_wait3A_23] : memref<32x80x128xi32, #tpu.memory_space<hbm>> -> memref<1x80x128xi32, #tpu.memory_space<hbm>>
      %dma_wait3A_25 = tpu.memref_squeeze %dma_wait3A_24 : memref<1x80x128xi32, #tpu.memory_space<hbm>> -> memref<80x128xi32, #tpu.memory_space<hbm>>
      %dma_wait3A_26 = arith.constant 0 : i32
      %dma_wait3A_27 = arith.constant 0 : i32
      %dma_wait3A_28 = tpu.memref_slice %arg3[%add3A, %dma_wait3A_26, %dma_wait3A_27] : memref<32x80x128xi32, #tpu.memory_space<hbm>> -> memref<1x80x128xi32, #tpu.memory_space<hbm>>
      %dma_wait3A_29 = tpu.memref_squeeze %dma_wait3A_28 : memref<1x80x128xi32, #tpu.memory_space<hbm>> -> memref<80x128xi32, #tpu.memory_space<hbm>>
      tpu.wait_dma2 semaphore(%run_scoped3A : memref<!tpu.dma_semaphore, #tpu.memory_space<semaphore_mem>>) src(%dma_wait3A_29 : memref<80x128xi32, #tpu.memory_space<hbm>>) dst(%arg6 : memref<80x128xi32, #tpu.memory_space<vmem>>)
      tpu.yield
    }) : () -> ()
    "tpu.region"() ({
      %run_scoped3A = tpu.sem_alloc : memref<!tpu.dma_semaphore, #tpu.memory_space<semaphore_mem>>
      %dma_start3A = arith.constant 0 : i32
      %dma_start3A_16 = arith.constant 0 : i32
      %dma_start3A_17 = tpu.memref_slice %arg4[%add3A, %dma_start3A, %dma_start3A_16] : memref<32x80x128xi32, #tpu.memory_space<hbm>> -> memref<1x80x128xi32, #tpu.memory_space<hbm>>
      %dma_start3A_18 = tpu.memref_squeeze %dma_start3A_17 : memref<1x80x128xi32, #tpu.memory_space<hbm>> -> memref<80x128xi32, #tpu.memory_space<hbm>>
      %dma_start3A_19 = arith.constant 0 : i32
      %dma_start3A_20 = arith.constant 0 : i32
      %dma_start3A_21 = tpu.memref_slice %arg4[%add3A, %dma_start3A_19, %dma_start3A_20] : memref<32x80x128xi32, #tpu.memory_space<hbm>> -> memref<1x80x128xi32, #tpu.memory_space<hbm>>
      %dma_start3A_22 = tpu.memref_squeeze %dma_start3A_21 : memref<1x80x128xi32, #tpu.memory_space<hbm>> -> memref<80x128xi32, #tpu.memory_space<hbm>>
      tpu.enqueue_dma source(%dma_start3A_22 : memref<80x128xi32, #tpu.memory_space<hbm>>) target(%arg7 : memref<80x128xi32, #tpu.memory_space<vmem>>) target_semaphore(%run_scoped3A : memref<!tpu.dma_semaphore, #tpu.memory_space<semaphore_mem>>)
      %dma_wait3A = arith.constant 0 : i32
      %dma_wait3A_23 = arith.constant 0 : i32
      %dma_wait3A_24 = tpu.memref_slice %arg4[%add3A, %dma_wait3A, %dma_wait3A_23] : memref<32x80x128xi32, #tpu.memory_space<hbm>> -> memref<1x80x128xi32, #tpu.memory_space<hbm>>
      %dma_wait3A_25 = tpu.memref_squeeze %dma_wait3A_24 : memref<1x80x128xi32, #tpu.memory_space<hbm>> -> memref<80x128xi32, #tpu.memory_space<hbm>>
      %dma_wait3A_26 = arith.constant 0 : i32
      %dma_wait3A_27 = arith.constant 0 : i32
      %dma_wait3A_28 = tpu.memref_slice %arg4[%add3A, %dma_wait3A_26, %dma_wait3A_27] : memref<32x80x128xi32, #tpu.memory_space<hbm>> -> memref<1x80x128xi32, #tpu.memory_space<hbm>>
      %dma_wait3A_29 = tpu.memref_squeeze %dma_wait3A_28 : memref<1x80x128xi32, #tpu.memory_space<hbm>> -> memref<80x128xi32, #tpu.memory_space<hbm>>
      tpu.wait_dma2 semaphore(%run_scoped3A : memref<!tpu.dma_semaphore, #tpu.memory_space<semaphore_mem>>) src(%dma_wait3A_29 : memref<80x128xi32, #tpu.memory_space<hbm>>) dst(%arg7 : memref<80x128xi32, #tpu.memory_space<vmem>>)
      tpu.yield
    }) : () -> ()
    %mul3A_1 = arith.constant 640 : i32
    %mul3A_2 = arith.muli %arg1, %mul3A_1 : i32
    %eq3A = arith.constant 0 : i32
    %eq3A_3 = arith.cmpi eq, %arg0, %eq3A : i32
    %convert_element_type3A = arith.extui %eq3A_3 : i1 to i32
    %cond3A = arith.constant 0 : i32
    %cond3A_4 = arith.cmpi ne, %convert_element_type3A, %cond3A : i32
    scf.if %cond3A_4 {
      "tpu.region"() ({
        %run_scoped3A = tpu.sem_alloc : memref<!tpu.dma_semaphore, #tpu.memory_space<semaphore_mem>>
        %dma_start3A = arith.constant 0 : i32
        %dma_start3A_16 = tpu.memref_slice %arg9[%mul3A_2, %dma_start3A] : memref<10240x128xf32, #tpu.memory_space<vmem_shared>> -> memref<640x128xf32, #tpu.memory_space<vmem_shared>>
        %dma_start3A_17 = arith.constant 0 : i32
        %dma_start3A_18 = tpu.memref_slice %arg2[%mul3A_2, %dma_start3A_17] : memref<10240x128xf32, #tpu.memory_space<hbm>> -> memref<640x128xf32, #tpu.memory_space<hbm>>
        tpu.enqueue_dma source(%dma_start3A_18 : memref<640x128xf32, #tpu.memory_space<hbm>>) target(%dma_start3A_16 : memref<640x128xf32, #tpu.memory_space<vmem_shared>>) target_semaphore(%run_scoped3A : memref<!tpu.dma_semaphore, #tpu.memory_space<semaphore_mem>>)
        %dma_wait3A = arith.constant 0 : i32
        %dma_wait3A_19 = tpu.memref_slice %arg9[%mul3A_2, %dma_wait3A] : memref<10240x128xf32, #tpu.memory_space<vmem_shared>> -> memref<640x128xf32, #tpu.memory_space<vmem_shared>>
        %dma_wait3A_20 = arith.constant 0 : i32
        %dma_wait3A_21 = tpu.memref_slice %arg2[%mul3A_2, %dma_wait3A_20] : memref<10240x128xf32, #tpu.memory_space<hbm>> -> memref<640x128xf32, #tpu.memory_space<hbm>>
        tpu.wait_dma2 semaphore(%run_scoped3A : memref<!tpu.dma_semaphore, #tpu.memory_space<semaphore_mem>>) src(%dma_wait3A_21 : memref<640x128xf32, #tpu.memory_space<hbm>>) dst(%dma_wait3A_19 : memref<640x128xf32, #tpu.memory_space<vmem_shared>>)
        tpu.yield
      }) : () -> ()
    } else {
    }
    %ne3A = arith.constant 0 : i32
    %ne3A_5 = arith.cmpi ne, %arg0, %ne3A : i32
    %convert_element_type3A_6 = arith.extui %ne3A_5 : i1 to i32
    %cond3A_7 = arith.constant 0 : i32
    %cond3A_8 = arith.cmpi ne, %convert_element_type3A_6, %cond3A_7 : i32
    scf.if %cond3A_8 {
      %broadcast_in_dim3A = arith.constant 0.000000e+00 : f32
      %broadcast_in_dim3A_16 = vector.broadcast %broadcast_in_dim3A : f32 to vector<16xf32>
      %scan3A_17 = arith.constant 0 : i32
      %scan3A_18 = arith.constant 0 : i32
      %scan3A_19 = arith.constant 128 : i32
      %scan3A_20 = arith.addi %scan3A_18, %scan3A_19 : i32
      %scan3A_21 = arith.constant 1 : i32
      %scan3A_22 = scf.for %scan3A_34 = %scan3A_18 to %scan3A_20 step %scan3A_21 iter_args(%scan3A_35 = %scan3A_17) -> (i32)  : i32 {
        %swap3A = arith.index_cast %scan3A_34 : i32 to index
        %swap3A_36 = arith.constant 0 : index
        %swap3A_37 = tpu.vector_load %arg8[%swap3A, %swap3A_36] {strides = array<i32>} : memref<128x128xf32, #tpu.memory_space<vmem>>, vector<1x16xf32>,
        %swap3A_38 = vector.shape_cast %swap3A_37 : vector<1x16xf32> to vector<16xf32>
        %swap3A_39 = vector.shape_cast %broadcast_in_dim3A_16 : vector<16xf32> to vector<1x16xf32>
        tpu.vector_store %arg8[%swap3A, %swap3A_36], %swap3A_39 {strides = array<i32>} : memref<128x128xf32, #tpu.memory_space<vmem>>, vector<1x16xf32>,
        %swap3A_40 = arith.index_cast %scan3A_34 : i32 to index
        %swap3A_41 = arith.constant 16 : index
        %swap3A_42 = tpu.vector_load %arg8[%swap3A_40, %swap3A_41] {strides = array<i32>} : memref<128x128xf32, #tpu.memory_space<vmem>>, vector<1x16xf32>,
        %swap3A_43 = vector.shape_cast %swap3A_42 : vector<1x16xf32> to vector<16xf32>
        %swap3A_44 = vector.shape_cast %broadcast_in_dim3A_16 : vector<16xf32> to vector<1x16xf32>
        tpu.vector_store %arg8[%swap3A_40, %swap3A_41], %swap3A_44 {strides = array<i32>} : memref<128x128xf32, #tpu.memory_space<vmem>>, vector<1x16xf32>,
        %swap3A_45 = arith.index_cast %scan3A_34 : i32 to index
        %swap3A_46 = arith.constant 32 : index
        %swap3A_47 = tpu.vector_load %arg8[%swap3A_45, %swap3A_46] {strides = array<i32>} : memref<128x128xf32, #tpu.memory_space<vmem>>, vector<1x16xf32>,
        %swap3A_48 = vector.shape_cast %swap3A_47 : vector<1x16xf32> to vector<16xf32>
        %swap3A_49 = vector.shape_cast %broadcast_in_dim3A_16 : vector<16xf32> to vector<1x16xf32>
        tpu.vector_store %arg8[%swap3A_45, %swap3A_46], %swap3A_49 {strides = array<i32>} : memref<128x128xf32, #tpu.memory_space<vmem>>, vector<1x16xf32>,
        %swap3A_50 = arith.index_cast %scan3A_34 : i32 to index
        %swap3A_51 = arith.constant 48 : index
        %swap3A_52 = tpu.vector_load %arg8[%swap3A_50, %swap3A_51] {strides = array<i32>} : memref<128x128xf32, #tpu.memory_space<vmem>>, vector<1x16xf32>,
        %swap3A_53 = vector.shape_cast %swap3A_52 : vector<1x16xf32> to vector<16xf32>
        %swap3A_54 = vector.shape_cast %broadcast_in_dim3A_16 : vector<16xf32> to vector<1x16xf32>
        tpu.vector_store %arg8[%swap3A_50, %swap3A_51], %swap3A_54 {strides = array<i32>} : memref<128x128xf32, #tpu.memory_space<vmem>>, vector<1x16xf32>,
        %swap3A_55 = arith.index_cast %scan3A_34 : i32 to index
        %swap3A_56 = arith.constant 64 : index
        %swap3A_57 = tpu.vector_load %arg8[%swap3A_55, %swap3A_56] {strides = array<i32>} : memref<128x128xf32, #tpu.memory_space<vmem>>, vector<1x16xf32>,
        %swap3A_58 = vector.shape_cast %swap3A_57 : vector<1x16xf32> to vector<16xf32>
        %swap3A_59 = vector.shape_cast %broadcast_in_dim3A_16 : vector<16xf32> to vector<1x16xf32>
        tpu.vector_store %arg8[%swap3A_55, %swap3A_56], %swap3A_59 {strides = array<i32>} : memref<128x128xf32, #tpu.memory_space<vmem>>, vector<1x16xf32>,
        %swap3A_60 = arith.index_cast %scan3A_34 : i32 to index
        %swap3A_61 = arith.constant 80 : index
        %swap3A_62 = tpu.vector_load %arg8[%swap3A_60, %swap3A_61] {strides = array<i32>} : memref<128x128xf32, #tpu.memory_space<vmem>>, vector<1x16xf32>,
        %swap3A_63 = vector.shape_cast %swap3A_62 : vector<1x16xf32> to vector<16xf32>
        %swap3A_64 = vector.shape_cast %broadcast_in_dim3A_16 : vector<16xf32> to vector<1x16xf32>
        tpu.vector_store %arg8[%swap3A_60, %swap3A_61], %swap3A_64 {strides = array<i32>} : memref<128x128xf32, #tpu.memory_space<vmem>>, vector<1x16xf32>,
        %swap3A_65 = arith.index_cast %scan3A_34 : i32 to index
        %swap3A_66 = arith.constant 96 : index
        %swap3A_67 = tpu.vector_load %arg8[%swap3A_65, %swap3A_66] {strides = array<i32>} : memref<128x128xf32, #tpu.memory_space<vmem>>, vector<1x16xf32>,
        %swap3A_68 = vector.shape_cast %swap3A_67 : vector<1x16xf32> to vector<16xf32>
        %swap3A_69 = vector.shape_cast %broadcast_in_dim3A_16 : vector<16xf32> to vector<1x16xf32>
        tpu.vector_store %arg8[%swap3A_65, %swap3A_66], %swap3A_69 {strides = array<i32>} : memref<128x128xf32, #tpu.memory_space<vmem>>, vector<1x16xf32>,
        %swap3A_70 = arith.index_cast %scan3A_34 : i32 to index
        %swap3A_71 = arith.constant 112 : index
        %swap3A_72 = tpu.vector_load %arg8[%swap3A_70, %swap3A_71] {strides = array<i32>} : memref<128x128xf32, #tpu.memory_space<vmem>>, vector<1x16xf32>,
        %swap3A_73 = vector.shape_cast %swap3A_72 : vector<1x16xf32> to vector<16xf32>
        %swap3A_74 = vector.shape_cast %broadcast_in_dim3A_16 : vector<16xf32> to vector<1x16xf32>
        tpu.vector_store %arg8[%swap3A_70, %swap3A_71], %swap3A_74 {strides = array<i32>} : memref<128x128xf32, #tpu.memory_space<vmem>>, vector<1x16xf32>,
        %scan3A_75 = arith.constant 0 : i32
        scf.yield %scan3A_75 : i32
      }
      %scan3A_23 = arith.constant 128 : i32
      %add3A_24 = arith.constant 0 : i32
      %add3A_25 = arith.addi %mul3A_2, %add3A_24 : i32
      "tpu.region"() ({
        %run_scoped3A = tpu.sem_alloc : memref<!tpu.dma_semaphore, #tpu.memory_space<semaphore_mem>>
        %dma_start3A = arith.constant 0 : i32
        %dma_start3A_34 = tpu.memref_slice %arg9[%add3A_25, %dma_start3A] : memref<10240x128xf32, #tpu.memory_space<vmem_shared>> -> memref<128x128xf32, #tpu.memory_space<vmem_shared>>
        %dma_start3A_35 = arith.constant 0 : i32
        %dma_start3A_36 = tpu.memref_slice %arg9[%add3A_25, %dma_start3A_35] : memref<10240x128xf32, #tpu.memory_space<vmem_shared>> -> memref<128x128xf32, #tpu.memory_space<vmem_shared>>
        tpu.enqueue_dma source(%arg8 : memref<128x128xf32, #tpu.memory_space<vmem>>) target(%dma_start3A_36 : memref<128x128xf32, #tpu.memory_space<vmem_shared>>) target_semaphore(%run_scoped3A : memref<!tpu.dma_semaphore, #tpu.memory_space<semaphore_mem>>)
        %dma_wait3A = arith.constant 0 : i32
        %dma_wait3A_37 = tpu.memref_slice %arg9[%add3A_25, %dma_wait3A] : memref<10240x128xf32, #tpu.memory_space<vmem_shared>> -> memref<128x128xf32, #tpu.memory_space<vmem_shared>>
        %dma_wait3A_38 = arith.constant 0 : i32
        %dma_wait3A_39 = tpu.memref_slice %arg9[%add3A_25, %dma_wait3A_38] : memref<10240x128xf32, #tpu.memory_space<vmem_shared>> -> memref<128x128xf32, #tpu.memory_space<vmem_shared>>
        tpu.wait_dma2 semaphore(%run_scoped3A : memref<!tpu.dma_semaphore, #tpu.memory_space<semaphore_mem>>) src(%arg8 : memref<128x128xf32, #tpu.memory_space<vmem>>) dst(%dma_wait3A_39 : memref<128x128xf32, #tpu.memory_space<vmem_shared>>)
        tpu.yield
      }) : () -> ()
      %add3A_26 = arith.constant 128 : i32
      %add3A_27 = arith.addi %mul3A_2, %add3A_26 : i32
      "tpu.region"() ({
        %run_scoped3A = tpu.sem_alloc : memref<!tpu.dma_semaphore, #tpu.memory_space<semaphore_mem>>
        %dma_start3A = arith.constant 0 : i32
        %dma_start3A_34 = tpu.memref_slice %arg9[%add3A_27, %dma_start3A] : memref<10240x128xf32, #tpu.memory_space<vmem_shared>> -> memref<128x128xf32, #tpu.memory_space<vmem_shared>>
        %dma_start3A_35 = arith.constant 0 : i32
        %dma_start3A_36 = tpu.memref_slice %arg9[%add3A_27, %dma_start3A_35] : memref<10240x128xf32, #tpu.memory_space<vmem_shared>> -> memref<128x128xf32, #tpu.memory_space<vmem_shared>>
        tpu.enqueue_dma source(%arg8 : memref<128x128xf32, #tpu.memory_space<vmem>>) target(%dma_start3A_36 : memref<128x128xf32, #tpu.memory_space<vmem_shared>>) target_semaphore(%run_scoped3A : memref<!tpu.dma_semaphore, #tpu.memory_space<semaphore_mem>>)
        %dma_wait3A = arith.constant 0 : i32
        %dma_wait3A_37 = tpu.memref_slice %arg9[%add3A_27, %dma_wait3A] : memref<10240x128xf32, #tpu.memory_space<vmem_shared>> -> memref<128x128xf32, #tpu.memory_space<vmem_shared>>
        %dma_wait3A_38 = arith.constant 0 : i32
        %dma_wait3A_39 = tpu.memref_slice %arg9[%add3A_27, %dma_wait3A_38] : memref<10240x128xf32, #tpu.memory_space<vmem_shared>> -> memref<128x128xf32, #tpu.memory_space<vmem_shared>>
        tpu.wait_dma2 semaphore(%run_scoped3A : memref<!tpu.dma_semaphore, #tpu.memory_space<semaphore_mem>>) src(%arg8 : memref<128x128xf32, #tpu.memory_space<vmem>>) dst(%dma_wait3A_39 : memref<128x128xf32, #tpu.memory_space<vmem_shared>>)
        tpu.yield
      }) : () -> ()
      %add3A_28 = arith.constant 256 : i32
      %add3A_29 = arith.addi %mul3A_2, %add3A_28 : i32
      "tpu.region"() ({
        %run_scoped3A = tpu.sem_alloc : memref<!tpu.dma_semaphore, #tpu.memory_space<semaphore_mem>>
        %dma_start3A = arith.constant 0 : i32
        %dma_start3A_34 = tpu.memref_slice %arg9[%add3A_29, %dma_start3A] : memref<10240x128xf32, #tpu.memory_space<vmem_shared>> -> memref<128x128xf32, #tpu.memory_space<vmem_shared>>
        %dma_start3A_35 = arith.constant 0 : i32
        %dma_start3A_36 = tpu.memref_slice %arg9[%add3A_29, %dma_start3A_35] : memref<10240x128xf32, #tpu.memory_space<vmem_shared>> -> memref<128x128xf32, #tpu.memory_space<vmem_shared>>
        tpu.enqueue_dma source(%arg8 : memref<128x128xf32, #tpu.memory_space<vmem>>) target(%dma_start3A_36 : memref<128x128xf32, #tpu.memory_space<vmem_shared>>) target_semaphore(%run_scoped3A : memref<!tpu.dma_semaphore, #tpu.memory_space<semaphore_mem>>)
        %dma_wait3A = arith.constant 0 : i32
        %dma_wait3A_37 = tpu.memref_slice %arg9[%add3A_29, %dma_wait3A] : memref<10240x128xf32, #tpu.memory_space<vmem_shared>> -> memref<128x128xf32, #tpu.memory_space<vmem_shared>>
        %dma_wait3A_38 = arith.constant 0 : i32
        %dma_wait3A_39 = tpu.memref_slice %arg9[%add3A_29, %dma_wait3A_38] : memref<10240x128xf32, #tpu.memory_space<vmem_shared>> -> memref<128x128xf32, #tpu.memory_space<vmem_shared>>
        tpu.wait_dma2 semaphore(%run_scoped3A : memref<!tpu.dma_semaphore, #tpu.memory_space<semaphore_mem>>) src(%arg8 : memref<128x128xf32, #tpu.memory_space<vmem>>) dst(%dma_wait3A_39 : memref<128x128xf32, #tpu.memory_space<vmem_shared>>)
        tpu.yield
      }) : () -> ()
      %add3A_30 = arith.constant 384 : i32
      %add3A_31 = arith.addi %mul3A_2, %add3A_30 : i32
      "tpu.region"() ({
        %run_scoped3A = tpu.sem_alloc : memref<!tpu.dma_semaphore, #tpu.memory_space<semaphore_mem>>
        %dma_start3A = arith.constant 0 : i32
        %dma_start3A_34 = tpu.memref_slice %arg9[%add3A_31, %dma_start3A] : memref<10240x128xf32, #tpu.memory_space<vmem_shared>> -> memref<128x128xf32, #tpu.memory_space<vmem_shared>>
        %dma_start3A_35 = arith.constant 0 : i32
        %dma_start3A_36 = tpu.memref_slice %arg9[%add3A_31, %dma_start3A_35] : memref<10240x128xf32, #tpu.memory_space<vmem_shared>> -> memref<128x128xf32, #tpu.memory_space<vmem_shared>>
        tpu.enqueue_dma source(%arg8 : memref<128x128xf32, #tpu.memory_space<vmem>>) target(%dma_start3A_36 : memref<128x128xf32, #tpu.memory_space<vmem_shared>>) target_semaphore(%run_scoped3A : memref<!tpu.dma_semaphore, #tpu.memory_space<semaphore_mem>>)
        %dma_wait3A = arith.constant 0 : i32
        %dma_wait3A_37 = tpu.memref_slice %arg9[%add3A_31, %dma_wait3A] : memref<10240x128xf32, #tpu.memory_space<vmem_shared>> -> memref<128x128xf32, #tpu.memory_space<vmem_shared>>
        %dma_wait3A_38 = arith.constant 0 : i32
        %dma_wait3A_39 = tpu.memref_slice %arg9[%add3A_31, %dma_wait3A_38] : memref<10240x128xf32, #tpu.memory_space<vmem_shared>> -> memref<128x128xf32, #tpu.memory_space<vmem_shared>>
        tpu.wait_dma2 semaphore(%run_scoped3A : memref<!tpu.dma_semaphore, #tpu.memory_space<semaphore_mem>>) src(%arg8 : memref<128x128xf32, #tpu.memory_space<vmem>>) dst(%dma_wait3A_39 : memref<128x128xf32, #tpu.memory_space<vmem_shared>>)
        tpu.yield
      }) : () -> ()
      %add3A_32 = arith.constant 512 : i32
      %add3A_33 = arith.addi %mul3A_2, %add3A_32 : i32
      "tpu.region"() ({
        %run_scoped3A = tpu.sem_alloc : memref<!tpu.dma_semaphore, #tpu.memory_space<semaphore_mem>>
        %dma_start3A = arith.constant 0 : i32
        %dma_start3A_34 = tpu.memref_slice %arg9[%add3A_33, %dma_start3A] : memref<10240x128xf32, #tpu.memory_space<vmem_shared>> -> memref<128x128xf32, #tpu.memory_space<vmem_shared>>
        %dma_start3A_35 = arith.constant 0 : i32
        %dma_start3A_36 = tpu.memref_slice %arg9[%add3A_33, %dma_start3A_35] : memref<10240x128xf32, #tpu.memory_space<vmem_shared>> -> memref<128x128xf32, #tpu.memory_space<vmem_shared>>
        tpu.enqueue_dma source(%arg8 : memref<128x128xf32, #tpu.memory_space<vmem>>) target(%dma_start3A_36 : memref<128x128xf32, #tpu.memory_space<vmem_shared>>) target_semaphore(%run_scoped3A : memref<!tpu.dma_semaphore, #tpu.memory_space<semaphore_mem>>)
        %dma_wait3A = arith.constant 0 : i32
        %dma_wait3A_37 = tpu.memref_slice %arg9[%add3A_33, %dma_wait3A] : memref<10240x128xf32, #tpu.memory_space<vmem_shared>> -> memref<128x128xf32, #tpu.memory_space<vmem_shared>>
        %dma_wait3A_38 = arith.constant 0 : i32
        %dma_wait3A_39 = tpu.memref_slice %arg9[%add3A_33, %dma_wait3A_38] : memref<10240x128xf32, #tpu.memory_space<vmem_shared>> -> memref<128x128xf32, #tpu.memory_space<vmem_shared>>
        tpu.wait_dma2 semaphore(%run_scoped3A : memref<!tpu.dma_semaphore, #tpu.memory_space<semaphore_mem>>) src(%arg8 : memref<128x128xf32, #tpu.memory_space<vmem>>) dst(%dma_wait3A_39 : memref<128x128xf32, #tpu.memory_space<vmem_shared>>)
        tpu.yield
      }) : () -> ()
    } else {
    }
    %barrier3A = arith.constant 0 : index
    tpu.barrier barrier_id(%barrier3A)
    %scan3A = arith.constant 0 : i32
    %scan3A_9 = arith.constant 0 : i32
    %scan3A_10 = arith.constant 80 : i32
    %scan3A_11 = arith.addi %scan3A_9, %scan3A_10 : i32
    %scan3A_12 = arith.constant 1 : i32
    %scan3A_13 = scf.for %scan3A_16 = %scan3A_9 to %scan3A_11 step %scan3A_12 iter_args(%scan3A_17 = %scan3A) -> (i32)  : i32 {
      %dma_start3A = arith.constant 0 : i32
      %dma_start3A_18 = tpu.memref_slice %arg6[%scan3A_16, %dma_start3A] : memref<80x128xi32, #tpu.memory_space<vmem>> -> memref<1x128xi32, #tpu.memory_space<vmem>>
      %dma_start3A_19 = tpu.memref_squeeze %dma_start3A_18 : memref<1x128xi32, #tpu.memory_space<vmem>> -> memref<128xi32, #tpu.memory_space<vmem>>
      %dma_start3A_20 = arith.constant 0 : i32
      %dma_start3A_21 = arith.constant 0 : i32
      %dma_start3A_22 = tpu.memref_slice %arg2[%dma_start3A_20, %dma_start3A_21] : memref<10240x128xf32, #tpu.memory_space<hbm>> -> memref<10240x128xf32, #tpu.memory_space<hbm>>
      tpu.enqueue_indirect_dma source(%dma_start3A_22 : memref<10240x128xf32, #tpu.memory_space<hbm>>) target(%arg8 : memref<128x128xf32, #tpu.memory_space<vmem>>) offsets(%dma_start3A_19 : memref<128xi32, #tpu.memory_space<vmem>>) semaphore(%arg10 : memref<!tpu.dma_semaphore, #tpu.memory_space<semaphore_mem>>)
      %dma_wait3A = arith.constant 0 : i32
      %dma_wait3A_23 = tpu.memref_slice %arg6[%scan3A_16, %dma_wait3A] : memref<80x128xi32, #tpu.memory_space<vmem>> -> memref<1x128xi32, #tpu.memory_space<vmem>>
      %dma_wait3A_24 = tpu.memref_squeeze %dma_wait3A_23 : memref<1x128xi32, #tpu.memory_space<vmem>> -> memref<128xi32, #tpu.memory_space<vmem>>
      %dma_wait3A_25 = arith.constant 0 : i32
      %dma_wait3A_26 = arith.constant 0 : i32
      %dma_wait3A_27 = tpu.memref_slice %arg2[%dma_wait3A_25, %dma_wait3A_26] : memref<10240x128xf32, #tpu.memory_space<hbm>> -> memref<10240x128xf32, #tpu.memory_space<hbm>>
      tpu.wait_indirect_dma semaphore(%arg10 : memref<!tpu.dma_semaphore, #tpu.memory_space<semaphore_mem>>) src(%dma_wait3A_27 : memref<10240x128xf32, #tpu.memory_space<hbm>>) dst(%arg8 : memref<128x128xf32, #tpu.memory_space<vmem>>)
      "tpu.region"() ({
        %run_scoped3A = tpu.sem_alloc : memref<!tpu.dma_semaphore, #tpu.memory_space<semaphore_mem>>
        %dma_start3A_29 = arith.constant 0 : i32
        %dma_start3A_30 = tpu.memref_slice %arg7[%scan3A_16, %dma_start3A_29] : memref<80x128xi32, #tpu.memory_space<vmem>> -> memref<1x128xi32, #tpu.memory_space<vmem>>
        %dma_start3A_31 = tpu.memref_squeeze %dma_start3A_30 : memref<1x128xi32, #tpu.memory_space<vmem>> -> memref<128xi32, #tpu.memory_space<vmem>>
        %dma_start3A_32 = arith.constant 0 : i32
        %dma_start3A_33 = arith.constant 0 : i32
        %dma_start3A_34 = tpu.memref_slice %arg9[%dma_start3A_32, %dma_start3A_33] : memref<10240x128xf32, #tpu.memory_space<vmem_shared>> -> memref<10240x128xf32, #tpu.memory_space<vmem_shared>>
        tpu.enqueue_indirect_dma source(%arg8 : memref<128x128xf32, #tpu.memory_space<vmem>>) target(%dma_start3A_34 : memref<10240x128xf32, #tpu.memory_space<vmem_shared>>) offsets(%dma_start3A_31 : memref<128xi32, #tpu.memory_space<vmem>>) semaphore(%run_scoped3A : memref<!tpu.dma_semaphore, #tpu.memory_space<semaphore_mem>>) {add = true}
        %dma_wait3A_35 = arith.constant 0 : i32
        %dma_wait3A_36 = tpu.memref_slice %arg7[%scan3A_16, %dma_wait3A_35] : memref<80x128xi32, #tpu.memory_space<vmem>> -> memref<1x128xi32, #tpu.memory_space<vmem>>
        %dma_wait3A_37 = tpu.memref_squeeze %dma_wait3A_36 : memref<1x128xi32, #tpu.memory_space<vmem>> -> memref<128xi32, #tpu.memory_space<vmem>>
        %dma_wait3A_38 = arith.constant 0 : i32
        %dma_wait3A_39 = arith.constant 0 : i32
        %dma_wait3A_40 = tpu.memref_slice %arg9[%dma_wait3A_38, %dma_wait3A_39] : memref<10240x128xf32, #tpu.memory_space<vmem_shared>> -> memref<10240x128xf32, #tpu.memory_space<vmem_shared>>
        tpu.wait_indirect_dma semaphore(%run_scoped3A : memref<!tpu.dma_semaphore, #tpu.memory_space<semaphore_mem>>) src(%arg8 : memref<128x128xf32, #tpu.memory_space<vmem>>) dst(%dma_wait3A_40 : memref<10240x128xf32, #tpu.memory_space<vmem_shared>>)
        tpu.yield
      }) : () -> ()
      %scan3A_28 = arith.constant 0 : i32
      scf.yield %scan3A_28 : i32
    }
    %scan3A_14 = arith.constant 80 : i32
    %barrier3A_15 = arith.constant 0 : index
    tpu.barrier barrier_id(%barrier3A_15)
    "tpu.region"() ({
      %run_scoped3A = tpu.sem_alloc : memref<!tpu.dma_semaphore, #tpu.memory_space<semaphore_mem>>
      %dma_start3A = arith.constant 0 : i32
      %dma_start3A_16 = tpu.memref_slice %arg5[%arg0, %mul3A_2, %dma_start3A] : memref<2x10240x128xf32, #tpu.memory_space<hbm>> -> memref<1x640x128xf32, #tpu.memory_space<hbm>>
      %dma_start3A_17 = tpu.memref_squeeze %dma_start3A_16 : memref<1x640x128xf32, #tpu.memory_space<hbm>> -> memref<640x128xf32, #tpu.memory_space<hbm>>
      %dma_start3A_18 = arith.constant 0 : i32
      %dma_start3A_19 = tpu.memref_slice %arg9[%mul3A_2, %dma_start3A_18] : memref<10240x128xf32, #tpu.memory_space<vmem_shared>> -> memref<640x128xf32, #tpu.memory_space<vmem_shared>>
      tpu.enqueue_dma source(%dma_start3A_19 : memref<640x128xf32, #tpu.memory_space<vmem_shared>>) target(%dma_start3A_17 : memref<640x128xf32, #tpu.memory_space<hbm>>) target_semaphore(%run_scoped3A : memref<!tpu.dma_semaphore, #tpu.memory_space<semaphore_mem>>)
      %dma_wait3A = arith.constant 0 : i32
      %dma_wait3A_20 = tpu.memref_slice %arg5[%arg0, %mul3A_2, %dma_wait3A] : memref<2x10240x128xf32, #tpu.memory_space<hbm>> -> memref<1x640x128xf32, #tpu.memory_space<hbm>>
      %dma_wait3A_21 = tpu.memref_squeeze %dma_wait3A_20 : memref<1x640x128xf32, #tpu.memory_space<hbm>> -> memref<640x128xf32, #tpu.memory_space<hbm>>
      %dma_wait3A_22 = arith.constant 0 : i32
      %dma_wait3A_23 = tpu.memref_slice %arg9[%mul3A_2, %dma_wait3A_22] : memref<10240x128xf32, #tpu.memory_space<vmem_shared>> -> memref<640x128xf32, #tpu.memory_space<vmem_shared>>
      tpu.wait_dma2 semaphore(%run_scoped3A : memref<!tpu.dma_semaphore, #tpu.memory_space<semaphore_mem>>) src(%dma_wait3A_23 : memref<640x128xf32, #tpu.memory_space<vmem_shared>>) dst(%dma_wait3A_21 : memref<640x128xf32, #tpu.memory_space<hbm>>)
      tpu.yield
    }) : () -> ()
    return
  }
}

#map = affine_map<(d0, d1) -> (0, 0)>
#map1 = affine_map<(d0, d1) -> (0, 0, 0)>
module attributes {stable_mosaic.version = 14 : i64} {
  func.func @k(%arg0: i32, %arg1: i32, %arg2: memref<10240x128xf32, #tpu.memory_space<hbm>>, %arg3: memref<32x80x128xi32, #tpu.memory_space<hbm>>, %arg4: memref<32x80x128xi32, #tpu.memory_space<hbm>>, %arg5: memref<2x10240x128xf32, #tpu.memory_space<hbm>>, %arg6: memref<80x128xi32, #tpu.memory_space<vmem>>, %arg7: memref<80x128xi32, #tpu.memory_space<vmem>>, %arg8: memref<128x128xf32, #tpu.memory_space<vmem>>, %arg9: memref<10240x128xf32, #tpu.memory_space<vmem_shared>>, %arg10: memref<!tpu.dma_semaphore, #tpu.memory_space<semaphore_mem>>) attributes {dimension_semantics = [#tpu.dimension_semantics<core_parallel>, #tpu.dimension_semantics<subcore_parallel>], iteration_bounds = array<i64: 2, 16>, scalar_prefetch = 0 : i64, scratch_operands = 5 : i64, tpu.core_type = #tpu.core_type<sc_vector_subcore>, window_params = [{transform_indices = #map}, {transform_indices = #map1}, {transform_indices = #map1}, {transform_indices = #map1}]} {
    %mul3A = arith.constant 16 : i32
    %mul3A_0 = arith.muli %arg0, %mul3A : i32
    %add3A = arith.addi %mul3A_0, %arg1 : i32
    "tpu.region"() ({
      %run_scoped3A = tpu.sem_alloc : memref<!tpu.dma_semaphore, #tpu.memory_space<semaphore_mem>>
      %dma_start3A = arith.constant 0 : i32
      %dma_start3A_16 = arith.constant 0 : i32
      %dma_start3A_17 = tpu.memref_slice %arg3[%add3A, %dma_start3A, %dma_start3A_16] : memref<32x80x128xi32, #tpu.memory_space<hbm>> -> memref<1x80x128xi32, #tpu.memory_space<hbm>>
      %dma_start3A_18 = tpu.memref_squeeze %dma_start3A_17 : memref<1x80x128xi32, #tpu.memory_space<hbm>> -> memref<80x128xi32, #tpu.memory_space<hbm>>
      %dma_start3A_19 = arith.constant 0 : i32
      %dma_start3A_20 = arith.constant 0 : i32
      %dma_start3A_21 = tpu.memref_slice %arg3[%add3A, %dma_start3A_19, %dma_start3A_20] : memref<32x80x128xi32, #tpu.memory_space<hbm>> -> memref<1x80x128xi32, #tpu.memory_space<hbm>>
      %dma_start3A_22 = tpu.memref_squeeze %dma_start3A_21 : memref<1x80x128xi32, #tpu.memory_space<hbm>> -> memref<80x128xi32, #tpu.memory_space<hbm>>
      tpu.enqueue_dma source(%dma_start3A_22 : memref<80x128xi32, #tpu.memory_space<hbm>>) target(%arg6 : memref<80x128xi32, #tpu.memory_space<vmem>>) target_semaphore(%run_scoped3A : memref<!tpu.dma_semaphore, #tpu.memory_space<semaphore_mem>>)
      %dma_wait3A = arith.constant 0 : i32
      %dma_wait3A_23 = arith.constant 0 : i32
      %dma_wait3A_24 = tpu.memref_slice %arg3[%add3A, %dma_wait3A, %dma_wait3A_23] : memref<32x80x128xi32, #tpu.memory_space<hbm>> -> memref<1x80x128xi32, #tpu.memory_space<hbm>>
      %dma_wait3A_25 = tpu.memref_squeeze %dma_wait3A_24 : memref<1x80x128xi32, #tpu.memory_space<hbm>> -> memref<80x128xi32, #tpu.memory_space<hbm>>
      %dma_wait3A_26 = arith.constant 0 : i32
      %dma_wait3A_27 = arith.constant 0 : i32
      %dma_wait3A_28 = tpu.memref_slice %arg3[%add3A, %dma_wait3A_26, %dma_wait3A_27] : memref<32x80x128xi32, #tpu.memory_space<hbm>> -> memref<1x80x128xi32, #tpu.memory_space<hbm>>
      %dma_wait3A_29 = tpu.memref_squeeze %dma_wait3A_28 : memref<1x80x128xi32, #tpu.memory_space<hbm>> -> memref<80x128xi32, #tpu.memory_space<hbm>>
      tpu.wait_dma2 semaphore(%run_scoped3A : memref<!tpu.dma_semaphore, #tpu.memory_space<semaphore_mem>>) src(%dma_wait3A_29 : memref<80x128xi32, #tpu.memory_space<hbm>>) dst(%arg6 : memref<80x128xi32, #tpu.memory_space<vmem>>)
      tpu.yield
    }) : () -> ()
    "tpu.region"() ({
      %run_scoped3A = tpu.sem_alloc : memref<!tpu.dma_semaphore, #tpu.memory_space<semaphore_mem>>
      %dma_start3A = arith.constant 0 : i32
      %dma_start3A_16 = arith.constant 0 : i32
      %dma_start3A_17 = tpu.memref_slice %arg4[%add3A, %dma_start3A, %dma_start3A_16] : memref<32x80x128xi32, #tpu.memory_space<hbm>> -> memref<1x80x128xi32, #tpu.memory_space<hbm>>
      %dma_start3A_18 = tpu.memref_squeeze %dma_start3A_17 : memref<1x80x128xi32, #tpu.memory_space<hbm>> -> memref<80x128xi32, #tpu.memory_space<hbm>>
      %dma_start3A_19 = arith.constant 0 : i32
      %dma_start3A_20 = arith.constant 0 : i32
      %dma_start3A_21 = tpu.memref_slice %arg4[%add3A, %dma_start3A_19, %dma_start3A_20] : memref<32x80x128xi32, #tpu.memory_space<hbm>> -> memref<1x80x128xi32, #tpu.memory_space<hbm>>
      %dma_start3A_22 = tpu.memref_squeeze %dma_start3A_21 : memref<1x80x128xi32, #tpu.memory_space<hbm>> -> memref<80x128xi32, #tpu.memory_space<hbm>>
      tpu.enqueue_dma source(%dma_start3A_22 : memref<80x128xi32, #tpu.memory_space<hbm>>) target(%arg7 : memref<80x128xi32, #tpu.memory_space<vmem>>) target_semaphore(%run_scoped3A : memref<!tpu.dma_semaphore, #tpu.memory_space<semaphore_mem>>)
      %dma_wait3A = arith.constant 0 : i32
      %dma_wait3A_23 = arith.constant 0 : i32
      %dma_wait3A_24 = tpu.memref_slice %arg4[%add3A, %dma_wait3A, %dma_wait3A_23] : memref<32x80x128xi32, #tpu.memory_space<hbm>> -> memref<1x80x128xi32, #tpu.memory_space<hbm>>
      %dma_wait3A_25 = tpu.memref_squeeze %dma_wait3A_24 : memref<1x80x128xi32, #tpu.memory_space<hbm>> -> memref<80x128xi32, #tpu.memory_space<hbm>>
      %dma_wait3A_26 = arith.constant 0 : i32
      %dma_wait3A_27 = arith.constant 0 : i32
      %dma_wait3A_28 = tpu.memref_slice %arg4[%add3A, %dma_wait3A_26, %dma_wait3A_27] : memref<32x80x128xi32, #tpu.memory_space<hbm>> -> memref<1x80x128xi32, #tpu.memory_space<hbm>>
      %dma_wait3A_29 = tpu.memref_squeeze %dma_wait3A_28 : memref<1x80x128xi32, #tpu.memory_space<hbm>> -> memref<80x128xi32, #tpu.memory_space<hbm>>
      tpu.wait_dma2 semaphore(%run_scoped3A : memref<!tpu.dma_semaphore, #tpu.memory_space<semaphore_mem>>) src(%dma_wait3A_29 : memref<80x128xi32, #tpu.memory_space<hbm>>) dst(%arg7 : memref<80x128xi32, #tpu.memory_space<vmem>>)
      tpu.yield
    }) : () -> ()
    %mul3A_1 = arith.constant 640 : i32
    %mul3A_2 = arith.muli %arg1, %mul3A_1 : i32
    %eq3A = arith.constant 0 : i32
    %eq3A_3 = arith.cmpi eq, %arg0, %eq3A : i32
    %convert_element_type3A = arith.extui %eq3A_3 : i1 to i32
    %cond3A = arith.constant 0 : i32
    %cond3A_4 = arith.cmpi ne, %convert_element_type3A, %cond3A : i32
    scf.if %cond3A_4 {
      "tpu.region"() ({
        %run_scoped3A = tpu.sem_alloc : memref<!tpu.dma_semaphore, #tpu.memory_space<semaphore_mem>>
        %dma_start3A = arith.constant 0 : i32
        %dma_start3A_16 = tpu.memref_slice %arg9[%mul3A_2, %dma_start3A] : memref<10240x128xf32, #tpu.memory_space<vmem_shared>> -> memref<640x128xf32, #tpu.memory_space<vmem_shared>>
        %dma_start3A_17 = arith.constant 0 : i32
        %dma_start3A_18 = tpu.memref_slice %arg2[%mul3A_2, %dma_start3A_17] : memref<10240x128xf32, #tpu.memory_space<hbm>> -> memref<640x128xf32, #tpu.memory_space<hbm>>
        tpu.enqueue_dma source(%dma_start3A_18 : memref<640x128xf32, #tpu.memory_space<hbm>>) target(%dma_start3A_16 : memref<640x128xf32, #tpu.memory_space<vmem_shared>>) target_semaphore(%run_scoped3A : memref<!tpu.dma_semaphore, #tpu.memory_space<semaphore_mem>>)
        %dma_wait3A = arith.constant 0 : i32
        %dma_wait3A_19 = tpu.memref_slice %arg9[%mul3A_2, %dma_wait3A] : memref<10240x128xf32, #tpu.memory_space<vmem_shared>> -> memref<640x128xf32, #tpu.memory_space<vmem_shared>>
        %dma_wait3A_20 = arith.constant 0 : i32
        %dma_wait3A_21 = tpu.memref_slice %arg2[%mul3A_2, %dma_wait3A_20] : memref<10240x128xf32, #tpu.memory_space<hbm>> -> memref<640x128xf32, #tpu.memory_space<hbm>>
        tpu.wait_dma2 semaphore(%run_scoped3A : memref<!tpu.dma_semaphore, #tpu.memory_space<semaphore_mem>>) src(%dma_wait3A_21 : memref<640x128xf32, #tpu.memory_space<hbm>>) dst(%dma_wait3A_19 : memref<640x128xf32, #tpu.memory_space<vmem_shared>>)
        tpu.yield
      }) : () -> ()
    } else {
    }
    %ne3A = arith.constant 0 : i32
    %ne3A_5 = arith.cmpi ne, %arg0, %ne3A : i32
    %convert_element_type3A_6 = arith.extui %ne3A_5 : i1 to i32
    %cond3A_7 = arith.constant 0 : i32
    %cond3A_8 = arith.cmpi ne, %convert_element_type3A_6, %cond3A_7 : i32
    scf.if %cond3A_8 {
      %broadcast_in_dim3A = arith.constant 0.000000e+00 : f32
      %broadcast_in_dim3A_16 = vector.broadcast %broadcast_in_dim3A : f32 to vector<16xf32>
      %scan3A_17 = arith.constant 0 : i32
      %scan3A_18 = arith.constant 0 : i32
      %scan3A_19 = arith.constant 128 : i32
      %scan3A_20 = arith.addi %scan3A_18, %scan3A_19 : i32
      %scan3A_21 = arith.constant 1 : i32
      %scan3A_22 = scf.for %scan3A_34 = %scan3A_18 to %scan3A_20 step %scan3A_21 iter_args(%scan3A_35 = %scan3A_17) -> (i32)  : i32 {
        %swap3A = arith.index_cast %scan3A_34 : i32 to index
        %swap3A_36 = arith.constant 0 : index
        %swap3A_37 = tpu.vector_load %arg8[%swap3A, %swap3A_36] {strides = array<i32>} : memref<128x128xf32, #tpu.memory_space<vmem>>, vector<1x16xf32>,
        %swap3A_38 = vector.shape_cast %swap3A_37 : vector<1x16xf32> to vector<16xf32>
        %swap3A_39 = vector.shape_cast %broadcast_in_dim3A_16 : vector<16xf32> to vector<1x16xf32>
        tpu.vector_store %arg8[%swap3A, %swap3A_36], %swap3A_39 {strides = array<i32>} : memref<128x128xf32, #tpu.memory_space<vmem>>, vector<1x16xf32>,
        %swap3A_40 = arith.index_cast %scan3A_34 : i32 to index
        %swap3A_41 = arith.constant 16 : index
        %swap3A_42 = tpu.vector_load %arg8[%swap3A_40, %swap3A_41] {strides = array<i32>} : memref<128x128xf32, #tpu.memory_space<vmem>>, vector<1x16xf32>,
        %swap3A_43 = vector.shape_cast %swap3A_42 : vector<1x16xf32> to vector<16xf32>
        %swap3A_44 = vector.shape_cast %broadcast_in_dim3A_16 : vector<16xf32> to vector<1x16xf32>
        tpu.vector_store %arg8[%swap3A_40, %swap3A_41], %swap3A_44 {strides = array<i32>} : memref<128x128xf32, #tpu.memory_space<vmem>>, vector<1x16xf32>,
        %swap3A_45 = arith.index_cast %scan3A_34 : i32 to index
        %swap3A_46 = arith.constant 32 : index
        %swap3A_47 = tpu.vector_load %arg8[%swap3A_45, %swap3A_46] {strides = array<i32>} : memref<128x128xf32, #tpu.memory_space<vmem>>, vector<1x16xf32>,
        %swap3A_48 = vector.shape_cast %swap3A_47 : vector<1x16xf32> to vector<16xf32>
        %swap3A_49 = vector.shape_cast %broadcast_in_dim3A_16 : vector<16xf32> to vector<1x16xf32>
        tpu.vector_store %arg8[%swap3A_45, %swap3A_46], %swap3A_49 {strides = array<i32>} : memref<128x128xf32, #tpu.memory_space<vmem>>, vector<1x16xf32>,
        %swap3A_50 = arith.index_cast %scan3A_34 : i32 to index
        %swap3A_51 = arith.constant 48 : index
        %swap3A_52 = tpu.vector_load %arg8[%swap3A_50, %swap3A_51] {strides = array<i32>} : memref<128x128xf32, #tpu.memory_space<vmem>>, vector<1x16xf32>,
        %swap3A_53 = vector.shape_cast %swap3A_52 : vector<1x16xf32> to vector<16xf32>
        %swap3A_54 = vector.shape_cast %broadcast_in_dim3A_16 : vector<16xf32> to vector<1x16xf32>
        tpu.vector_store %arg8[%swap3A_50, %swap3A_51], %swap3A_54 {strides = array<i32>} : memref<128x128xf32, #tpu.memory_space<vmem>>, vector<1x16xf32>,
        %swap3A_55 = arith.index_cast %scan3A_34 : i32 to index
        %swap3A_56 = arith.constant 64 : index
        %swap3A_57 = tpu.vector_load %arg8[%swap3A_55, %swap3A_56] {strides = array<i32>} : memref<128x128xf32, #tpu.memory_space<vmem>>, vector<1x16xf32>,
        %swap3A_58 = vector.shape_cast %swap3A_57 : vector<1x16xf32> to vector<16xf32>
        %swap3A_59 = vector.shape_cast %broadcast_in_dim3A_16 : vector<16xf32> to vector<1x16xf32>
        tpu.vector_store %arg8[%swap3A_55, %swap3A_56], %swap3A_59 {strides = array<i32>} : memref<128x128xf32, #tpu.memory_space<vmem>>, vector<1x16xf32>,
        %swap3A_60 = arith.index_cast %scan3A_34 : i32 to index
        %swap3A_61 = arith.constant 80 : index
        %swap3A_62 = tpu.vector_load %arg8[%swap3A_60, %swap3A_61] {strides = array<i32>} : memref<128x128xf32, #tpu.memory_space<vmem>>, vector<1x16xf32>,
        %swap3A_63 = vector.shape_cast %swap3A_62 : vector<1x16xf32> to vector<16xf32>
        %swap3A_64 = vector.shape_cast %broadcast_in_dim3A_16 : vector<16xf32> to vector<1x16xf32>
        tpu.vector_store %arg8[%swap3A_60, %swap3A_61], %swap3A_64 {strides = array<i32>} : memref<128x128xf32, #tpu.memory_space<vmem>>, vector<1x16xf32>,
        %swap3A_65 = arith.index_cast %scan3A_34 : i32 to index
        %swap3A_66 = arith.constant 96 : index
        %swap3A_67 = tpu.vector_load %arg8[%swap3A_65, %swap3A_66] {strides = array<i32>} : memref<128x128xf32, #tpu.memory_space<vmem>>, vector<1x16xf32>,
        %swap3A_68 = vector.shape_cast %swap3A_67 : vector<1x16xf32> to vector<16xf32>
        %swap3A_69 = vector.shape_cast %broadcast_in_dim3A_16 : vector<16xf32> to vector<1x16xf32>
        tpu.vector_store %arg8[%swap3A_65, %swap3A_66], %swap3A_69 {strides = array<i32>} : memref<128x128xf32, #tpu.memory_space<vmem>>, vector<1x16xf32>,
        %swap3A_70 = arith.index_cast %scan3A_34 : i32 to index
        %swap3A_71 = arith.constant 112 : index
        %swap3A_72 = tpu.vector_load %arg8[%swap3A_70, %swap3A_71] {strides = array<i32>} : memref<128x128xf32, #tpu.memory_space<vmem>>, vector<1x16xf32>,
        %swap3A_73 = vector.shape_cast %swap3A_72 : vector<1x16xf32> to vector<16xf32>
        %swap3A_74 = vector.shape_cast %broadcast_in_dim3A_16 : vector<16xf32> to vector<1x16xf32>
        tpu.vector_store %arg8[%swap3A_70, %swap3A_71], %swap3A_74 {strides = array<i32>} : memref<128x128xf32, #tpu.memory_space<vmem>>, vector<1x16xf32>,
        %scan3A_75 = arith.constant 0 : i32
        scf.yield %scan3A_75 : i32
      }
      %scan3A_23 = arith.constant 128 : i32
      %add3A_24 = arith.constant 0 : i32
      %add3A_25 = arith.addi %mul3A_2, %add3A_24 : i32
      "tpu.region"() ({
        %run_scoped3A = tpu.sem_alloc : memref<!tpu.dma_semaphore, #tpu.memory_space<semaphore_mem>>
        %dma_start3A = arith.constant 0 : i32
        %dma_start3A_34 = tpu.memref_slice %arg9[%add3A_25, %dma_start3A] : memref<10240x128xf32, #tpu.memory_space<vmem_shared>> -> memref<128x128xf32, #tpu.memory_space<vmem_shared>>
        %dma_start3A_35 = arith.constant 0 : i32
        %dma_start3A_36 = tpu.memref_slice %arg9[%add3A_25, %dma_start3A_35] : memref<10240x128xf32, #tpu.memory_space<vmem_shared>> -> memref<128x128xf32, #tpu.memory_space<vmem_shared>>
        tpu.enqueue_dma source(%arg8 : memref<128x128xf32, #tpu.memory_space<vmem>>) target(%dma_start3A_36 : memref<128x128xf32, #tpu.memory_space<vmem_shared>>) target_semaphore(%run_scoped3A : memref<!tpu.dma_semaphore, #tpu.memory_space<semaphore_mem>>)
        %dma_wait3A = arith.constant 0 : i32
        %dma_wait3A_37 = tpu.memref_slice %arg9[%add3A_25, %dma_wait3A] : memref<10240x128xf32, #tpu.memory_space<vmem_shared>> -> memref<128x128xf32, #tpu.memory_space<vmem_shared>>
        %dma_wait3A_38 = arith.constant 0 : i32
        %dma_wait3A_39 = tpu.memref_slice %arg9[%add3A_25, %dma_wait3A_38] : memref<10240x128xf32, #tpu.memory_space<vmem_shared>> -> memref<128x128xf32, #tpu.memory_space<vmem_shared>>
        tpu.wait_dma2 semaphore(%run_scoped3A : memref<!tpu.dma_semaphore, #tpu.memory_space<semaphore_mem>>) src(%arg8 : memref<128x128xf32, #tpu.memory_space<vmem>>) dst(%dma_wait3A_39 : memref<128x128xf32, #tpu.memory_space<vmem_shared>>)
        tpu.yield
      }) : () -> ()
      %add3A_26 = arith.constant 128 : i32
      %add3A_27 = arith.addi %mul3A_2, %add3A_26 : i32
      "tpu.region"() ({
        %run_scoped3A = tpu.sem_alloc : memref<!tpu.dma_semaphore, #tpu.memory_space<semaphore_mem>>
        %dma_start3A = arith.constant 0 : i32
        %dma_start3A_34 = tpu.memref_slice %arg9[%add3A_27, %dma_start3A] : memref<10240x128xf32, #tpu.memory_space<vmem_shared>> -> memref<128x128xf32, #tpu.memory_space<vmem_shared>>
        %dma_start3A_35 = arith.constant 0 : i32
        %dma_start3A_36 = tpu.memref_slice %arg9[%add3A_27, %dma_start3A_35] : memref<10240x128xf32, #tpu.memory_space<vmem_shared>> -> memref<128x128xf32, #tpu.memory_space<vmem_shared>>
        tpu.enqueue_dma source(%arg8 : memref<128x128xf32, #tpu.memory_space<vmem>>) target(%dma_start3A_36 : memref<128x128xf32, #tpu.memory_space<vmem_shared>>) target_semaphore(%run_scoped3A : memref<!tpu.dma_semaphore, #tpu.memory_space<semaphore_mem>>)
        %dma_wait3A = arith.constant 0 : i32
        %dma_wait3A_37 = tpu.memref_slice %arg9[%add3A_27, %dma_wait3A] : memref<10240x128xf32, #tpu.memory_space<vmem_shared>> -> memref<128x128xf32, #tpu.memory_space<vmem_shared>>
        %dma_wait3A_38 = arith.constant 0 : i32
        %dma_wait3A_39 = tpu.memref_slice %arg9[%add3A_27, %dma_wait3A_38] : memref<10240x128xf32, #tpu.memory_space<vmem_shared>> -> memref<128x128xf32, #tpu.memory_space<vmem_shared>>
        tpu.wait_dma2 semaphore(%run_scoped3A : memref<!tpu.dma_semaphore, #tpu.memory_space<semaphore_mem>>) src(%arg8 : memref<128x128xf32, #tpu.memory_space<vmem>>) dst(%dma_wait3A_39 : memref<128x128xf32, #tpu.memory_space<vmem_shared>>)
        tpu.yield
      }) : () -> ()
      %add3A_28 = arith.constant 256 : i32
      %add3A_29 = arith.addi %mul3A_2, %add3A_28 : i32
      "tpu.region"() ({
        %run_scoped3A = tpu.sem_alloc : memref<!tpu.dma_semaphore, #tpu.memory_space<semaphore_mem>>
        %dma_start3A = arith.constant 0 : i32
        %dma_start3A_34 = tpu.memref_slice %arg9[%add3A_29, %dma_start3A] : memref<10240x128xf32, #tpu.memory_space<vmem_shared>> -> memref<128x128xf32, #tpu.memory_space<vmem_shared>>
        %dma_start3A_35 = arith.constant 0 : i32
        %dma_start3A_36 = tpu.memref_slice %arg9[%add3A_29, %dma_start3A_35] : memref<10240x128xf32, #tpu.memory_space<vmem_shared>> -> memref<128x128xf32, #tpu.memory_space<vmem_shared>>
        tpu.enqueue_dma source(%arg8 : memref<128x128xf32, #tpu.memory_space<vmem>>) target(%dma_start3A_36 : memref<128x128xf32, #tpu.memory_space<vmem_shared>>) target_semaphore(%run_scoped3A : memref<!tpu.dma_semaphore, #tpu.memory_space<semaphore_mem>>)
        %dma_wait3A = arith.constant 0 : i32
        %dma_wait3A_37 = tpu.memref_slice %arg9[%add3A_29, %dma_wait3A] : memref<10240x128xf32, #tpu.memory_space<vmem_shared>> -> memref<128x128xf32, #tpu.memory_space<vmem_shared>>
        %dma_wait3A_38 = arith.constant 0 : i32
        %dma_wait3A_39 = tpu.memref_slice %arg9[%add3A_29, %dma_wait3A_38] : memref<10240x128xf32, #tpu.memory_space<vmem_shared>> -> memref<128x128xf32, #tpu.memory_space<vmem_shared>>
        tpu.wait_dma2 semaphore(%run_scoped3A : memref<!tpu.dma_semaphore, #tpu.memory_space<semaphore_mem>>) src(%arg8 : memref<128x128xf32, #tpu.memory_space<vmem>>) dst(%dma_wait3A_39 : memref<128x128xf32, #tpu.memory_space<vmem_shared>>)
        tpu.yield
      }) : () -> ()
      %add3A_30 = arith.constant 384 : i32
      %add3A_31 = arith.addi %mul3A_2, %add3A_30 : i32
      "tpu.region"() ({
        %run_scoped3A = tpu.sem_alloc : memref<!tpu.dma_semaphore, #tpu.memory_space<semaphore_mem>>
        %dma_start3A = arith.constant 0 : i32
        %dma_start3A_34 = tpu.memref_slice %arg9[%add3A_31, %dma_start3A] : memref<10240x128xf32, #tpu.memory_space<vmem_shared>> -> memref<128x128xf32, #tpu.memory_space<vmem_shared>>
        %dma_start3A_35 = arith.constant 0 : i32
        %dma_start3A_36 = tpu.memref_slice %arg9[%add3A_31, %dma_start3A_35] : memref<10240x128xf32, #tpu.memory_space<vmem_shared>> -> memref<128x128xf32, #tpu.memory_space<vmem_shared>>
        tpu.enqueue_dma source(%arg8 : memref<128x128xf32, #tpu.memory_space<vmem>>) target(%dma_start3A_36 : memref<128x128xf32, #tpu.memory_space<vmem_shared>>) target_semaphore(%run_scoped3A : memref<!tpu.dma_semaphore, #tpu.memory_space<semaphore_mem>>)
        %dma_wait3A = arith.constant 0 : i32
        %dma_wait3A_37 = tpu.memref_slice %arg9[%add3A_31, %dma_wait3A] : memref<10240x128xf32, #tpu.memory_space<vmem_shared>> -> memref<128x128xf32, #tpu.memory_space<vmem_shared>>
        %dma_wait3A_38 = arith.constant 0 : i32
        %dma_wait3A_39 = tpu.memref_slice %arg9[%add3A_31, %dma_wait3A_38] : memref<10240x128xf32, #tpu.memory_space<vmem_shared>> -> memref<128x128xf32, #tpu.memory_space<vmem_shared>>
        tpu.wait_dma2 semaphore(%run_scoped3A : memref<!tpu.dma_semaphore, #tpu.memory_space<semaphore_mem>>) src(%arg8 : memref<128x128xf32, #tpu.memory_space<vmem>>) dst(%dma_wait3A_39 : memref<128x128xf32, #tpu.memory_space<vmem_shared>>)
        tpu.yield
      }) : () -> ()
      %add3A_32 = arith.constant 512 : i32
      %add3A_33 = arith.addi %mul3A_2, %add3A_32 : i32
      "tpu.region"() ({
        %run_scoped3A = tpu.sem_alloc : memref<!tpu.dma_semaphore, #tpu.memory_space<semaphore_mem>>
        %dma_start3A = arith.constant 0 : i32
        %dma_start3A_34 = tpu.memref_slice %arg9[%add3A_33, %dma_start3A] : memref<10240x128xf32, #tpu.memory_space<vmem_shared>> -> memref<128x128xf32, #tpu.memory_space<vmem_shared>>
        %dma_start3A_35 = arith.constant 0 : i32
        %dma_start3A_36 = tpu.memref_slice %arg9[%add3A_33, %dma_start3A_35] : memref<10240x128xf32, #tpu.memory_space<vmem_shared>> -> memref<128x128xf32, #tpu.memory_space<vmem_shared>>
        tpu.enqueue_dma source(%arg8 : memref<128x128xf32, #tpu.memory_space<vmem>>) target(%dma_start3A_36 : memref<128x128xf32, #tpu.memory_space<vmem_shared>>) target_semaphore(%run_scoped3A : memref<!tpu.dma_semaphore, #tpu.memory_space<semaphore_mem>>)
        %dma_wait3A = arith.constant 0 : i32
        %dma_wait3A_37 = tpu.memref_slice %arg9[%add3A_33, %dma_wait3A] : memref<10240x128xf32, #tpu.memory_space<vmem_shared>> -> memref<128x128xf32, #tpu.memory_space<vmem_shared>>
        %dma_wait3A_38 = arith.constant 0 : i32
        %dma_wait3A_39 = tpu.memref_slice %arg9[%add3A_33, %dma_wait3A_38] : memref<10240x128xf32, #tpu.memory_space<vmem_shared>> -> memref<128x128xf32, #tpu.memory_space<vmem_shared>>
        tpu.wait_dma2 semaphore(%run_scoped3A : memref<!tpu.dma_semaphore, #tpu.memory_space<semaphore_mem>>) src(%arg8 : memref<128x128xf32, #tpu.memory_space<vmem>>) dst(%dma_wait3A_39 : memref<128x128xf32, #tpu.memory_space<vmem_shared>>)
        tpu.yield
      }) : () -> ()
    } else {
    }
    %barrier3A = arith.constant 0 : index
    tpu.barrier barrier_id(%barrier3A)
    %scan3A = arith.constant 0 : i32
    %scan3A_9 = arith.constant 0 : i32
    %scan3A_10 = arith.constant 80 : i32
    %scan3A_11 = arith.addi %scan3A_9, %scan3A_10 : i32
    %scan3A_12 = arith.constant 1 : i32
    %scan3A_13 = scf.for %scan3A_16 = %scan3A_9 to %scan3A_11 step %scan3A_12 iter_args(%scan3A_17 = %scan3A) -> (i32)  : i32 {
      %dma_start3A = arith.constant 0 : i32
      %dma_start3A_18 = tpu.memref_slice %arg6[%scan3A_16, %dma_start3A] : memref<80x128xi32, #tpu.memory_space<vmem>> -> memref<1x128xi32, #tpu.memory_space<vmem>>
      %dma_start3A_19 = tpu.memref_squeeze %dma_start3A_18 : memref<1x128xi32, #tpu.memory_space<vmem>> -> memref<128xi32, #tpu.memory_space<vmem>>
      %dma_start3A_20 = arith.constant 0 : i32
      %dma_start3A_21 = arith.constant 0 : i32
      %dma_start3A_22 = tpu.memref_slice %arg2[%dma_start3A_20, %dma_start3A_21] : memref<10240x128xf32, #tpu.memory_space<hbm>> -> memref<10240x128xf32, #tpu.memory_space<hbm>>
      tpu.enqueue_indirect_dma source(%dma_start3A_22 : memref<10240x128xf32, #tpu.memory_space<hbm>>) target(%arg8 : memref<128x128xf32, #tpu.memory_space<vmem>>) offsets(%dma_start3A_19 : memref<128xi32, #tpu.memory_space<vmem>>) semaphore(%arg10 : memref<!tpu.dma_semaphore, #tpu.memory_space<semaphore_mem>>)
      %dma_wait3A = arith.constant 0 : i32
      %dma_wait3A_23 = tpu.memref_slice %arg6[%scan3A_16, %dma_wait3A] : memref<80x128xi32, #tpu.memory_space<vmem>> -> memref<1x128xi32, #tpu.memory_space<vmem>>
      %dma_wait3A_24 = tpu.memref_squeeze %dma_wait3A_23 : memref<1x128xi32, #tpu.memory_space<vmem>> -> memref<128xi32, #tpu.memory_space<vmem>>
      %dma_wait3A_25 = arith.constant 0 : i32
      %dma_wait3A_26 = arith.constant 0 : i32
      %dma_wait3A_27 = tpu.memref_slice %arg2[%dma_wait3A_25, %dma_wait3A_26] : memref<10240x128xf32, #tpu.memory_space<hbm>> -> memref<10240x128xf32, #tpu.memory_space<hbm>>
      tpu.wait_indirect_dma semaphore(%arg10 : memref<!tpu.dma_semaphore, #tpu.memory_space<semaphore_mem>>) src(%dma_wait3A_27 : memref<10240x128xf32, #tpu.memory_space<hbm>>) dst(%arg8 : memref<128x128xf32, #tpu.memory_space<vmem>>)
      "tpu.region"() ({
        %run_scoped3A = tpu.sem_alloc : memref<!tpu.dma_semaphore, #tpu.memory_space<semaphore_mem>>
        %dma_start3A_29 = arith.constant 0 : i32
        %dma_start3A_30 = tpu.memref_slice %arg7[%scan3A_16, %dma_start3A_29] : memref<80x128xi32, #tpu.memory_space<vmem>> -> memref<1x128xi32, #tpu.memory_space<vmem>>
        %dma_start3A_31 = tpu.memref_squeeze %dma_start3A_30 : memref<1x128xi32, #tpu.memory_space<vmem>> -> memref<128xi32, #tpu.memory_space<vmem>>
        %dma_start3A_32 = arith.constant 0 : i32
        %dma_start3A_33 = arith.constant 0 : i32
        %dma_start3A_34 = tpu.memref_slice %arg9[%dma_start3A_32, %dma_start3A_33] : memref<10240x128xf32, #tpu.memory_space<vmem_shared>> -> memref<10240x128xf32, #tpu.memory_space<vmem_shared>>
        tpu.enqueue_indirect_dma source(%arg8 : memref<128x128xf32, #tpu.memory_space<vmem>>) target(%dma_start3A_34 : memref<10240x128xf32, #tpu.memory_space<vmem_shared>>) offsets(%dma_start3A_31 : memref<128xi32, #tpu.memory_space<vmem>>) semaphore(%run_scoped3A : memref<!tpu.dma_semaphore, #tpu.memory_space<semaphore_mem>>) {add = true}
        %dma_wait3A_35 = arith.constant 0 : i32
        %dma_wait3A_36 = tpu.memref_slice %arg7[%scan3A_16, %dma_wait3A_35] : memref<80x128xi32, #tpu.memory_space<vmem>> -> memref<1x128xi32, #tpu.memory_space<vmem>>
        %dma_wait3A_37 = tpu.memref_squeeze %dma_wait3A_36 : memref<1x128xi32, #tpu.memory_space<vmem>> -> memref<128xi32, #tpu.memory_space<vmem>>
        %dma_wait3A_38 = arith.constant 0 : i32
        %dma_wait3A_39 = arith.constant 0 : i32
        %dma_wait3A_40 = tpu.memref_slice %arg9[%dma_wait3A_38, %dma_wait3A_39] : memref<10240x128xf32, #tpu.memory_space<vmem_shared>> -> memref<10240x128xf32, #tpu.memory_space<vmem_shared>>
        tpu.wait_indirect_dma semaphore(%run_scoped3A : memref<!tpu.dma_semaphore, #tpu.memory_space<semaphore_mem>>) src(%arg8 : memref<128x128xf32, #tpu.memory_space<vmem>>) dst(%dma_wait3A_40 : memref<10240x128xf32, #tpu.memory_space<vmem_shared>>)
        tpu.yield
      }) : () -> ()
      %scan3A_28 = arith.constant 0 : i32
      scf.yield %scan3A_28 : i32
    }
    %scan3A_14 = arith.constant 80 : i32
    %barrier3A_15 = arith.constant 0 : index
    tpu.barrier barrier_id(%barrier3A_15)
    "tpu.region"() ({
      %run_scoped3A = tpu.sem_alloc : memref<!tpu.dma_semaphore, #tpu.memory_space<semaphore_mem>>
      %dma_start3A = arith.constant 0 : i32
      %dma_start3A_16 = tpu.memref_slice %arg5[%arg0, %mul3A_2, %dma_start3A] : memref<2x10240x128xf32, #tpu.memory_space<hbm>> -> memref<1x640x128xf32, #tpu.memory_space<hbm>>
      %dma_start3A_17 = tpu.memref_squeeze %dma_start3A_16 : memref<1x640x128xf32, #tpu.memory_space<hbm>> -> memref<640x128xf32, #tpu.memory_space<hbm>>
      %dma_start3A_18 = arith.constant 0 : i32
      %dma_start3A_19 = tpu.memref_slice %arg9[%mul3A_2, %dma_start3A_18] : memref<10240x128xf32, #tpu.memory_space<vmem_shared>> -> memref<640x128xf32, #tpu.memory_space<vmem_shared>>
      tpu.enqueue_dma source(%dma_start3A_19 : memref<640x128xf32, #tpu.memory_space<vmem_shared>>) target(%dma_start3A_17 : memref<640x128xf32, #tpu.memory_space<hbm>>) target_semaphore(%run_scoped3A : memref<!tpu.dma_semaphore, #tpu.memory_space<semaphore_mem>>)
      %dma_wait3A = arith.constant 0 : i32
      %dma_wait3A_20 = tpu.memref_slice %arg5[%arg0, %mul3A_2, %dma_wait3A] : memref<2x10240x128xf32, #tpu.memory_space<hbm>> -> memref<1x640x128xf32, #tpu.memory_space<hbm>>
      %dma_wait3A_21 = tpu.memref_squeeze %dma_wait3A_20 : memref<1x640x128xf32, #tpu.memory_space<hbm>> -> memref<640x128xf32, #tpu.memory_space<hbm>>
      %dma_wait3A_22 = arith.constant 0 : i32
      %dma_wait3A_23 = tpu.memref_slice %arg9[%mul3A_2, %dma_wait3A_22] : memref<10240x128xf32, #tpu.memory_space<vmem_shared>> -> memref<640x128xf32, #tpu.memory_space<vmem_shared>>
      tpu.wait_dma2 semaphore(%run_scoped3A : memref<!tpu.dma_semaphore, #tpu.memory_space<semaphore_mem>>) src(%dma_wait3A_23 : memref<640x128xf32, #tpu.memory_space<vmem_shared>>) dst(%dma_wait3A_21 : memref<640x128xf32, #tpu.memory_space<hbm>>)
      tpu.yield
    }) : () -> ()
    return
  }
}

module attributes {stable_mosaic.version = 14 : i64} {
  func.func @body(%arg0: i32, %arg1: memref<2x512x128xf32, #tpu.memory_space<vmem>>, %arg2: memref<512x128xf32, #tpu.memory_space<vmem>>, %arg3: memref<1x128xf32, #tpu.memory_space<vmem>>, %arg4: memref<128x128xf32, #tpu.memory_space<vmem>>, %arg5: memref<512x128xf32, #tpu.memory_space<vmem>>) attributes {dimension_semantics = [#tpu.dimension_semantics<arbitrary>], iteration_bounds = array<i64: 20>, scalar_prefetch = 0 : i64, scratch_operands = 0 : i64, tpu.core_type = #tpu.core_type<tc>, window_params = [{transform_indices = @transform_0, window_bounds = array<i64: 2, 512, 128>}, {transform_indices = @transform_1, window_bounds = array<i64: 512, 128>}, {pipeline_mode = #tpu.pipeline_mode<synchronous>, transform_indices = @transform_2, window_bounds = array<i64: 1, 128>}, {pipeline_mode = #tpu.pipeline_mode<synchronous>, transform_indices = @transform_3, window_bounds = array<i64: 128, 128>}, {transform_indices = @transform_4, window_bounds = array<i64: 512, 128>}]} {
    %get3A = arith.constant 0 : index
    %get3A_0 = arith.constant 0 : index
    %get3A_1 = arith.constant 0 : index
    %get3A_2 = vector.load %arg1[%get3A, %get3A_0, %get3A_1] : memref<2x512x128xf32, #tpu.memory_space<vmem>>, vector<2x512x128xf32>
    %get3A_3 = arith.constant 0 : index
    %get3A_4 = arith.constant 0 : index
    %get3A_5 = vector.load %arg2[%get3A_3, %get3A_4] : memref<512x128xf32, #tpu.memory_space<vmem>>, vector<512x128xf32>
    %slice3A = vector.extract_strided_slice %get3A_2 {offsets = [0, 0, 0], sizes = [1, 512, 128], strides = [1, 1, 1]} : vector<2x512x128xf32> to vector<1x512x128xf32>
    %squeeze3A = vector.shape_cast %slice3A : vector<1x512x128xf32> to vector<512x128xf32>
    %slice3A_6 = vector.extract_strided_slice %get3A_2 {offsets = [1, 0, 0], sizes = [1, 512, 128], strides = [1, 1, 1]} : vector<2x512x128xf32> to vector<1x512x128xf32>
    %squeeze3A_7 = vector.shape_cast %slice3A_6 : vector<1x512x128xf32> to vector<512x128xf32>
    %add3A = arith.addf %squeeze3A, %squeeze3A_7 : vector<512x128xf32>
    %mul3A = arith.mulf %get3A_5, %add3A : vector<512x128xf32>
    %get3A_8 = arith.constant 0 : index
    %get3A_9 = arith.constant 0 : index
    %get3A_10 = vector.load %arg3[%get3A_8, %get3A_9] : memref<1x128xf32, #tpu.memory_space<vmem>>, vector<1x128xf32>
    %add3A_11 = vector.broadcast %get3A_10 : vector<1x128xf32> to vector<512x128xf32>
    %add3A_12 = arith.addf %mul3A, %add3A_11 : vector<512x128xf32>
    %max3A = arith.constant 0.000000e+00 : f32
    %max3A_13 = vector.broadcast %max3A : f32 to vector<512x128xf32>
    %max3A_14 = arith.maximumf %add3A_12, %max3A_13 : vector<512x128xf32>
    %get3A_15 = arith.constant 0 : index
    %get3A_16 = arith.constant 0 : index
    %get3A_17 = vector.load %arg4[%get3A_15, %get3A_16] : memref<128x128xf32, #tpu.memory_space<vmem>>, vector<128x128xf32>
    %dot_general3A = arith.constant dense<0.000000e+00> : vector<512x128xf32>
    %dot_general3A_18 = tpu.matmul %max3A_14, %get3A_17, %dot_general3A {dimension_numbers = #tpu.dot_dimension_numbers<[1], [0], [0], [1], [0, 0, 1, 1], [], []>, transpose_lhs_hint = false} : vector<512x128xf32>, vector<128x128xf32>, vector<512x128xf32> -> vector<512x128xf32>
    %mul3A_19 = arith.mulf %get3A_5, %dot_general3A_18 : vector<512x128xf32>
    %swap3A = arith.constant 0 : index
    %swap3A_20 = arith.constant 0 : index
    %swap3A_21 = vector.load %arg5[%swap3A, %swap3A_20] : memref<512x128xf32, #tpu.memory_space<vmem>>, vector<512x128xf32>
    tpu.vector_store %arg5[%swap3A, %swap3A_20], %mul3A_19 {strides = array<i32>} : memref<512x128xf32, #tpu.memory_space<vmem>>, vector<512x128xf32>,
    return
  }
  func.func @transform_0(%arg0: i32) -> (i32, i32, i32) {
    %c0_i32 = arith.constant 0 : i32
    %c0_i32_0 = arith.constant 0 : i32
    %c0_i32_1 = arith.constant 0 : i32
    return %c0_i32, %arg0, %c0_i32_0 : i32, i32, i32
  }
  func.func @transform_1(%arg0: i32) -> (i32, i32) {
    %c0_i32 = arith.constant 0 : i32
    %c0_i32_0 = arith.constant 0 : i32
    return %arg0, %c0_i32 : i32, i32
  }
  func.func @transform_2(%arg0: i32) -> (i32, i32) {
    %c0_i32 = arith.constant 0 : i32
    %c0_i32_0 = arith.constant 0 : i32
    %c0_i32_1 = arith.constant 0 : i32
    return %c0_i32, %c0_i32_0 : i32, i32
  }
  func.func @transform_3(%arg0: i32) -> (i32, i32) {
    %c0_i32 = arith.constant 0 : i32
    %c0_i32_0 = arith.constant 0 : i32
    %c0_i32_1 = arith.constant 0 : i32
    return %c0_i32, %c0_i32_0 : i32, i32
  }
  func.func @transform_4(%arg0: i32) -> (i32, i32) {
    %c0_i32 = arith.constant 0 : i32
    %c0_i32_0 = arith.constant 0 : i32
    return %arg0, %c0_i32 : i32, i32
  }
}

module attributes {stable_mosaic.version = 14 : i64} {
  func.func @body(%arg0: i32, %arg1: memref<512x128xf32, #tpu.memory_space<vmem>>, %arg2: memref<128x128xf32, #tpu.memory_space<vmem>>, %arg3: memref<2x512x128xf32, #tpu.memory_space<vmem>>, %arg4: memref<512x128xf32, #tpu.memory_space<vmem>>, %arg5: memref<512x128xf32, #tpu.memory_space<vmem>>) attributes {dimension_semantics = [#tpu.dimension_semantics<arbitrary>], iteration_bounds = array<i64: 20>, scalar_prefetch = 0 : i64, scratch_operands = 0 : i64, tpu.core_type = #tpu.core_type<tc>, window_params = [{transform_indices = @transform_0, window_bounds = array<i64: 512, 128>}, {pipeline_mode = #tpu.pipeline_mode<synchronous>, transform_indices = @transform_1, window_bounds = array<i64: 128, 128>}, {transform_indices = @transform_2, window_bounds = array<i64: 2, 512, 128>}, {transform_indices = @transform_3, window_bounds = array<i64: 512, 128>}, {transform_indices = @transform_4, window_bounds = array<i64: 512, 128>}]} {
    %get3A = arith.constant 0 : index
    %get3A_0 = arith.constant 0 : index
    %get3A_1 = arith.constant 0 : index
    %get3A_2 = vector.load %arg3[%get3A, %get3A_0, %get3A_1] : memref<2x512x128xf32, #tpu.memory_space<vmem>>, vector<2x512x128xf32>
    %slice3A = vector.extract_strided_slice %get3A_2 {offsets = [0, 0, 0], sizes = [1, 512, 1], strides = [1, 1, 1]} : vector<2x512x128xf32> to vector<1x512x1xf32>
    %squeeze3A = vector.shape_cast %slice3A : vector<1x512x1xf32> to vector<512x1xf32>
    %slice3A_3 = vector.extract_strided_slice %get3A_2 {offsets = [1, 0, 0], sizes = [1, 512, 1], strides = [1, 1, 1]} : vector<2x512x128xf32> to vector<1x512x1xf32>
    %squeeze3A_4 = vector.shape_cast %slice3A_3 : vector<1x512x1xf32> to vector<512x1xf32>
    %add3A = arith.addf %squeeze3A, %squeeze3A_4 : vector<512x1xf32>
    %rsqrt3A = math.rsqrt %add3A : vector<512x1xf32>
    %broadcast_in_dim3A = vector.shape_cast %rsqrt3A : vector<512x1xf32> to vector<512x1xf32>
    %broadcast_in_dim3A_5 = vector.broadcast %broadcast_in_dim3A : vector<512x1xf32> to vector<512x128xf32>
    %swap3A = arith.constant 0 : index
    %swap3A_6 = arith.constant 0 : index
    %swap3A_7 = vector.load %arg5[%swap3A, %swap3A_6] : memref<512x128xf32, #tpu.memory_space<vmem>>, vector<512x128xf32>
    tpu.vector_store %arg5[%swap3A, %swap3A_6], %broadcast_in_dim3A_5 {strides = array<i32>} : memref<512x128xf32, #tpu.memory_space<vmem>>, vector<512x128xf32>,
    %get3A_8 = arith.constant 0 : index
    %get3A_9 = arith.constant 0 : index
    %get3A_10 = vector.load %arg1[%get3A_8, %get3A_9] : memref<512x128xf32, #tpu.memory_space<vmem>>, vector<512x128xf32>
    %get3A_11 = arith.constant 0 : index
    %get3A_12 = arith.constant 0 : index
    %get3A_13 = vector.load %arg2[%get3A_11, %get3A_12] : memref<128x128xf32, #tpu.memory_space<vmem>>, vector<128x128xf32>
    %dot_general3A = arith.constant dense<0.000000e+00> : vector<512x128xf32>
    %dot_general3A_14 = tpu.matmul %get3A_10, %get3A_13, %dot_general3A {dimension_numbers = #tpu.dot_dimension_numbers<[1], [0], [0], [1], [0, 0, 1, 1], [], []>, transpose_lhs_hint = false} : vector<512x128xf32>, vector<128x128xf32>, vector<512x128xf32> -> vector<512x128xf32>
    %mul3A = arith.mulf %broadcast_in_dim3A_5, %dot_general3A_14 : vector<512x128xf32>
    %swap3A_15 = arith.constant 0 : index
    %swap3A_16 = arith.constant 0 : index
    %swap3A_17 = vector.load %arg4[%swap3A_15, %swap3A_16] : memref<512x128xf32, #tpu.memory_space<vmem>>, vector<512x128xf32>
    tpu.vector_store %arg4[%swap3A_15, %swap3A_16], %mul3A {strides = array<i32>} : memref<512x128xf32, #tpu.memory_space<vmem>>, vector<512x128xf32>,
    return
  }
  func.func @transform_0(%arg0: i32) -> (i32, i32) {
    %c0_i32 = arith.constant 0 : i32
    %c0_i32_0 = arith.constant 0 : i32
    return %arg0, %c0_i32 : i32, i32
  }
  func.func @transform_1(%arg0: i32) -> (i32, i32) {
    %c0_i32 = arith.constant 0 : i32
    %c0_i32_0 = arith.constant 0 : i32
    %c0_i32_1 = arith.constant 0 : i32
    return %c0_i32, %c0_i32_0 : i32, i32
  }
  func.func @transform_2(%arg0: i32) -> (i32, i32, i32) {
    %c0_i32 = arith.constant 0 : i32
    %c0_i32_0 = arith.constant 0 : i32
    %c0_i32_1 = arith.constant 0 : i32
    return %c0_i32, %arg0, %c0_i32_0 : i32, i32, i32
  }
  func.func @transform_3(%arg0: i32) -> (i32, i32) {
    %c0_i32 = arith.constant 0 : i32
    %c0_i32_0 = arith.constant 0 : i32
    return %arg0, %c0_i32 : i32, i32
  }
  func.func @transform_4(%arg0: i32) -> (i32, i32) {
    %c0_i32 = arith.constant 0 : i32
    %c0_i32_0 = arith.constant 0 : i32
    return %arg0, %c0_i32 : i32, i32
  }
}

module attributes {stable_mosaic.version = 14 : i64} {
  func.func @body(%arg0: i32, %arg1: memref<2x512x128xf32, #tpu.memory_space<vmem>>, %arg2: memref<512x128xf32, #tpu.memory_space<vmem>>, %arg3: memref<1x128xf32, #tpu.memory_space<vmem>>, %arg4: memref<512x128xf32, #tpu.memory_space<vmem>>) attributes {dimension_semantics = [#tpu.dimension_semantics<arbitrary>], iteration_bounds = array<i64: 20>, scalar_prefetch = 0 : i64, scratch_operands = 0 : i64, tpu.core_type = #tpu.core_type<tc>, window_params = [{transform_indices = @transform_0, window_bounds = array<i64: 2, 512, 128>}, {transform_indices = @transform_1, window_bounds = array<i64: 512, 128>}, {pipeline_mode = #tpu.pipeline_mode<synchronous>, transform_indices = @transform_2, window_bounds = array<i64: 1, 128>}, {transform_indices = @transform_3, window_bounds = array<i64: 512, 128>}]} {
    %get3A = arith.constant 0 : index
    %get3A_0 = arith.constant 0 : index
    %get3A_1 = arith.constant 0 : index
    %get3A_2 = vector.load %arg1[%get3A, %get3A_0, %get3A_1] : memref<2x512x128xf32, #tpu.memory_space<vmem>>, vector<2x512x128xf32>
    %get3A_3 = arith.constant 0 : index
    %get3A_4 = arith.constant 0 : index
    %get3A_5 = vector.load %arg2[%get3A_3, %get3A_4] : memref<512x128xf32, #tpu.memory_space<vmem>>, vector<512x128xf32>
    %slice3A = vector.extract_strided_slice %get3A_2 {offsets = [0, 0, 0], sizes = [1, 512, 128], strides = [1, 1, 1]} : vector<2x512x128xf32> to vector<1x512x128xf32>
    %squeeze3A = vector.shape_cast %slice3A : vector<1x512x128xf32> to vector<512x128xf32>
    %slice3A_6 = vector.extract_strided_slice %get3A_2 {offsets = [1, 0, 0], sizes = [1, 512, 128], strides = [1, 1, 1]} : vector<2x512x128xf32> to vector<1x512x128xf32>
    %squeeze3A_7 = vector.shape_cast %slice3A_6 : vector<1x512x128xf32> to vector<512x128xf32>
    %add3A = arith.addf %squeeze3A, %squeeze3A_7 : vector<512x128xf32>
    %mul3A = arith.mulf %get3A_5, %add3A : vector<512x128xf32>
    %get3A_8 = arith.constant 0 : index
    %get3A_9 = arith.constant 0 : index
    %get3A_10 = vector.load %arg3[%get3A_8, %get3A_9] : memref<1x128xf32, #tpu.memory_space<vmem>>, vector<1x128xf32>
    %add3A_11 = vector.broadcast %get3A_10 : vector<1x128xf32> to vector<512x128xf32>
    %add3A_12 = arith.addf %mul3A, %add3A_11 : vector<512x128xf32>
    %swap3A = arith.constant 0 : index
    %swap3A_13 = arith.constant 0 : index
    %swap3A_14 = vector.load %arg4[%swap3A, %swap3A_13] : memref<512x128xf32, #tpu.memory_space<vmem>>, vector<512x128xf32>
    tpu.vector_store %arg4[%swap3A, %swap3A_13], %add3A_12 {strides = array<i32>} : memref<512x128xf32, #tpu.memory_space<vmem>>, vector<512x128xf32>,
    return
  }
  func.func @transform_0(%arg0: i32) -> (i32, i32, i32) {
    %c0_i32 = arith.constant 0 : i32
    %c0_i32_0 = arith.constant 0 : i32
    %c0_i32_1 = arith.constant 0 : i32
    return %c0_i32, %arg0, %c0_i32_0 : i32, i32, i32
  }
  func.func @transform_1(%arg0: i32) -> (i32, i32) {
    %c0_i32 = arith.constant 0 : i32
    %c0_i32_0 = arith.constant 0 : i32
    return %arg0, %c0_i32 : i32, i32
  }
  func.func @transform_2(%arg0: i32) -> (i32, i32) {
    %c0_i32 = arith.constant 0 : i32
    %c0_i32_0 = arith.constant 0 : i32
    %c0_i32_1 = arith.constant 0 : i32
    return %c0_i32, %c0_i32_0 : i32, i32
  }
  func.func @transform_3(%arg0: i32) -> (i32, i32) {
    %c0_i32 = arith.constant 0 : i32
    %c0_i32_0 = arith.constant 0 : i32
    return %arg0, %c0_i32 : i32, i32
  }
}

</mosaic_0001>

<sc_bundles>
// kernel: kernel.10.cloned.1.call-start
scs
__scs_entry_jumppad:
0x0: {  	(pc) =	sbr.rel $0x88, $3  }
0x1: {  	(tag) =	ssettag $0x0;
	lr =	simm.s32 $0x1  }
0x2: {  	[smem:$0x3F99] =	sst lr;
	_ =	strace $0xD0000000  }
0x3: {  	_ = 	snop  }
0x4: {  	_ = 	snop  }
0x5: {  	_ = 	snop  }
0x6: {  	_ = 	snop  }
0x7: {  	_ = 	snop  }
__scs_overlays_trampoline_lowered:
0x8: {  	[smem:$0x3FA8] =	sst s0  }
0x9: {  	[smem:$0x3FA9] =	sst s1  }
0xa: {  	[smem:$0x3FAA] =	sst s2  }
0xb: {  	[smem:$0x3FAB] =	sst s3  }
0xc: {  	[smem:$0x3FAC] =	sst s4  }
0xd: {  	[smem:$0x3FAD] =	sst s5  }
0xe: {  	[smem:$0x3FAE] =	sst s6  }
0xf: {  	[smem:$0x3FAF] =	sst s7  }
0x10: {  	[smem:$0x3FB0] =	sst s8  }
0x11: {  	[smem:$0x3FB1] =	sst s9;
	s0 =	simm.s32 @!p0 $0x0  }
0x12: {  	s1 =	sld [smem:$0x3F97];
	s0 =	simm.s32 @p0 $0x1  }
0x13: {  	[smem:$0x3FB2] =	sst s0;
	s0 =	simm.s32 @!p1 $0x0  }
0x14: {  	s2 =	sld [smem:$0x3F96];
	s0 =	simm.s32 @p1 $0x1  }
0x15: {  	[smem:$0x3FB3] =	sst s0;
	s0 =	simm.s32 @!p2 $0x0  }
0x16: {  	s3 =	sld [smem:$0x3FDB];
	s0 =	simm.s32 @p2 $0x1  }
0x17: {  	s4 =	simm.s32 $0x1BF5;
	[smem:$0x3FB5] =	sst s0  }
0x18: {  	s0 =	sld [smem:$0x3F98];
	_ =	swait.ge [sflag:s4], $0x0  }
0x19: {  	s7 =	sld [smem:$0x3F99]  }
0x1a: {  	s8 =	sadd.s32 $0xFFFFE003, lr  }
0x1b: {  	s9 =	sadd.s32 $0xFFFFFEF7, lr;
	s5 =	simm.s32 $0xFFFFFFFF;
	p2 =	slt.u32 s8, $0xFFFFF086  }
0x1c: {  	p1 =	slt.u32 s9, $0xF7A;
	s5 =	simm.s32 @!p2 $0x0  }
0x1d: {  	s5 =	simm.s32 @p1 $0x1;
	p0 =	seq.s32 s7, s2  }
0x1e: {  	s7 =	smul.u32 @!p0 $0xF7A, s2;
	p2 =	seq.s32 @!p0 s5, $0x0  }
0x1f: {  	s9 =	smul.u32 $0xF7A, s1;
	s8 =	simm.s32 @!p0 $0x1BF5;
	p2 =	por !p2, p0  }
0x20: {  	[sflag:s8] =	ssyncset.s32 @!p0 $0xFFFFF086;
	s6 =	sadd.s32 @!p0 s3, s7;
	s7 =	simm.s32 @!p0 $0x108  }
0x21: {  	s3 =	sadd.s32 s3, s9;
	s6 =	sadd.s32 @!p0 $0x88, s6;
	s7 =	simm.s32 @p2 $0x1082  }
0x22: {  	[simem:s7], [sflag:s8] =	dma.local @!p0 [hbm:s6], $0xF7A  }
0x23: {  	s9 =	sor.u32 $0xD0000000, s2;
	s6 =	simm.s32 $0x108;
	_ =	swait.ge @!p0 [sflag:s8], $0x0  }
0x24: {  	s3 =	sadd.s32 $0x88, s3;
	s6 =	simm.s32 @!p1 $0x1082;
	[sflag:s4] =	ssyncset.s32 $0xFFFFF086  }
0x25: {  	[simem:s6], [sflag:s4] =	dma.local [hbm:s3], $0xF7A  }
0x26: {  	[smem:$0x3F99] =	sst s1;
	(tag) =	ssettag s2;
	_ =	strace s9  }
0x27: {  	s1 =	sld [smem:$0x3FA9]  }
0x28: {  	s2 =	sld [smem:$0x3FAA]  }
0x29: {  	s4 =	sld [smem:$0x3FAC]  }
0x2a: {  	p0 =	seq.s32 s5, $0x0;
	s5 =	sld [smem:$0x3FAD]  }
0x2b: {  	s6 =	sld [smem:$0x3FAE]  }
0x2c: {  	s7 =	sld [smem:$0x3FAF]  }
0x2d: {  	s3 =	simm.s32 $0x108;
	s8 =	sld [smem:$0x3FB0]  }
0x2e: {  	s3 =	simm.s32 @!p0 $0x1082;
	s9 =	sld [smem:$0x3FB1]  }
0x2f: {  	lr =	sadd.s32 s0, s3;
	s0 =	sld [smem:$0x3FA8]  }
0x30: {  	s3 =	sld [smem:$0x3FAB]  }
0x31: {  	[smem:$0x3FB4] =	sst s10  }
0x32: {  	s10 =	sld [smem:$0x3FB2];
	_ =	sdelay $0x3  }
0x33: {  	p0 =	seq.s32 s10, $0x1;
	s10 =	sld [smem:$0x3FB4];
	_ =	sdelay $0x3  }
0x34: {  	[smem:$0x3FB4] =	sst s10  }
0x35: {  	s10 =	sld [smem:$0x3FB3];
	_ =	sdelay $0x3  }
0x36: {  	p1 =	seq.s32 s10, $0x1;
	s10 =	sld [smem:$0x3FB4];
	_ =	sdelay $0x3  }
0x37: {  	[smem:$0x3FB4] =	sst s10  }
0x38: {  	s10 =	sld [smem:$0x3FB5]  }
0x39: {  	_ = 	snop;
	(pc) =	sbr.ind lr, $3  }
0x3a: {  	_ = 	snop  }
0x3b: {  	_ = 	snop  }
0x3c: {  	p2 =	seq.s32 s10, $0x1;
	s10 =	sld [smem:$0x3FB4]  }
0x3d: {  	_ =	shalt  }
0x3e: {  	_ =	shalt  }
0x3f: {  	_ =	shalt  }
0x40: {  	_ =	shalt  }
0x41: {  	_ =	shalt  }
0x42: {  	_ =	shalt  }
0x43: {  	_ =	shalt  }
0x44: {  	_ =	shalt  }
0x45: {  	_ =	shalt  }
0x46: {  	_ =	shalt  }
0x47: {  	_ =	shalt  }
0x48: {  	_ =	shalt  }
0x49: {  	_ =	shalt  }
0x4a: {  	_ =	shalt  }
0x4b: {  	_ =	shalt  }
0x4c: {  	_ =	shalt  }
0x4d: {  	_ =	shalt  }
0x4e: {  	_ =	shalt  }
0x4f: {  	_ =	shalt  }
0x50: {  	_ =	shalt  }
0x51: {  	_ =	shalt  }
0x52: {  	_ =	shalt  }
0x53: {  	_ =	shalt  }
0x54: {  	_ =	shalt  }
0x55: {  	_ =	shalt  }
0x56: {  	_ =	shalt  }
0x57: {  	_ =	shalt  }
0x58: {  	_ =	shalt  }
0x59: {  	_ =	shalt  }
0x5a: {  	_ =	shalt  }
0x5b: {  	_ =	shalt  }
0x5c: {  	_ =	shalt  }
0x5d: {  	_ =	shalt  }
0x5e: {  	_ =	shalt  }
0x5f: {  	_ =	shalt  }
0x60: {  	_ =	shalt  }
0x61: {  	_ =	shalt  }
0x62: {  	_ =	shalt  }
0x63: {  	_ =	shalt  }
0x64: {  	_ =	shalt  }
0x65: {  	_ =	shalt  }
0x66: {  	_ =	shalt  }
0x67: {  	_ =	shalt  }
0x68: {  	_ =	shalt  }
0x69: {  	_ =	shalt  }
0x6a: {  	_ =	shalt  }
0x6b: {  	_ =	shalt  }
0x6c: {  	_ =	shalt  }
0x6d: {  	_ =	shalt  }
0x6e: {  	_ =	shalt  }
0x6f: {  	_ =	shalt  }
0x70: {  	_ =	shalt  }
0x71: {  	_ =	shalt  }
0x72: {  	_ =	shalt  }
0x73: {  	_ =	shalt  }
0x74: {  	_ =	shalt  }
0x75: {  	_ =	shalt  }
0x76: {  	_ =	shalt  }
0x77: {  	_ =	shalt  }
0x78: {  	_ =	shalt  }
0x79: {  	_ =	shalt  }
0x7a: {  	_ =	shalt  }
0x7b: {  	_ =	shalt  }
0x7c: {  	_ =	shalt  }
0x7d: {  	_ =	shalt  }
0x7e: {  	_ =	shalt  }
0x7f: {  	_ =	shalt  }
0x80: {  	_ =	shalt  }
0x81: {  	_ =	shalt  }
0x82: {  	_ =	shalt  }
0x83: {  	_ =	shalt  }
0x84: {  	_ =	shalt  }
0x85: {  	_ =	shalt  }
0x86: {  	_ =	shalt  }
0x87: {  	_ =	shalt  }
.Lfunc_end0:
.L_simem_size_0:
called_computation_lowered:
.L_overlay_start_0:
0x88: {  	s2 =	sld [smem:$0x3FD9]  }
0x89: {  	s3 =	sld [smem:$0x3FFE];
	_ =	sdelay $0x1  }
0x8a: {  	s1 =	srdreg.scid  }
0x8b: {  	s0 =	sand.u32 $0x1, s1  }
0x8c: {  	s17 =	sshll.u32 s0, $0xA;
	s2 =	sadd.s32 s3, s2  }
0x8d: {  	s2 =	sadd.s32 s2, s17  }
0x8e: {  	[smem:$0x3FC0] =	sst s2  }
0x8f: {  	_ = 	snop  }
0x90: {  	s2 =	sld [smem:$0x3FD0];
	(tm) =	ssettm $0x1  }
0x91: {  	s18 =	sld [smem:$0x3FFB];
	_ =	sdelay $0x3  }
0x92: {  	_ =	strace s18  }
0x93: {  	s3 =	sld [smem:$0x3FFC];
	_ =	sdelay $0x3  }
0x94: {  	_ =	strace s3  }
0x95: {  	s3 =	sld [smem:$0x3FFD];
	_ =	sdelay $0x3  }
0x96: {  	_ =	strace s3  }
0x97: {  	_ =	strace $0x8FFFFFFF  }
0x98: {  	s19 =	sld [smem:$0x3FDB];
	_ =	sdelay $0x1  }
0x99: {  	s4 =	simm.s32 $_scs_section_size  }
0x9a: {  	s5 =	simm.s32 $_size__tile_overlayer_lowered;
	s6 =	simm.s32 $_tile_overlayer_lowered  }
0x9b: {  	s22 =	simm.s32 $0x1BFF;
	s21 =	sshll.u32 s6, $0x1;
	s3 =	sadd.s32 s4, s19  }
0x9c: {  	s7 =	simm.s32 $0x0;
	s20 =	sshll.u32 s5, $0x1;
	s5 =	sadd.s32 s21, s3  }
0x9d: {  	[timem:s7], [sflag:s22] =	dma.local [hbm:s5], s20  }
0x9e: {  	_ =	swait.ge [sflag:s22], s20  }
0x9f: {  	s4 =	ssub.s32 $0x0, s20;
	[sflag:s22] =	ssyncset.done $0x0  }
0xa0: {  	[sflag:s22] =	ssyncadd.s32 s4;
	_ =	sdelay $0x1  }
0xa1: {  	s23 =	simm.s32 $0x1B8B  }
0xa2: {  	_ =	swait.ge [sflag:s23], $0x1  }
0xa3: {  	[sflag:s23] =	ssyncset.done $0x0  }
0xa4: {  	s25 =	simm.s32 $0x1B8E;
	s24 =	sld [smem:$0x3FFE];
	[sflag:s23] =	ssyncadd.s32 $0xFFFFFFFF  }
0xa5: {  	s26 =	simm.s32 $execute0_lowered;
	[smem:$0x3FD2] =	sst s25  }
0xa6: {  	s5 =	sshll.u32 s26, $0x1;
	_ =	strace $0x80000046;
	[dreg:$0x1] =	wrdreg $0xFFFFFFFF  }
0xa7: {  	s28 =	simm.s32 $_size_execute0_lowered;
	s3 =	sadd.s32 s3, s5;
	[dreg:$0x0] =	wrdreg $0x0  }
0xa8: {  	s5 =	sshll.u32 s28, $0x1;
	[dreg:$0x2] =	wrdreg s3  }
0xa9: {  	[dreg:$0x3] =	wrdreg s5  }
0xaa: {  	[dreg:$0x4] =	wrdreg $0xC0  }
0xab: {  	_ =	task [dreg:s7], $0x5FFFF  }
0xac: {  	[dreg:$0x1] =	wrdreg $0xFFFFFFFF  }
0xad: {  	[dreg:$0x0] =	wrdreg $0x60  }
0xae: {  	[dreg:$0x2] =	wrdreg s24  }
0xaf: {  	[dreg:$0x3] =	wrdreg s2  }
0xb0: {  	[dreg:$0x4] =	wrdreg $0x90000  }
0xb1: {  	[dreg:$0x5] =	wrdreg $0x9  }
0xb2: {  	_ =	task.clear_ibuf [dreg:s7], $0x6FFFF;
	_ =	strace $0x90000046  }
0xb3: {  	s29 =	simm.s32 $0x9;
	_ =	strace $0x80000048  }
0xb4: {  	_ =	swait.ge [sflag:s29], $0x1  }
0xb5: {  	[sflag:s29] =	ssyncadd.s32 $0xFFFFFFFF  }
0xb6: {  	_ =	strace $0x90000048  }
0xb7: {  	_ =	sfence  }
0xb8: {  	s30 =	sld [smem:$0x0];
	_ =	sdelay $0x2  }
0xb9: {  	s31 =	sshll.u32 s1, $0xD;
	s1 =	sshrl.u32 s1, $0x2  }
0xba: {  	s3 =	sand.u32 $0x4000, s31;
	s1 =	sadd.s32 s1, s30  }
0xbb: {  	s0 =	sor.u32 s3, s0;
	s1 =	sshll.u32 s1, $0x11  }
0xbc: {  	s0 =	sor.u32 s1, s0  }
0xbd: {  	s0 =	sadd.s32 $0x8F2B, s0  }
0xbe: {  	[sflag:s0] =	ssyncadd.remote.s32 $0x1  }
0xbf: {  	_ =	sfence.sel $0xFFFF  }
0xc0: {  	[dreg:$0x0] =	wrdreg $0xFFFFFFFF;
	(pc) =	sbr.abs _section_cstart, $3  }
0xc1: {  	[dreg:$0x1] =	wrdreg $0xFFFFFFFF  }
0xc2: {  	_ =	task.clear_ibuf [dreg:s7], $0x2FFFF;
	_ =	strace $0x9FFFFFFF  }
0xc3: {  	(tm) =	ssettm $0x7FFFFFFF  }
tec
execute0_lowered:
.L_overlay_start_1:
0x0: {  	(tag) =	ssettag $0x1  }
0x1: {  	s5 =	rddreg [dreg:$0x0]  }
0x2: {  	s6 =	rddreg [dreg:$0x1]  }
0x3: {  	s1 =	rddreg [dreg:$0x2];
	s2 =	srdreg.scid  }
0x4: {  	s0 =	rddreg [dreg:$0x3];
	s3 =	simm.s32 $0x0;
	s16 =	simm.s32 $0x2800  }
0x5: {  	s19 =	simm.s32 $0x80;
	s20 =	simm.s32 $0x5000;
	s15 =	sand.u32 $0x1, s2  }
0x6: {  	s21 =	simm.s32 $0x1;
	s2 =	stileid.u32;
	s7 =	smul.u32 $0x140000, s15  }
0x7: {  	s22 =	simm.s32 $0x0;
	[smem:$0x7FF] =	sst s3;
	s9 =	smul.u32 $0x14000, s2  }
0x8: {  	s4 =	sshll.u32 s15, $0x4;
	_ =	strace $0x80000047;
	s10 =	smul.u32 $0x50000, s2  }
0x9: {  	s29 =	ssub.s32 $0x2, s15;
	s31 =	smul.u32 $0x2800, s2;
	p0 =	sne.s32 s15, $0x0  }
0xa: {  	s15 =	simm.s32 $0x2;
	s17 =	sshll.u32 s2, $0x6;
	s8 =	sor.u32 s2, s4  }
0xb: {  	s4 =	sadd.s32 $0xCA00, s5;
	s12 =	sshrl.u32 s29, $0x1;
	s17 =	sor.u32 $0x1C02, s17  }
0xc: {  	s8 =	smul.u32 $0x500, s8;
	s7 =	sadd.s32 s9, s7;
	s14 =	ssub.s32 s29, s12  }
0xd: {  	s30 =	sshrl.u32 s10, $0x2;
	s12 =	sadd.s32 s4, s31;
	s7 =	sshrl.u32 s7, $0x3  }
0xe: {  	s14 =	smax.u32 s14, $0x1;
	s11 =	sadd.s32 s8, s5;
	s13 =	sadd.s32 s7, s5  }
0xf: {  	s5 =	sadd.s32 s6, s8;
	s6 =	sadd.s32 s30, s1;
	s7 =	sadd.s32 $0x2A00, s11  }
0x10: {  	s8 =	sadd.s32 $0x4000, s6;
	s9 =	sadd.s32 $0x8000, s6;
	s10 =	sadd.s32 $0xC000, s6  }
0x11: {  	v0 =	vimm.f32 $0.0e+00;
	s11 =	sadd.s32 $0x10000, s6;
	s13 =	sadd.s32 $0x34A00, s13;
	s18 =	sshrl.u32 s6, $0x3  }
.LBB2_1:
0x12: {  	[tilespmem:s3], [sflag:$0x2] =	stream.linear.gather [hbm4b:s5+s3], $0x2800, $0x38;
	[tilespmem:$0x1D000] =	vst v63  }
0x13: {  	_ =	swait.ge [sflag:s15], $0x2800  }
0x14: {  	[sflag:s15] =	ssyncset.done $0x0  }
.Ltmp0:
0x15: {  	[sflag:s15] =	ssyncadd.s32 $0xFFFFD800;
	(pc) =	sbr.rel @p0 .LBB2_3-.Ltmp0, $4  }
0x16: {  	[tilespmem:s16], [sflag:$0x2] =	stream.linear.gather [hbm4b:s7+s3], $0x2800, $0x38;
	[tilespmem:$0x1D000] =	vst v63  }
0x17: {  	_ =	swait.ge [sflag:s15], $0x2800  }
0x18: {  	[sflag:s15] =	ssyncset.done $0x0  }
0x19: {  	[sflag:s15] =	ssyncadd.s32 $0xFFFFD800  }
.Ltmp1:
0x1a: {  	(pc) =	sbr.rel .LBB2_6-.Ltmp1, $4  }
0x1b: {  	[spmem:s18], [sflag:s17] =	dma.local [hbm:s12], $0x2800  }
0x1c: {  	_ =	swait.ge [sflag:s15], $0x2800  }
0x1d: {  	[sflag:s15] =	ssyncset.done $0x0  }
0x1e: {  	[sflag:s15] =	ssyncadd.s32 $0xFFFFD800  }
.LBB2_3:
0x1f: {  	s23 =	sshra.s32 s3, $0x2;
	s24 =	sadd.s32 $0x200, s3  }
.LBB2_4:
0x20: {  	p1 =	sne.s32 s24, $0xFE00;
	[tilespmem:s23+$0x5070] =	vst v0  }
0x21: {  	[tilespmem:s23+$0x5000] =	vst v0  }
0x22: {  	[tilespmem:s23+$0x5010] =	vst v0  }
.Ltmp2:
0x23: {  	[tilespmem:s23+$0x5020] =	vst v0;
	(pc) =	sbr.rel @p1 .LBB2_4-.Ltmp2, $4  }
0x24: {  	[tilespmem:s23+$0x5030] =	vst v0  }
0x25: {  	[tilespmem:s23+$0x5040] =	vst v0  }
0x26: {  	[tilespmem:s23+$0x5050] =	vst v0  }
0x27: {  	[tilespmem:s23+$0x5060] =	vst v0;
	s23 =	sshra.s32 s24, $0x2;
	s24 =	sadd.s32 $0x200, s24  }
0x28: {  	[tilespmem:s23+$0x5070] =	vst v0  }
0x29: {  	[tilespmem:s23+$0x5000] =	vst v0  }
0x2a: {  	[tilespmem:s23+$0x5010] =	vst v0  }
0x2b: {  	[tilespmem:s23+$0x5020] =	vst v0  }
0x2c: {  	[tilespmem:s23+$0x5030] =	vst v0  }
0x2d: {  	[tilespmem:s23+$0x5040] =	vst v0  }
0x2e: {  	[tilespmem:s23+$0x5050] =	vst v0  }
0x2f: {  	[tilespmem:s23+$0x5060] =	vst v0  }
0x30: {  	[spmem:s6] =	stream.linear.scatter [tilespmem:s20], [sflag:$0x2], $0x4000, $0x38;
	[tilespmem:$0x1D000] =	vst v63  }
0x31: {  	_ =	swait.ge [sflag:s15], $0x4000  }
0x32: {  	[sflag:s15] =	ssyncset.done $0x0  }
0x33: {  	[sflag:s15] =	ssyncadd.s32 $0xFFFFC000  }
0x34: {  	[spmem:s8] =	stream.linear.scatter [tilespmem:s20], [sflag:$0x2], $0x4000, $0x38;
	[tilespmem:$0x1D000] =	vst v63  }
0x35: {  	_ =	swait.ge [sflag:s15], $0x4000  }
0x36: {  	[sflag:s15] =	ssyncset.done $0x0  }
0x37: {  	[sflag:s15] =	ssyncadd.s32 $0xFFFFC000  }
0x38: {  	[spmem:s9] =	stream.linear.scatter [tilespmem:s20], [sflag:$0x2], $0x4000, $0x38;
	[tilespmem:$0x1D000] =	vst v63  }
0x39: {  	_ =	swait.ge [sflag:s15], $0x4000  }
0x3a: {  	[sflag:s15] =	ssyncset.done $0x0  }
0x3b: {  	[sflag:s15] =	ssyncadd.s32 $0xFFFFC000  }
0x3c: {  	[spmem:s10] =	stream.linear.scatter [tilespmem:s20], [sflag:$0x2], $0x4000, $0x38;
	[tilespmem:$0x1D000] =	vst v63  }
0x3d: {  	_ =	swait.ge [sflag:s15], $0x4000  }
0x3e: {  	[sflag:s15] =	ssyncset.done $0x0  }
0x3f: {  	[sflag:s15] =	ssyncadd.s32 $0xFFFFC000  }
0x40: {  	[spmem:s11] =	stream.linear.scatter [tilespmem:s20], [sflag:$0x2], $0x4000, $0x38;
	[tilespmem:$0x1D000] =	vst v63  }
0x41: {  	_ =	swait.ge [sflag:s15], $0x4000  }
0x42: {  	[sflag:s15] =	ssyncset.done $0x0  }
0x43: {  	[sflag:s15] =	ssyncadd.s32 $0xFFFFC000  }
.LBB2_6:
0x44: {  	[bflag:$0x0] =	sbarrier.arrive $0xFFFF;
	s23 =	simm.s32 $0x0  }
0x45: {  	[tilespmem:s20], [sflag:$0x1] =	stream.indirect.gather [hbm4b:s4+s19], $0x80, s23, s19, $0xb8;
	[tilespmem:$0x1D000] =	vst v63  }
0x46: {  	_ =	swait.ge [sflag:s21], $0x4000  }
0x47: {  	[sflag:s21] =	ssyncset.done $0x0  }
0x48: {  	s31 =	simm.s32 $0x2800;
	[sflag:s21] =	ssyncadd.s32 $0xFFFFC000  }
0x49: {  	[spmem:s1] =	stream.indirect.scatter.add.f32 [tilespmem:s20], [sflag:$0x2], $0x80, s31, s19, $0xb8;
	[tilespmem:$0x1D000] =	vst v63  }
0x4a: {  	_ =	swait.ge [sflag:s15], $0x4000  }
0x4b: {  	s24 =	simm.s32 $0x400;
	s23 =	simm.s32 $0x200;
	[sflag:s15] =	ssyncset.done $0x0  }
.LBB2_7:
0x4c: {  	s25 =	sshra.s32 s23, $0x2  }
0x4d: {  	[sflag:s15] =	ssyncadd.s32 $0xFFFFC000;
	s23 =	smov.u32 s24;
	s26 =	sadd.s32 $0x200, s24  }
0x4e: {  	[tilespmem:s20], [sflag:$0x1] =	stream.indirect.gather [hbm4b:s4+s19], $0x80, s25, s19, $0xb8;
	[tilespmem:$0x1D000] =	vst v63  }
0x4f: {  	p1 =	sne.s32 s24, $0x9E00;
	_ =	swait.ge [sflag:s21], $0x4000  }
.Ltmp3:
0x50: {  	[sflag:s21] =	ssyncset.done $0x0;
	(pc) =	sbr.rel @p1 .LBB2_7-.Ltmp3, $4  }
0x51: {  	s24 =	sadd.s32 $0x2800, s25;
	[sflag:s21] =	ssyncadd.s32 $0xFFFFC000  }
0x52: {  	[spmem:s1] =	stream.indirect.scatter.add.f32 [tilespmem:s20], [sflag:$0x2], $0x80, s24, s19, $0xb8;
	[tilespmem:$0x1D000] =	vst v63  }
0x53: {  	_ =	swait.ge [sflag:s15], $0x4000  }
0x54: {  	s24 =	smov.u32 s26;
	[sflag:s15] =	ssyncset.done $0x0  }
0x55: {  	s23 =	sshra.s32 s23, $0x2;
	[sflag:s15] =	ssyncadd.s32 $0xFFFFC000  }
0x56: {  	[tilespmem:s20], [sflag:$0x1] =	stream.indirect.gather [hbm4b:s4+s19], $0x80, s23, s19, $0xb8;
	[tilespmem:$0x1D000] =	vst v63  }
0x57: {  	_ =	swait.ge [sflag:s21], $0x4000  }
0x58: {  	[sflag:s21] =	ssyncset.done $0x0  }
0x59: {  	s23 =	sadd.s32 $0x2800, s23;
	[sflag:s21] =	ssyncadd.s32 $0xFFFFC000  }
0x5a: {  	[spmem:s1] =	stream.indirect.scatter.add.f32 [tilespmem:s20], [sflag:$0x2], $0x80, s23, s19, $0xb8;
	[tilespmem:$0x1D000] =	vst v63  }
0x5b: {  	_ =	swait.ge [sflag:s15], $0x4000  }
0x5c: {  	s22 =	sadd.s32 $0x1, s22;
	[sflag:s15] =	ssyncset.done $0x0  }
0x5d: {  	p1 =	sne.s32 s22, s14;
	[sflag:s15] =	ssyncadd.s32 $0xFFFFC000  }
.Ltmp4:
0x5e: {  	[bflag:$0x0] =	sbarrier.arrive $0xFFFF;
	(pc) =	sbr.rel @p1 .LBB2_1-.Ltmp4, $4  }
0x5f: {  	[hbm:s13], [sflag:s17] =	dma.local [spmem:s18], $0x2800  }
0x60: {  	_ =	swait.ge [sflag:s15], $0x2800  }
0x61: {  	[sflag:s15] =	ssyncset.done $0x0  }
0x62: {  	[sflag:s15] =	ssyncadd.s32 $0xFFFFD800  }
0x63: {  	_ =	sfence.sel $0x180000  }
0x64: {  	[bflag:$0x0] =	sbarrier.arrive $0xFFFF  }
0x65: {  	p0 =	sne.s32 s2, $0x0;
	_ =	strace $0x90000047  }
0x66: {  	s0 =	sadd.s32 @!p0 $0x100000, s0;
	[bflag:$0x2] =	sbarrier.arrive $0xFFFF  }
0x67: {  	[sflag:s0] =	ssyncadd.tile.s32 @!p0 $0x1;
	_ =	shalt  }
.Lfunc_end2:
_tile_overlayer_lowered:
.L_overlay_start_2:
0x68: {  	(tag) =	ssettag $0x2  }
0x69: {  	s0 =	rddreg [dreg:$0x0];
	s2 =	stileid.u32  }
0x6a: {  	s1 =	rddreg [dreg:$0x1];
	p0 =	sne.s32 s2, $0x0  }
0x6b: {  	s3 =	rddreg [dreg:$0x2];
	[bflag:$0x3] =	sbarrier.arrive $0xFFFF;
	s2 =	simm.s32 @!p0 $0x1C02  }
0x6c: {  	[timem:s3], [sflag:s2] =	dma.local @!p0 [hbm:s0], s1  }
0x6d: {  	s0 =	simm.s32 @!p0 $0x2  }
0x6e: {  	_ =	swait.ge @!p0 [sflag:s0], s1  }
0x6f: {  	s1 =	ssub.s32 @!p0 $0x0, s1;
	[sflag:s0] =	ssyncset.done @!p0 $0x0  }
0x70: {  	[sflag:s0] =	ssyncadd.s32 @!p0 s1  }
0x71: {  	[bflag:$0x3] =	sbarrier.arrive $0xFFFF  }
0x72: {  	_ =	shalt  }

// kernel: kernel.13.cloned.1.call-start
scs
__scs_entry_jumppad:
0x0: {  	(pc) =	sbr.rel $0x88, $3  }
0x1: {  	(tag) =	ssettag $0x0;
	lr =	simm.s32 $0x1  }
0x2: {  	[smem:$0x3F99] =	sst lr;
	_ =	strace $0xD0000000  }
0x3: {  	_ = 	snop  }
0x4: {  	_ = 	snop  }
0x5: {  	_ = 	snop  }
0x6: {  	_ = 	snop  }
0x7: {  	_ = 	snop  }
__scs_overlays_trampoline_lowered:
0x8: {  	[smem:$0x3FA8] =	sst s0  }
0x9: {  	[smem:$0x3FA9] =	sst s1  }
0xa: {  	[smem:$0x3FAA] =	sst s2  }
0xb: {  	[smem:$0x3FAB] =	sst s3  }
0xc: {  	[smem:$0x3FAC] =	sst s4  }
0xd: {  	[smem:$0x3FAD] =	sst s5  }
0xe: {  	[smem:$0x3FAE] =	sst s6  }
0xf: {  	[smem:$0x3FAF] =	sst s7  }
0x10: {  	[smem:$0x3FB0] =	sst s8  }
0x11: {  	[smem:$0x3FB1] =	sst s9;
	s0 =	simm.s32 @!p0 $0x0  }
0x12: {  	s1 =	sld [smem:$0x3F97];
	s0 =	simm.s32 @p0 $0x1  }
0x13: {  	[smem:$0x3FB2] =	sst s0;
	s0 =	simm.s32 @!p1 $0x0  }
0x14: {  	s2 =	sld [smem:$0x3F96];
	s0 =	simm.s32 @p1 $0x1  }
0x15: {  	[smem:$0x3FB3] =	sst s0;
	s0 =	simm.s32 @!p2 $0x0  }
0x16: {  	s3 =	sld [smem:$0x3FDB];
	s0 =	simm.s32 @p2 $0x1  }
0x17: {  	s4 =	simm.s32 $0x1BF5;
	[smem:$0x3FB5] =	sst s0  }
0x18: {  	s0 =	sld [smem:$0x3F98];
	_ =	swait.ge [sflag:s4], $0x0  }
0x19: {  	s7 =	sld [smem:$0x3F99]  }
0x1a: {  	s8 =	sadd.s32 $0xFFFFE003, lr  }
0x1b: {  	s9 =	sadd.s32 $0xFFFFFEF7, lr;
	s5 =	simm.s32 $0xFFFFFFFF;
	p2 =	slt.u32 s8, $0xFFFFF086  }
0x1c: {  	p1 =	slt.u32 s9, $0xF7A;
	s5 =	simm.s32 @!p2 $0x0  }
0x1d: {  	s5 =	simm.s32 @p1 $0x1;
	p0 =	seq.s32 s7, s2  }
0x1e: {  	s7 =	smul.u32 @!p0 $0xF7A, s2;
	p2 =	seq.s32 @!p0 s5, $0x0  }
0x1f: {  	s9 =	smul.u32 $0xF7A, s1;
	s8 =	simm.s32 @!p0 $0x1BF5;
	p2 =	por !p2, p0  }
0x20: {  	[sflag:s8] =	ssyncset.s32 @!p0 $0xFFFFF086;
	s6 =	sadd.s32 @!p0 s3, s7;
	s7 =	simm.s32 @!p0 $0x108  }
0x21: {  	s3 =	sadd.s32 s3, s9;
	s6 =	sadd.s32 @!p0 $0x88, s6;
	s7 =	simm.s32 @p2 $0x1082  }
0x22: {  	[simem:s7], [sflag:s8] =	dma.local @!p0 [hbm:s6], $0xF7A  }
0x23: {  	s9 =	sor.u32 $0xD0000000, s2;
	s6 =	simm.s32 $0x108;
	_ =	swait.ge @!p0 [sflag:s8], $0x0  }
0x24: {  	s3 =	sadd.s32 $0x88, s3;
	s6 =	simm.s32 @!p1 $0x1082;
	[sflag:s4] =	ssyncset.s32 $0xFFFFF086  }
0x25: {  	[simem:s6], [sflag:s4] =	dma.local [hbm:s3], $0xF7A  }
0x26: {  	[smem:$0x3F99] =	sst s1;
	(tag) =	ssettag s2;
	_ =	strace s9  }
0x27: {  	s1 =	sld [smem:$0x3FA9]  }
0x28: {  	s2 =	sld [smem:$0x3FAA]  }
0x29: {  	s4 =	sld [smem:$0x3FAC]  }
0x2a: {  	p0 =	seq.s32 s5, $0x0;
	s5 =	sld [smem:$0x3FAD]  }
0x2b: {  	s6 =	sld [smem:$0x3FAE]  }
0x2c: {  	s7 =	sld [smem:$0x3FAF]  }
0x2d: {  	s3 =	simm.s32 $0x108;
	s8 =	sld [smem:$0x3FB0]  }
0x2e: {  	s3 =	simm.s32 @!p0 $0x1082;
	s9 =	sld [smem:$0x3FB1]  }
0x2f: {  	lr =	sadd.s32 s0, s3;
	s0 =	sld [smem:$0x3FA8]  }
0x30: {  	s3 =	sld [smem:$0x3FAB]  }
0x31: {  	[smem:$0x3FB4] =	sst s10  }
0x32: {  	s10 =	sld [smem:$0x3FB2];
	_ =	sdelay $0x3  }
0x33: {  	p0 =	seq.s32 s10, $0x1;
	s10 =	sld [smem:$0x3FB4];
	_ =	sdelay $0x3  }
0x34: {  	[smem:$0x3FB4] =	sst s10  }
0x35: {  	s10 =	sld [smem:$0x3FB3];
	_ =	sdelay $0x3  }
0x36: {  	p1 =	seq.s32 s10, $0x1;
	s10 =	sld [smem:$0x3FB4];
	_ =	sdelay $0x3  }
0x37: {  	[smem:$0x3FB4] =	sst s10  }
0x38: {  	s10 =	sld [smem:$0x3FB5]  }
0x39: {  	_ = 	snop;
	(pc) =	sbr.ind lr, $3  }
0x3a: {  	_ = 	snop  }
0x3b: {  	_ = 	snop  }
0x3c: {  	p2 =	seq.s32 s10, $0x1;
	s10 =	sld [smem:$0x3FB4]  }
0x3d: {  	_ =	shalt  }
0x3e: {  	_ =	shalt  }
0x3f: {  	_ =	shalt  }
0x40: {  	_ =	shalt  }
0x41: {  	_ =	shalt  }
0x42: {  	_ =	shalt  }
0x43: {  	_ =	shalt  }
0x44: {  	_ =	shalt  }
0x45: {  	_ =	shalt  }
0x46: {  	_ =	shalt  }
0x47: {  	_ =	shalt  }
0x48: {  	_ =	shalt  }
0x49: {  	_ =	shalt  }
0x4a: {  	_ =	shalt  }
0x4b: {  	_ =	shalt  }
0x4c: {  	_ =	shalt  }
0x4d: {  	_ =	shalt  }
0x4e: {  	_ =	shalt  }
0x4f: {  	_ =	shalt  }
0x50: {  	_ =	shalt  }
0x51: {  	_ =	shalt  }
0x52: {  	_ =	shalt  }
0x53: {  	_ =	shalt  }
0x54: {  	_ =	shalt  }
0x55: {  	_ =	shalt  }
0x56: {  	_ =	shalt  }
0x57: {  	_ =	shalt  }
0x58: {  	_ =	shalt  }
0x59: {  	_ =	shalt  }
0x5a: {  	_ =	shalt  }
0x5b: {  	_ =	shalt  }
0x5c: {  	_ =	shalt  }
0x5d: {  	_ =	shalt  }
0x5e: {  	_ =	shalt  }
0x5f: {  	_ =	shalt  }
0x60: {  	_ =	shalt  }
0x61: {  	_ =	shalt  }
0x62: {  	_ =	shalt  }
0x63: {  	_ =	shalt  }
0x64: {  	_ =	shalt  }
0x65: {  	_ =	shalt  }
0x66: {  	_ =	shalt  }
0x67: {  	_ =	shalt  }
0x68: {  	_ =	shalt  }
0x69: {  	_ =	shalt  }
0x6a: {  	_ =	shalt  }
0x6b: {  	_ =	shalt  }
0x6c: {  	_ =	shalt  }
0x6d: {  	_ =	shalt  }
0x6e: {  	_ =	shalt  }
0x6f: {  	_ =	shalt  }
0x70: {  	_ =	shalt  }
0x71: {  	_ =	shalt  }
0x72: {  	_ =	shalt  }
0x73: {  	_ =	shalt  }
0x74: {  	_ =	shalt  }
0x75: {  	_ =	shalt  }
0x76: {  	_ =	shalt  }
0x77: {  	_ =	shalt  }
0x78: {  	_ =	shalt  }
0x79: {  	_ =	shalt  }
0x7a: {  	_ =	shalt  }
0x7b: {  	_ =	shalt  }
0x7c: {  	_ =	shalt  }
0x7d: {  	_ =	shalt  }
0x7e: {  	_ =	shalt  }
0x7f: {  	_ =	shalt  }
0x80: {  	_ =	shalt  }
0x81: {  	_ =	shalt  }
0x82: {  	_ =	shalt  }
0x83: {  	_ =	shalt  }
0x84: {  	_ =	shalt  }
0x85: {  	_ =	shalt  }
0x86: {  	_ =	shalt  }
0x87: {  	_ =	shalt  }
.Lfunc_end0:
.L_simem_size_0:
called_computation.1_lowered:
.L_overlay_start_0:
0x88: {  	s2 =	sld [smem:$0x3FD9]  }
0x89: {  	s3 =	sld [smem:$0x3FFE];
	_ =	sdelay $0x1  }
0x8a: {  	s1 =	srdreg.scid  }
0x8b: {  	s0 =	sand.u32 $0x1, s1  }
0x8c: {  	s17 =	sshll.u32 s0, $0xA;
	s2 =	sadd.s32 s3, s2  }
0x8d: {  	s2 =	sadd.s32 s2, s17  }
0x8e: {  	[smem:$0x3FC0] =	sst s2  }
0x8f: {  	_ = 	snop  }
0x90: {  	s2 =	sld [smem:$0x3FD0];
	(tm) =	ssettm $0x1  }
0x91: {  	s18 =	sld [smem:$0x3FFB];
	_ =	sdelay $0x3  }
0x92: {  	_ =	strace s18  }
0x93: {  	s3 =	sld [smem:$0x3FFC];
	_ =	sdelay $0x3  }
0x94: {  	_ =	strace s3  }
0x95: {  	s3 =	sld [smem:$0x3FFD];
	_ =	sdelay $0x3  }
0x96: {  	_ =	strace s3  }
0x97: {  	_ =	strace $0x8FFFFFFF  }
0x98: {  	s19 =	sld [smem:$0x3FDB];
	_ =	sdelay $0x1  }
0x99: {  	s4 =	simm.s32 $_scs_section_size  }
0x9a: {  	s5 =	simm.s32 $_size__tile_overlayer_lowered;
	s6 =	simm.s32 $_tile_overlayer_lowered  }
0x9b: {  	s22 =	simm.s32 $0x1BFF;
	s21 =	sshll.u32 s6, $0x1;
	s3 =	sadd.s32 s4, s19  }
0x9c: {  	s7 =	simm.s32 $0x0;
	s20 =	sshll.u32 s5, $0x1;
	s5 =	sadd.s32 s21, s3  }
0x9d: {  	[timem:s7], [sflag:s22] =	dma.local [hbm:s5], s20  }
0x9e: {  	_ =	swait.ge [sflag:s22], s20  }
0x9f: {  	s4 =	ssub.s32 $0x0, s20;
	[sflag:s22] =	ssyncset.done $0x0  }
0xa0: {  	[sflag:s22] =	ssyncadd.s32 s4;
	_ =	sdelay $0x1  }
0xa1: {  	s23 =	simm.s32 $0x1B8B  }
0xa2: {  	_ =	swait.ge [sflag:s23], $0x1  }
0xa3: {  	[sflag:s23] =	ssyncset.done $0x0  }
0xa4: {  	s25 =	simm.s32 $0x1B8E;
	s24 =	sld [smem:$0x3FFE];
	[sflag:s23] =	ssyncadd.s32 $0xFFFFFFFF  }
0xa5: {  	s26 =	simm.s32 $execute0_lowered;
	[smem:$0x3FD2] =	sst s25  }
0xa6: {  	s5 =	sshll.u32 s26, $0x1;
	_ =	strace $0x80000049;
	[dreg:$0x1] =	wrdreg $0xFFFFFFFF  }
0xa7: {  	s28 =	simm.s32 $_size_execute0_lowered;
	s3 =	sadd.s32 s3, s5;
	[dreg:$0x0] =	wrdreg $0x0  }
0xa8: {  	s5 =	sshll.u32 s28, $0x1;
	[dreg:$0x2] =	wrdreg s3  }
0xa9: {  	[dreg:$0x3] =	wrdreg s5  }
0xaa: {  	[dreg:$0x4] =	wrdreg $0xC0  }
0xab: {  	_ =	task [dreg:s7], $0x5FFFF  }
0xac: {  	[dreg:$0x1] =	wrdreg $0xFFFFFFFF  }
0xad: {  	[dreg:$0x0] =	wrdreg $0x60  }
0xae: {  	[dreg:$0x2] =	wrdreg s24  }
0xaf: {  	[dreg:$0x3] =	wrdreg s2  }
0xb0: {  	[dreg:$0x4] =	wrdreg $0x90000  }
0xb1: {  	[dreg:$0x5] =	wrdreg $0x9  }
0xb2: {  	_ =	task.clear_ibuf [dreg:s7], $0x6FFFF;
	_ =	strace $0x90000049  }
0xb3: {  	s29 =	simm.s32 $0x9;
	_ =	strace $0x8000004B  }
0xb4: {  	_ =	swait.ge [sflag:s29], $0x1  }
0xb5: {  	[sflag:s29] =	ssyncadd.s32 $0xFFFFFFFF  }
0xb6: {  	_ =	strace $0x9000004B  }
0xb7: {  	_ =	sfence  }
0xb8: {  	s30 =	sld [smem:$0x0];
	_ =	sdelay $0x2  }
0xb9: {  	s31 =	sshll.u32 s1, $0xD;
	s1 =	sshrl.u32 s1, $0x2  }
0xba: {  	s3 =	sand.u32 $0x4000, s31;
	s1 =	sadd.s32 s1, s30  }
0xbb: {  	s0 =	sor.u32 s3, s0;
	s1 =	sshll.u32 s1, $0x11  }
0xbc: {  	s0 =	sor.u32 s1, s0  }
0xbd: {  	s0 =	sadd.s32 $0x8F2B, s0  }
0xbe: {  	[sflag:s0] =	ssyncadd.remote.s32 $0x1  }
0xbf: {  	_ =	sfence.sel $0xFFFF  }
0xc0: {  	[dreg:$0x0] =	wrdreg $0xFFFFFFFF;
	(pc) =	sbr.abs _section_cstart, $3  }
0xc1: {  	[dreg:$0x1] =	wrdreg $0xFFFFFFFF  }
0xc2: {  	_ =	task.clear_ibuf [dreg:s7], $0x2FFFF;
	_ =	strace $0x9FFFFFFF  }
0xc3: {  	(tm) =	ssettm $0x7FFFFFFF  }
tec
execute0_lowered:
.L_overlay_start_1:
0x0: {  	(tag) =	ssettag $0x1  }
0x1: {  	s5 =	rddreg [dreg:$0x0]  }
0x2: {  	s6 =	rddreg [dreg:$0x1]  }
0x3: {  	s1 =	rddreg [dreg:$0x2];
	s2 =	srdreg.scid  }
0x4: {  	s0 =	rddreg [dreg:$0x3];
	s3 =	simm.s32 $0x0;
	s16 =	simm.s32 $0x2800  }
0x5: {  	s19 =	simm.s32 $0x80;
	s20 =	simm.s32 $0x5000;
	s15 =	sand.u32 $0x1, s2  }
0x6: {  	s21 =	simm.s32 $0x1;
	s2 =	stileid.u32;
	s7 =	smul.u32 $0x140000, s15  }
0x7: {  	s22 =	simm.s32 $0x0;
	[smem:$0x7FF] =	sst s3;
	s9 =	smul.u32 $0x14000, s2  }
0x8: {  	s4 =	sshll.u32 s15, $0x4;
	_ =	strace $0x8000004A;
	s10 =	smul.u32 $0x50000, s2  }
0x9: {  	s29 =	ssub.s32 $0x2, s15;
	s31 =	smul.u32 $0x2800, s2;
	p0 =	sne.s32 s15, $0x0  }
0xa: {  	s15 =	simm.s32 $0x2;
	s17 =	sshll.u32 s2, $0x6;
	s8 =	sor.u32 s2, s4  }
0xb: {  	s4 =	sadd.s32 $0xCA00, s5;
	s12 =	sshrl.u32 s29, $0x1;
	s17 =	sor.u32 $0x1C02, s17  }
0xc: {  	s8 =	smul.u32 $0x500, s8;
	s7 =	sadd.s32 s9, s7;
	s14 =	ssub.s32 s29, s12  }
0xd: {  	s30 =	sshrl.u32 s10, $0x2;
	s12 =	sadd.s32 s4, s31;
	s7 =	sshrl.u32 s7, $0x3  }
0xe: {  	s14 =	smax.u32 s14, $0x1;
	s11 =	sadd.s32 s8, s5;
	s13 =	sadd.s32 s7, s5  }
0xf: {  	s5 =	sadd.s32 s6, s8;
	s6 =	sadd.s32 s30, s1;
	s7 =	sadd.s32 $0x2A00, s11  }
0x10: {  	s8 =	sadd.s32 $0x4000, s6;
	s9 =	sadd.s32 $0x8000, s6;
	s10 =	sadd.s32 $0xC000, s6  }
0x11: {  	v0 =	vimm.f32 $0.0e+00;
	s11 =	sadd.s32 $0x10000, s6;
	s13 =	sadd.s32 $0x34A00, s13;
	s18 =	sshrl.u32 s6, $0x3  }
.LBB2_1:
0x12: {  	[tilespmem:s3], [sflag:$0x2] =	stream.linear.gather [hbm4b:s5+s3], $0x2800, $0x38;
	[tilespmem:$0x1D000] =	vst v63  }
0x13: {  	_ =	swait.ge [sflag:s15], $0x2800  }
0x14: {  	[sflag:s15] =	ssyncset.done $0x0  }
.Ltmp0:
0x15: {  	[sflag:s15] =	ssyncadd.s32 $0xFFFFD800;
	(pc) =	sbr.rel @p0 .LBB2_3-.Ltmp0, $4  }
0x16: {  	[tilespmem:s16], [sflag:$0x2] =	stream.linear.gather [hbm4b:s7+s3], $0x2800, $0x38;
	[tilespmem:$0x1D000] =	vst v63  }
0x17: {  	_ =	swait.ge [sflag:s15], $0x2800  }
0x18: {  	[sflag:s15] =	ssyncset.done $0x0  }
0x19: {  	[sflag:s15] =	ssyncadd.s32 $0xFFFFD800  }
.Ltmp1:
0x1a: {  	(pc) =	sbr.rel .LBB2_6-.Ltmp1, $4  }
0x1b: {  	[spmem:s18], [sflag:s17] =	dma.local [hbm:s12], $0x2800  }
0x1c: {  	_ =	swait.ge [sflag:s15], $0x2800  }
0x1d: {  	[sflag:s15] =	ssyncset.done $0x0  }
0x1e: {  	[sflag:s15] =	ssyncadd.s32 $0xFFFFD800  }
.LBB2_3:
0x1f: {  	s23 =	sshra.s32 s3, $0x2;
	s24 =	sadd.s32 $0x200, s3  }
.LBB2_4:
0x20: {  	p1 =	sne.s32 s24, $0xFE00;
	[tilespmem:s23+$0x5070] =	vst v0  }
0x21: {  	[tilespmem:s23+$0x5000] =	vst v0  }
0x22: {  	[tilespmem:s23+$0x5010] =	vst v0  }
.Ltmp2:
0x23: {  	[tilespmem:s23+$0x5020] =	vst v0;
	(pc) =	sbr.rel @p1 .LBB2_4-.Ltmp2, $4  }
0x24: {  	[tilespmem:s23+$0x5030] =	vst v0  }
0x25: {  	[tilespmem:s23+$0x5040] =	vst v0  }
0x26: {  	[tilespmem:s23+$0x5050] =	vst v0  }
0x27: {  	[tilespmem:s23+$0x5060] =	vst v0;
	s23 =	sshra.s32 s24, $0x2;
	s24 =	sadd.s32 $0x200, s24  }
0x28: {  	[tilespmem:s23+$0x5070] =	vst v0  }
0x29: {  	[tilespmem:s23+$0x5000] =	vst v0  }
0x2a: {  	[tilespmem:s23+$0x5010] =	vst v0  }
0x2b: {  	[tilespmem:s23+$0x5020] =	vst v0  }
0x2c: {  	[tilespmem:s23+$0x5030] =	vst v0  }
0x2d: {  	[tilespmem:s23+$0x5040] =	vst v0  }
0x2e: {  	[tilespmem:s23+$0x5050] =	vst v0  }
0x2f: {  	[tilespmem:s23+$0x5060] =	vst v0  }
0x30: {  	[spmem:s6] =	stream.linear.scatter [tilespmem:s20], [sflag:$0x2], $0x4000, $0x38;
	[tilespmem:$0x1D000] =	vst v63  }
0x31: {  	_ =	swait.ge [sflag:s15], $0x4000  }
0x32: {  	[sflag:s15] =	ssyncset.done $0x0  }
0x33: {  	[sflag:s15] =	ssyncadd.s32 $0xFFFFC000  }
0x34: {  	[spmem:s8] =	stream.linear.scatter [tilespmem:s20], [sflag:$0x2], $0x4000, $0x38;
	[tilespmem:$0x1D000] =	vst v63  }
0x35: {  	_ =	swait.ge [sflag:s15], $0x4000  }
0x36: {  	[sflag:s15] =	ssyncset.done $0x0  }
0x37: {  	[sflag:s15] =	ssyncadd.s32 $0xFFFFC000  }
0x38: {  	[spmem:s9] =	stream.linear.scatter [tilespmem:s20], [sflag:$0x2], $0x4000, $0x38;
	[tilespmem:$0x1D000] =	vst v63  }
0x39: {  	_ =	swait.ge [sflag:s15], $0x4000  }
0x3a: {  	[sflag:s15] =	ssyncset.done $0x0  }
0x3b: {  	[sflag:s15] =	ssyncadd.s32 $0xFFFFC000  }
0x3c: {  	[spmem:s10] =	stream.linear.scatter [tilespmem:s20], [sflag:$0x2], $0x4000, $0x38;
	[tilespmem:$0x1D000] =	vst v63  }
0x3d: {  	_ =	swait.ge [sflag:s15], $0x4000  }
0x3e: {  	[sflag:s15] =	ssyncset.done $0x0  }
0x3f: {  	[sflag:s15] =	ssyncadd.s32 $0xFFFFC000  }
0x40: {  	[spmem:s11] =	stream.linear.scatter [tilespmem:s20], [sflag:$0x2], $0x4000, $0x38;
	[tilespmem:$0x1D000] =	vst v63  }
0x41: {  	_ =	swait.ge [sflag:s15], $0x4000  }
0x42: {  	[sflag:s15] =	ssyncset.done $0x0  }
0x43: {  	[sflag:s15] =	ssyncadd.s32 $0xFFFFC000  }
.LBB2_6:
0x44: {  	[bflag:$0x0] =	sbarrier.arrive $0xFFFF;
	s23 =	simm.s32 $0x0  }
0x45: {  	[tilespmem:s20], [sflag:$0x1] =	stream.indirect.gather [hbm4b:s4+s19], $0x80, s23, s19, $0xb8;
	[tilespmem:$0x1D000] =	vst v63  }
0x46: {  	_ =	swait.ge [sflag:s21], $0x4000  }
0x47: {  	[sflag:s21] =	ssyncset.done $0x0  }
0x48: {  	s31 =	simm.s32 $0x2800;
	[sflag:s21] =	ssyncadd.s32 $0xFFFFC000  }
0x49: {  	[spmem:s1] =	stream.indirect.scatter.add.f32 [tilespmem:s20], [sflag:$0x2], $0x80, s31, s19, $0xb8;
	[tilespmem:$0x1D000] =	vst v63  }
0x4a: {  	_ =	swait.ge [sflag:s15], $0x4000  }
0x4b: {  	s24 =	simm.s32 $0x400;
	s23 =	simm.s32 $0x200;
	[sflag:s15] =	ssyncset.done $0x0  }
.LBB2_7:
0x4c: {  	s25 =	sshra.s32 s23, $0x2  }
0x4d: {  	[sflag:s15] =	ssyncadd.s32 $0xFFFFC000;
	s23 =	smov.u32 s24;
	s26 =	sadd.s32 $0x200, s24  }
0x4e: {  	[tilespmem:s20], [sflag:$0x1] =	stream.indirect.gather [hbm4b:s4+s19], $0x80, s25, s19, $0xb8;
	[tilespmem:$0x1D000] =	vst v63  }
0x4f: {  	p1 =	sne.s32 s24, $0x9E00;
	_ =	swait.ge [sflag:s21], $0x4000  }
.Ltmp3:
0x50: {  	[sflag:s21] =	ssyncset.done $0x0;
	(pc) =	sbr.rel @p1 .LBB2_7-.Ltmp3, $4  }
0x51: {  	s24 =	sadd.s32 $0x2800, s25;
	[sflag:s21] =	ssyncadd.s32 $0xFFFFC000  }
0x52: {  	[spmem:s1] =	stream.indirect.scatter.add.f32 [tilespmem:s20], [sflag:$0x2], $0x80, s24, s19, $0xb8;
	[tilespmem:$0x1D000] =	vst v63  }
0x53: {  	_ =	swait.ge [sflag:s15], $0x4000  }
0x54: {  	s24 =	smov.u32 s26;
	[sflag:s15] =	ssyncset.done $0x0  }
0x55: {  	s23 =	sshra.s32 s23, $0x2;
	[sflag:s15] =	ssyncadd.s32 $0xFFFFC000  }
0x56: {  	[tilespmem:s20], [sflag:$0x1] =	stream.indirect.gather [hbm4b:s4+s19], $0x80, s23, s19, $0xb8;
	[tilespmem:$0x1D000] =	vst v63  }
0x57: {  	_ =	swait.ge [sflag:s21], $0x4000  }
0x58: {  	[sflag:s21] =	ssyncset.done $0x0  }
0x59: {  	s23 =	sadd.s32 $0x2800, s23;
	[sflag:s21] =	ssyncadd.s32 $0xFFFFC000  }
0x5a: {  	[spmem:s1] =	stream.indirect.scatter.add.f32 [tilespmem:s20], [sflag:$0x2], $0x80, s23, s19, $0xb8;
	[tilespmem:$0x1D000] =	vst v63  }
0x5b: {  	_ =	swait.ge [sflag:s15], $0x4000  }
0x5c: {  	s22 =	sadd.s32 $0x1, s22;
	[sflag:s15] =	ssyncset.done $0x0  }
0x5d: {  	p1 =	sne.s32 s22, s14;
	[sflag:s15] =	ssyncadd.s32 $0xFFFFC000  }
.Ltmp4:
0x5e: {  	[bflag:$0x0] =	sbarrier.arrive $0xFFFF;
	(pc) =	sbr.rel @p1 .LBB2_1-.Ltmp4, $4  }
0x5f: {  	[hbm:s13], [sflag:s17] =	dma.local [spmem:s18], $0x2800  }
0x60: {  	_ =	swait.ge [sflag:s15], $0x2800  }
0x61: {  	[sflag:s15] =	ssyncset.done $0x0  }
0x62: {  	[sflag:s15] =	ssyncadd.s32 $0xFFFFD800  }
0x63: {  	_ =	sfence.sel $0x180000  }
0x64: {  	[bflag:$0x0] =	sbarrier.arrive $0xFFFF  }
0x65: {  	p0 =	sne.s32 s2, $0x0;
	_ =	strace $0x9000004A  }
0x66: {  	s0 =	sadd.s32 @!p0 $0x100000, s0;
	[bflag:$0x2] =	sbarrier.arrive $0xFFFF  }
0x67: {  	[sflag:s0] =	ssyncadd.tile.s32 @!p0 $0x1;
	_ =	shalt  }
.Lfunc_end2:
_tile_overlayer_lowered:
.L_overlay_start_2:
0x68: {  	(tag) =	ssettag $0x2  }
0x69: {  	s0 =	rddreg [dreg:$0x0];
	s2 =	stileid.u32  }
0x6a: {  	s1 =	rddreg [dreg:$0x1];
	p0 =	sne.s32 s2, $0x0  }
0x6b: {  	s3 =	rddreg [dreg:$0x2];
	[bflag:$0x3] =	sbarrier.arrive $0xFFFF;
	s2 =	simm.s32 @!p0 $0x1C02  }
0x6c: {  	[timem:s3], [sflag:s2] =	dma.local @!p0 [hbm:s0], s1  }
0x6d: {  	s0 =	simm.s32 @!p0 $0x2  }
0x6e: {  	_ =	swait.ge @!p0 [sflag:s0], s1  }
0x6f: {  	s1 =	ssub.s32 @!p0 $0x0, s1;
	[sflag:s0] =	ssyncset.done @!p0 $0x0  }
0x70: {  	[sflag:s0] =	ssyncadd.s32 @!p0 s1  }
0x71: {  	[bflag:$0x3] =	sbarrier.arrive $0xFFFF  }
0x72: {  	_ =	shalt  }

// kernel: kernel.16.cloned.1.call-start
scs
__scs_entry_jumppad:
0x0: {  	(pc) =	sbr.rel $0x88, $3  }
0x1: {  	(tag) =	ssettag $0x0;
	lr =	simm.s32 $0x1  }
0x2: {  	[smem:$0x3F99] =	sst lr;
	_ =	strace $0xD0000000  }
0x3: {  	_ = 	snop  }
0x4: {  	_ = 	snop  }
0x5: {  	_ = 	snop  }
0x6: {  	_ = 	snop  }
0x7: {  	_ = 	snop  }
__scs_overlays_trampoline_lowered:
0x8: {  	[smem:$0x3FA8] =	sst s0  }
0x9: {  	[smem:$0x3FA9] =	sst s1  }
0xa: {  	[smem:$0x3FAA] =	sst s2  }
0xb: {  	[smem:$0x3FAB] =	sst s3  }
0xc: {  	[smem:$0x3FAC] =	sst s4  }
0xd: {  	[smem:$0x3FAD] =	sst s5  }
0xe: {  	[smem:$0x3FAE] =	sst s6  }
0xf: {  	[smem:$0x3FAF] =	sst s7  }
0x10: {  	[smem:$0x3FB0] =	sst s8  }
0x11: {  	[smem:$0x3FB1] =	sst s9;
	s0 =	simm.s32 @!p0 $0x0  }
0x12: {  	s1 =	sld [smem:$0x3F97];
	s0 =	simm.s32 @p0 $0x1  }
0x13: {  	[smem:$0x3FB2] =	sst s0;
	s0 =	simm.s32 @!p1 $0x0  }
0x14: {  	s2 =	sld [smem:$0x3F96];
	s0 =	simm.s32 @p1 $0x1  }
0x15: {  	[smem:$0x3FB3] =	sst s0;
	s0 =	simm.s32 @!p2 $0x0  }
0x16: {  	s3 =	sld [smem:$0x3FDB];
	s0 =	simm.s32 @p2 $0x1  }
0x17: {  	s4 =	simm.s32 $0x1BF5;
	[smem:$0x3FB5] =	sst s0  }
0x18: {  	s0 =	sld [smem:$0x3F98];
	_ =	swait.ge [sflag:s4], $0x0  }
0x19: {  	s7 =	sld [smem:$0x3F99]  }
0x1a: {  	s8 =	sadd.s32 $0xFFFFE003, lr  }
0x1b: {  	s9 =	sadd.s32 $0xFFFFFEF7, lr;
	s5 =	simm.s32 $0xFFFFFFFF;
	p2 =	slt.u32 s8, $0xFFFFF086  }
0x1c: {  	p1 =	slt.u32 s9, $0xF7A;
	s5 =	simm.s32 @!p2 $0x0  }
0x1d: {  	s5 =	simm.s32 @p1 $0x1;
	p0 =	seq.s32 s7, s2  }
0x1e: {  	s7 =	smul.u32 @!p0 $0xF7A, s2;
	p2 =	seq.s32 @!p0 s5, $0x0  }
0x1f: {  	s9 =	smul.u32 $0xF7A, s1;
	s8 =	simm.s32 @!p0 $0x1BF5;
	p2 =	por !p2, p0  }
0x20: {  	[sflag:s8] =	ssyncset.s32 @!p0 $0xFFFFF086;
	s6 =	sadd.s32 @!p0 s3, s7;
	s7 =	simm.s32 @!p0 $0x108  }
0x21: {  	s3 =	sadd.s32 s3, s9;
	s6 =	sadd.s32 @!p0 $0x88, s6;
	s7 =	simm.s32 @p2 $0x1082  }
0x22: {  	[simem:s7], [sflag:s8] =	dma.local @!p0 [hbm:s6], $0xF7A  }
0x23: {  	s9 =	sor.u32 $0xD0000000, s2;
	s6 =	simm.s32 $0x108;
	_ =	swait.ge @!p0 [sflag:s8], $0x0  }
0x24: {  	s3 =	sadd.s32 $0x88, s3;
	s6 =	simm.s32 @!p1 $0x1082;
	[sflag:s4] =	ssyncset.s32 $0xFFFFF086  }
0x25: {  	[simem:s6], [sflag:s4] =	dma.local [hbm:s3], $0xF7A  }
0x26: {  	[smem:$0x3F99] =	sst s1;
	(tag) =	ssettag s2;
	_ =	strace s9  }
0x27: {  	s1 =	sld [smem:$0x3FA9]  }
0x28: {  	s2 =	sld [smem:$0x3FAA]  }
0x29: {  	s4 =	sld [smem:$0x3FAC]  }
0x2a: {  	p0 =	seq.s32 s5, $0x0;
	s5 =	sld [smem:$0x3FAD]  }
0x2b: {  	s6 =	sld [smem:$0x3FAE]  }
0x2c: {  	s7 =	sld [smem:$0x3FAF]  }
0x2d: {  	s3 =	simm.s32 $0x108;
	s8 =	sld [smem:$0x3FB0]  }
0x2e: {  	s3 =	simm.s32 @!p0 $0x1082;
	s9 =	sld [smem:$0x3FB1]  }
0x2f: {  	lr =	sadd.s32 s0, s3;
	s0 =	sld [smem:$0x3FA8]  }
0x30: {  	s3 =	sld [smem:$0x3FAB]  }
0x31: {  	[smem:$0x3FB4] =	sst s10  }
0x32: {  	s10 =	sld [smem:$0x3FB2];
	_ =	sdelay $0x3  }
0x33: {  	p0 =	seq.s32 s10, $0x1;
	s10 =	sld [smem:$0x3FB4];
	_ =	sdelay $0x3  }
0x34: {  	[smem:$0x3FB4] =	sst s10  }
0x35: {  	s10 =	sld [smem:$0x3FB3];
	_ =	sdelay $0x3  }
0x36: {  	p1 =	seq.s32 s10, $0x1;
	s10 =	sld [smem:$0x3FB4];
	_ =	sdelay $0x3  }
0x37: {  	[smem:$0x3FB4] =	sst s10  }
0x38: {  	s10 =	sld [smem:$0x3FB5]  }
0x39: {  	_ = 	snop;
	(pc) =	sbr.ind lr, $3  }
0x3a: {  	_ = 	snop  }
0x3b: {  	_ = 	snop  }
0x3c: {  	p2 =	seq.s32 s10, $0x1;
	s10 =	sld [smem:$0x3FB4]  }
0x3d: {  	_ =	shalt  }
0x3e: {  	_ =	shalt  }
0x3f: {  	_ =	shalt  }
0x40: {  	_ =	shalt  }
0x41: {  	_ =	shalt  }
0x42: {  	_ =	shalt  }
0x43: {  	_ =	shalt  }
0x44: {  	_ =	shalt  }
0x45: {  	_ =	shalt  }
0x46: {  	_ =	shalt  }
0x47: {  	_ =	shalt  }
0x48: {  	_ =	shalt  }
0x49: {  	_ =	shalt  }
0x4a: {  	_ =	shalt  }
0x4b: {  	_ =	shalt  }
0x4c: {  	_ =	shalt  }
0x4d: {  	_ =	shalt  }
0x4e: {  	_ =	shalt  }
0x4f: {  	_ =	shalt  }
0x50: {  	_ =	shalt  }
0x51: {  	_ =	shalt  }
0x52: {  	_ =	shalt  }
0x53: {  	_ =	shalt  }
0x54: {  	_ =	shalt  }
0x55: {  	_ =	shalt  }
0x56: {  	_ =	shalt  }
0x57: {  	_ =	shalt  }
0x58: {  	_ =	shalt  }
0x59: {  	_ =	shalt  }
0x5a: {  	_ =	shalt  }
0x5b: {  	_ =	shalt  }
0x5c: {  	_ =	shalt  }
0x5d: {  	_ =	shalt  }
0x5e: {  	_ =	shalt  }
0x5f: {  	_ =	shalt  }
0x60: {  	_ =	shalt  }
0x61: {  	_ =	shalt  }
0x62: {  	_ =	shalt  }
0x63: {  	_ =	shalt  }
0x64: {  	_ =	shalt  }
0x65: {  	_ =	shalt  }
0x66: {  	_ =	shalt  }
0x67: {  	_ =	shalt  }
0x68: {  	_ =	shalt  }
0x69: {  	_ =	shalt  }
0x6a: {  	_ =	shalt  }
0x6b: {  	_ =	shalt  }
0x6c: {  	_ =	shalt  }
0x6d: {  	_ =	shalt  }
0x6e: {  	_ =	shalt  }
0x6f: {  	_ =	shalt  }
0x70: {  	_ =	shalt  }
0x71: {  	_ =	shalt  }
0x72: {  	_ =	shalt  }
0x73: {  	_ =	shalt  }
0x74: {  	_ =	shalt  }
0x75: {  	_ =	shalt  }
0x76: {  	_ =	shalt  }
0x77: {  	_ =	shalt  }
0x78: {  	_ =	shalt  }
0x79: {  	_ =	shalt  }
0x7a: {  	_ =	shalt  }
0x7b: {  	_ =	shalt  }
0x7c: {  	_ =	shalt  }
0x7d: {  	_ =	shalt  }
0x7e: {  	_ =	shalt  }
0x7f: {  	_ =	shalt  }
0x80: {  	_ =	shalt  }
0x81: {  	_ =	shalt  }
0x82: {  	_ =	shalt  }
0x83: {  	_ =	shalt  }
0x84: {  	_ =	shalt  }
0x85: {  	_ =	shalt  }
0x86: {  	_ =	shalt  }
0x87: {  	_ =	shalt  }
.Lfunc_end0:
.L_simem_size_0:
called_computation.2_lowered:
.L_overlay_start_0:
0x88: {  	s2 =	sld [smem:$0x3FD9]  }
0x89: {  	s3 =	sld [smem:$0x3FFE];
	_ =	sdelay $0x1  }
0x8a: {  	s1 =	srdreg.scid  }
0x8b: {  	s0 =	sand.u32 $0x1, s1  }
0x8c: {  	s17 =	sshll.u32 s0, $0xA;
	s2 =	sadd.s32 s3, s2  }
0x8d: {  	s2 =	sadd.s32 s2, s17  }
0x8e: {  	[smem:$0x3FC0] =	sst s2  }
0x8f: {  	_ = 	snop  }
0x90: {  	s2 =	sld [smem:$0x3FD0];
	(tm) =	ssettm $0x1  }
0x91: {  	s18 =	sld [smem:$0x3FFB];
	_ =	sdelay $0x3  }
0x92: {  	_ =	strace s18  }
0x93: {  	s3 =	sld [smem:$0x3FFC];
	_ =	sdelay $0x3  }
0x94: {  	_ =	strace s3  }
0x95: {  	s3 =	sld [smem:$0x3FFD];
	_ =	sdelay $0x3  }
0x96: {  	_ =	strace s3  }
0x97: {  	_ =	strace $0x8FFFFFFF  }
0x98: {  	s19 =	sld [smem:$0x3FDB];
	_ =	sdelay $0x1  }
0x99: {  	s4 =	simm.s32 $_scs_section_size  }
0x9a: {  	s5 =	simm.s32 $_size__tile_overlayer_lowered;
	s6 =	simm.s32 $_tile_overlayer_lowered  }
0x9b: {  	s22 =	simm.s32 $0x1BFF;
	s21 =	sshll.u32 s6, $0x1;
	s3 =	sadd.s32 s4, s19  }
0x9c: {  	s7 =	simm.s32 $0x0;
	s20 =	sshll.u32 s5, $0x1;
	s5 =	sadd.s32 s21, s3  }
0x9d: {  	[timem:s7], [sflag:s22] =	dma.local [hbm:s5], s20  }
0x9e: {  	_ =	swait.ge [sflag:s22], s20  }
0x9f: {  	s4 =	ssub.s32 $0x0, s20;
	[sflag:s22] =	ssyncset.done $0x0  }
0xa0: {  	[sflag:s22] =	ssyncadd.s32 s4;
	_ =	sdelay $0x1  }
0xa1: {  	s23 =	simm.s32 $0x1B8B  }
0xa2: {  	_ =	swait.ge [sflag:s23], $0x1  }
0xa3: {  	[sflag:s23] =	ssyncset.done $0x0  }
0xa4: {  	s25 =	simm.s32 $0x1B8E;
	s24 =	sld [smem:$0x3FFE];
	[sflag:s23] =	ssyncadd.s32 $0xFFFFFFFF  }
0xa5: {  	s26 =	simm.s32 $execute0_lowered;
	[smem:$0x3FD2] =	sst s25  }
0xa6: {  	s5 =	sshll.u32 s26, $0x1;
	_ =	strace $0x8000004C;
	[dreg:$0x1] =	wrdreg $0xFFFFFFFF  }
0xa7: {  	s28 =	simm.s32 $_size_execute0_lowered;
	s3 =	sadd.s32 s3, s5;
	[dreg:$0x0] =	wrdreg $0x0  }
0xa8: {  	s5 =	sshll.u32 s28, $0x1;
	[dreg:$0x2] =	wrdreg s3  }
0xa9: {  	[dreg:$0x3] =	wrdreg s5  }
0xaa: {  	[dreg:$0x4] =	wrdreg $0xC0  }
0xab: {  	_ =	task [dreg:s7], $0x5FFFF  }
0xac: {  	[dreg:$0x1] =	wrdreg $0xFFFFFFFF  }
0xad: {  	[dreg:$0x0] =	wrdreg $0x60  }
0xae: {  	[dreg:$0x2] =	wrdreg s24  }
0xaf: {  	[dreg:$0x3] =	wrdreg s2  }
0xb0: {  	[dreg:$0x4] =	wrdreg $0x90000  }
0xb1: {  	[dreg:$0x5] =	wrdreg $0x9  }
0xb2: {  	_ =	task.clear_ibuf [dreg:s7], $0x6FFFF;
	_ =	strace $0x9000004C  }
0xb3: {  	s29 =	simm.s32 $0x9;
	_ =	strace $0x8000004E  }
0xb4: {  	_ =	swait.ge [sflag:s29], $0x1  }
0xb5: {  	[sflag:s29] =	ssyncadd.s32 $0xFFFFFFFF  }
0xb6: {  	_ =	strace $0x9000004E  }
0xb7: {  	_ =	sfence  }
0xb8: {  	s30 =	sld [smem:$0x0];
	_ =	sdelay $0x2  }
0xb9: {  	s31 =	sshll.u32 s1, $0xD;
	s1 =	sshrl.u32 s1, $0x2  }
0xba: {  	s3 =	sand.u32 $0x4000, s31;
	s1 =	sadd.s32 s1, s30  }
0xbb: {  	s0 =	sor.u32 s3, s0;
	s1 =	sshll.u32 s1, $0x11  }
0xbc: {  	s0 =	sor.u32 s1, s0  }
0xbd: {  	s0 =	sadd.s32 $0x8F2B, s0  }
0xbe: {  	[sflag:s0] =	ssyncadd.remote.s32 $0x1  }
0xbf: {  	_ =	sfence.sel $0xFFFF  }
0xc0: {  	[dreg:$0x0] =	wrdreg $0xFFFFFFFF;
	(pc) =	sbr.abs _section_cstart, $3  }
0xc1: {  	[dreg:$0x1] =	wrdreg $0xFFFFFFFF  }
0xc2: {  	_ =	task.clear_ibuf [dreg:s7], $0x2FFFF;
	_ =	strace $0x9FFFFFFF  }
0xc3: {  	(tm) =	ssettm $0x7FFFFFFF  }
tec
execute0_lowered:
.L_overlay_start_1:
0x0: {  	(tag) =	ssettag $0x1  }
0x1: {  	s5 =	rddreg [dreg:$0x0]  }
0x2: {  	s6 =	rddreg [dreg:$0x1]  }
0x3: {  	s1 =	rddreg [dreg:$0x2];
	s2 =	srdreg.scid  }
0x4: {  	s0 =	rddreg [dreg:$0x3];
	s3 =	simm.s32 $0x0;
	s16 =	simm.s32 $0x2800  }
0x5: {  	s19 =	simm.s32 $0x80;
	s20 =	simm.s32 $0x5000;
	s15 =	sand.u32 $0x1, s2  }
0x6: {  	s21 =	simm.s32 $0x1;
	s2 =	stileid.u32;
	s7 =	smul.u32 $0x140000, s15  }
0x7: {  	s22 =	simm.s32 $0x0;
	[smem:$0x7FF] =	sst s3;
	s9 =	smul.u32 $0x14000, s2  }
0x8: {  	s4 =	sshll.u32 s15, $0x4;
	_ =	strace $0x8000004D;
	s10 =	smul.u32 $0x50000, s2  }
0x9: {  	s29 =	ssub.s32 $0x2, s15;
	s31 =	smul.u32 $0x2800, s2;
	p0 =	sne.s32 s15, $0x0  }
0xa: {  	s15 =	simm.s32 $0x2;
	s17 =	sshll.u32 s2, $0x6;
	s8 =	sor.u32 s2, s4  }
0xb: {  	s4 =	sadd.s32 $0xCA00, s5;
	s12 =	sshrl.u32 s29, $0x1;
	s17 =	sor.u32 $0x1C02, s17  }
0xc: {  	s8 =	smul.u32 $0x500, s8;
	s7 =	sadd.s32 s9, s7;
	s14 =	ssub.s32 s29, s12  }
0xd: {  	s30 =	sshrl.u32 s10, $0x2;
	s12 =	sadd.s32 s4, s31;
	s7 =	sshrl.u32 s7, $0x3  }
0xe: {  	s14 =	smax.u32 s14, $0x1;
	s11 =	sadd.s32 s8, s5;
	s13 =	sadd.s32 s7, s5  }
0xf: {  	s5 =	sadd.s32 s6, s8;
	s6 =	sadd.s32 s30, s1;
	s7 =	sadd.s32 $0x2A00, s11  }
0x10: {  	s8 =	sadd.s32 $0x4000, s6;
	s9 =	sadd.s32 $0x8000, s6;
	s10 =	sadd.s32 $0xC000, s6  }
0x11: {  	v0 =	vimm.f32 $0.0e+00;
	s11 =	sadd.s32 $0x10000, s6;
	s13 =	sadd.s32 $0x34A00, s13;
	s18 =	sshrl.u32 s6, $0x3  }
.LBB2_1:
0x12: {  	[tilespmem:s3], [sflag:$0x2] =	stream.linear.gather [hbm4b:s5+s3], $0x2800, $0x38;
	[tilespmem:$0x1D000] =	vst v63  }
0x13: {  	_ =	swait.ge [sflag:s15], $0x2800  }
0x14: {  	[sflag:s15] =	ssyncset.done $0x0  }
.Ltmp0:
0x15: {  	[sflag:s15] =	ssyncadd.s32 $0xFFFFD800;
	(pc) =	sbr.rel @p0 .LBB2_3-.Ltmp0, $4  }
0x16: {  	[tilespmem:s16], [sflag:$0x2] =	stream.linear.gather [hbm4b:s7+s3], $0x2800, $0x38;
	[tilespmem:$0x1D000] =	vst v63  }
0x17: {  	_ =	swait.ge [sflag:s15], $0x2800  }
0x18: {  	[sflag:s15] =	ssyncset.done $0x0  }
0x19: {  	[sflag:s15] =	ssyncadd.s32 $0xFFFFD800  }
.Ltmp1:
0x1a: {  	(pc) =	sbr.rel .LBB2_6-.Ltmp1, $4  }
0x1b: {  	[spmem:s18], [sflag:s17] =	dma.local [hbm:s12], $0x2800  }
0x1c: {  	_ =	swait.ge [sflag:s15], $0x2800  }
0x1d: {  	[sflag:s15] =	ssyncset.done $0x0  }
0x1e: {  	[sflag:s15] =	ssyncadd.s32 $0xFFFFD800  }
.LBB2_3:
0x1f: {  	s23 =	sshra.s32 s3, $0x2;
	s24 =	sadd.s32 $0x200, s3  }
.LBB2_4:
0x20: {  	p1 =	sne.s32 s24, $0xFE00;
	[tilespmem:s23+$0x5070] =	vst v0  }
0x21: {  	[tilespmem:s23+$0x5000] =	vst v0  }
0x22: {  	[tilespmem:s23+$0x5010] =	vst v0  }
.Ltmp2:
0x23: {  	[tilespmem:s23+$0x5020] =	vst v0;
	(pc) =	sbr.rel @p1 .LBB2_4-.Ltmp2, $4  }
0x24: {  	[tilespmem:s23+$0x5030] =	vst v0  }
0x25: {  	[tilespmem:s23+$0x5040] =	vst v0  }
0x26: {  	[tilespmem:s23+$0x5050] =	vst v0  }
0x27: {  	[tilespmem:s23+$0x5060] =	vst v0;
	s23 =	sshra.s32 s24, $0x2;
	s24 =	sadd.s32 $0x200, s24  }
0x28: {  	[tilespmem:s23+$0x5070] =	vst v0  }
0x29: {  	[tilespmem:s23+$0x5000] =	vst v0  }
0x2a: {  	[tilespmem:s23+$0x5010] =	vst v0  }
0x2b: {  	[tilespmem:s23+$0x5020] =	vst v0  }
0x2c: {  	[tilespmem:s23+$0x5030] =	vst v0  }
0x2d: {  	[tilespmem:s23+$0x5040] =	vst v0  }
0x2e: {  	[tilespmem:s23+$0x5050] =	vst v0  }
0x2f: {  	[tilespmem:s23+$0x5060] =	vst v0  }
0x30: {  	[spmem:s6] =	stream.linear.scatter [tilespmem:s20], [sflag:$0x2], $0x4000, $0x38;
	[tilespmem:$0x1D000] =	vst v63  }
0x31: {  	_ =	swait.ge [sflag:s15], $0x4000  }
0x32: {  	[sflag:s15] =	ssyncset.done $0x0  }
0x33: {  	[sflag:s15] =	ssyncadd.s32 $0xFFFFC000  }
0x34: {  	[spmem:s8] =	stream.linear.scatter [tilespmem:s20], [sflag:$0x2], $0x4000, $0x38;
	[tilespmem:$0x1D000] =	vst v63  }
0x35: {  	_ =	swait.ge [sflag:s15], $0x4000  }
0x36: {  	[sflag:s15] =	ssyncset.done $0x0  }
0x37: {  	[sflag:s15] =	ssyncadd.s32 $0xFFFFC000  }
0x38: {  	[spmem:s9] =	stream.linear.scatter [tilespmem:s20], [sflag:$0x2], $0x4000, $0x38;
	[tilespmem:$0x1D000] =	vst v63  }
0x39: {  	_ =	swait.ge [sflag:s15], $0x4000  }
0x3a: {  	[sflag:s15] =	ssyncset.done $0x0  }
0x3b: {  	[sflag:s15] =	ssyncadd.s32 $0xFFFFC000  }
0x3c: {  	[spmem:s10] =	stream.linear.scatter [tilespmem:s20], [sflag:$0x2], $0x4000, $0x38;
	[tilespmem:$0x1D000] =	vst v63  }
0x3d: {  	_ =	swait.ge [sflag:s15], $0x4000  }
0x3e: {  	[sflag:s15] =	ssyncset.done $0x0  }
0x3f: {  	[sflag:s15] =	ssyncadd.s32 $0xFFFFC000  }
0x40: {  	[spmem:s11] =	stream.linear.scatter [tilespmem:s20], [sflag:$0x2], $0x4000, $0x38;
	[tilespmem:$0x1D000] =	vst v63  }
0x41: {  	_ =	swait.ge [sflag:s15], $0x4000  }
0x42: {  	[sflag:s15] =	ssyncset.done $0x0  }
0x43: {  	[sflag:s15] =	ssyncadd.s32 $0xFFFFC000  }
.LBB2_6:
0x44: {  	[bflag:$0x0] =	sbarrier.arrive $0xFFFF;
	s23 =	simm.s32 $0x0  }
0x45: {  	[tilespmem:s20], [sflag:$0x1] =	stream.indirect.gather [hbm4b:s4+s19], $0x80, s23, s19, $0xb8;
	[tilespmem:$0x1D000] =	vst v63  }
0x46: {  	_ =	swait.ge [sflag:s21], $0x4000  }
0x47: {  	[sflag:s21] =	ssyncset.done $0x0  }
0x48: {  	s31 =	simm.s32 $0x2800;
	[sflag:s21] =	ssyncadd.s32 $0xFFFFC000  }
0x49: {  	[spmem:s1] =	stream.indirect.scatter.add.f32 [tilespmem:s20], [sflag:$0x2], $0x80, s31, s19, $0xb8;
	[tilespmem:$0x1D000] =	vst v63  }
0x4a: {  	_ =	swait.ge [sflag:s15], $0x4000  }
0x4b: {  	s24 =	simm.s32 $0x400;
	s23 =	simm.s32 $0x200;
	[sflag:s15] =	ssyncset.done $0x0  }
.LBB2_7:
0x4c: {  	s25 =	sshra.s32 s23, $0x2  }
0x4d: {  	[sflag:s15] =	ssyncadd.s32 $0xFFFFC000;
	s23 =	smov.u32 s24;
	s26 =	sadd.s32 $0x200, s24  }
0x4e: {  	[tilespmem:s20], [sflag:$0x1] =	stream.indirect.gather [hbm4b:s4+s19], $0x80, s25, s19, $0xb8;
	[tilespmem:$0x1D000] =	vst v63  }
0x4f: {  	p1 =	sne.s32 s24, $0x9E00;
	_ =	swait.ge [sflag:s21], $0x4000  }
.Ltmp3:
0x50: {  	[sflag:s21] =	ssyncset.done $0x0;
	(pc) =	sbr.rel @p1 .LBB2_7-.Ltmp3, $4  }
0x51: {  	s24 =	sadd.s32 $0x2800, s25;
	[sflag:s21] =	ssyncadd.s32 $0xFFFFC000  }
0x52: {  	[spmem:s1] =	stream.indirect.scatter.add.f32 [tilespmem:s20], [sflag:$0x2], $0x80, s24, s19, $0xb8;
	[tilespmem:$0x1D000] =	vst v63  }
0x53: {  	_ =	swait.ge [sflag:s15], $0x4000  }
0x54: {  	s24 =	smov.u32 s26;
	[sflag:s15] =	ssyncset.done $0x0  }
0x55: {  	s23 =	sshra.s32 s23, $0x2;
	[sflag:s15] =	ssyncadd.s32 $0xFFFFC000  }
0x56: {  	[tilespmem:s20], [sflag:$0x1] =	stream.indirect.gather [hbm4b:s4+s19], $0x80, s23, s19, $0xb8;
	[tilespmem:$0x1D000] =	vst v63  }
0x57: {  	_ =	swait.ge [sflag:s21], $0x4000  }
0x58: {  	[sflag:s21] =	ssyncset.done $0x0  }
0x59: {  	s23 =	sadd.s32 $0x2800, s23;
	[sflag:s21] =	ssyncadd.s32 $0xFFFFC000  }
0x5a: {  	[spmem:s1] =	stream.indirect.scatter.add.f32 [tilespmem:s20], [sflag:$0x2], $0x80, s23, s19, $0xb8;
	[tilespmem:$0x1D000] =	vst v63  }
0x5b: {  	_ =	swait.ge [sflag:s15], $0x4000  }
0x5c: {  	s22 =	sadd.s32 $0x1, s22;
	[sflag:s15] =	ssyncset.done $0x0  }
0x5d: {  	p1 =	sne.s32 s22, s14;
	[sflag:s15] =	ssyncadd.s32 $0xFFFFC000  }
.Ltmp4:
0x5e: {  	[bflag:$0x0] =	sbarrier.arrive $0xFFFF;
	(pc) =	sbr.rel @p1 .LBB2_1-.Ltmp4, $4  }
0x5f: {  	[hbm:s13], [sflag:s17] =	dma.local [spmem:s18], $0x2800  }
0x60: {  	_ =	swait.ge [sflag:s15], $0x2800  }
0x61: {  	[sflag:s15] =	ssyncset.done $0x0  }
0x62: {  	[sflag:s15] =	ssyncadd.s32 $0xFFFFD800  }
0x63: {  	_ =	sfence.sel $0x180000  }
0x64: {  	[bflag:$0x0] =	sbarrier.arrive $0xFFFF  }
0x65: {  	p0 =	sne.s32 s2, $0x0;
	_ =	strace $0x9000004D  }
0x66: {  	s0 =	sadd.s32 @!p0 $0x100000, s0;
	[bflag:$0x2] =	sbarrier.arrive $0xFFFF  }
0x67: {  	[sflag:s0] =	ssyncadd.tile.s32 @!p0 $0x1;
	_ =	shalt  }
.Lfunc_end2:
_tile_overlayer_lowered:
.L_overlay_start_2:
0x68: {  	(tag) =	ssettag $0x2  }
0x69: {  	s0 =	rddreg [dreg:$0x0];
	s2 =	stileid.u32  }
0x6a: {  	s1 =	rddreg [dreg:$0x1];
	p0 =	sne.s32 s2, $0x0  }
0x6b: {  	s3 =	rddreg [dreg:$0x2];
	[bflag:$0x3] =	sbarrier.arrive $0xFFFF;
	s2 =	simm.s32 @!p0 $0x1C02  }
0x6c: {  	[timem:s3], [sflag:s2] =	dma.local @!p0 [hbm:s0], s1  }
0x6d: {  	s0 =	simm.s32 @!p0 $0x2  }
0x6e: {  	_ =	swait.ge @!p0 [sflag:s0], s1  }
0x6f: {  	s1 =	ssub.s32 @!p0 $0x0, s1;
	[sflag:s0] =	ssyncset.done @!p0 $0x0  }
0x70: {  	[sflag:s0] =	ssyncadd.s32 @!p0 s1  }
0x71: {  	[bflag:$0x3] =	sbarrier.arrive $0xFFFF  }
0x72: {  	_ =	shalt  }

// kernel: kernel.19.cloned.1.call-start
scs
__scs_entry_jumppad:
0x0: {  	(pc) =	sbr.rel $0x88, $3  }
0x1: {  	(tag) =	ssettag $0x0;
	lr =	simm.s32 $0x1  }
0x2: {  	[smem:$0x3F99] =	sst lr;
	_ =	strace $0xD0000000  }
0x3: {  	_ = 	snop  }
0x4: {  	_ = 	snop  }
0x5: {  	_ = 	snop  }
0x6: {  	_ = 	snop  }
0x7: {  	_ = 	snop  }
__scs_overlays_trampoline_lowered:
0x8: {  	[smem:$0x3FA8] =	sst s0  }
0x9: {  	[smem:$0x3FA9] =	sst s1  }
0xa: {  	[smem:$0x3FAA] =	sst s2  }
0xb: {  	[smem:$0x3FAB] =	sst s3  }
0xc: {  	[smem:$0x3FAC] =	sst s4  }
0xd: {  	[smem:$0x3FAD] =	sst s5  }
0xe: {  	[smem:$0x3FAE] =	sst s6  }
0xf: {  	[smem:$0x3FAF] =	sst s7  }
0x10: {  	[smem:$0x3FB0] =	sst s8  }
0x11: {  	[smem:$0x3FB1] =	sst s9;
	s0 =	simm.s32 @!p0 $0x0  }
0x12: {  	s1 =	sld [smem:$0x3F97];
	s0 =	simm.s32 @p0 $0x1  }
0x13: {  	[smem:$0x3FB2] =	sst s0;
	s0 =	simm.s32 @!p1 $0x0  }
0x14: {  	s2 =	sld [smem:$0x3F96];
	s0 =	simm.s32 @p1 $0x1  }
0x15: {  	[smem:$0x3FB3] =	sst s0;
	s0 =	simm.s32 @!p2 $0x0  }
0x16: {  	s3 =	sld [smem:$0x3FDB];
	s0 =	simm.s32 @p2 $0x1  }
0x17: {  	s4 =	simm.s32 $0x1BF5;
	[smem:$0x3FB5] =	sst s0  }
0x18: {  	s0 =	sld [smem:$0x3F98];
	_ =	swait.ge [sflag:s4], $0x0  }
0x19: {  	s7 =	sld [smem:$0x3F99]  }
0x1a: {  	s8 =	sadd.s32 $0xFFFFE003, lr  }
0x1b: {  	s9 =	sadd.s32 $0xFFFFFEF7, lr;
	s5 =	simm.s32 $0xFFFFFFFF;
	p2 =	slt.u32 s8, $0xFFFFF086  }
0x1c: {  	p1 =	slt.u32 s9, $0xF7A;
	s5 =	simm.s32 @!p2 $0x0  }
0x1d: {  	s5 =	simm.s32 @p1 $0x1;
	p0 =	seq.s32 s7, s2  }
0x1e: {  	s7 =	smul.u32 @!p0 $0xF7A, s2;
	p2 =	seq.s32 @!p0 s5, $0x0  }
0x1f: {  	s9 =	smul.u32 $0xF7A, s1;
	s8 =	simm.s32 @!p0 $0x1BF5;
	p2 =	por !p2, p0  }
0x20: {  	[sflag:s8] =	ssyncset.s32 @!p0 $0xFFFFF086;
	s6 =	sadd.s32 @!p0 s3, s7;
	s7 =	simm.s32 @!p0 $0x108  }
0x21: {  	s3 =	sadd.s32 s3, s9;
	s6 =	sadd.s32 @!p0 $0x88, s6;
	s7 =	simm.s32 @p2 $0x1082  }
0x22: {  	[simem:s7], [sflag:s8] =	dma.local @!p0 [hbm:s6], $0xF7A  }
0x23: {  	s9 =	sor.u32 $0xD0000000, s2;
	s6 =	simm.s32 $0x108;
	_ =	swait.ge @!p0 [sflag:s8], $0x0  }
0x24: {  	s3 =	sadd.s32 $0x88, s3;
	s6 =	simm.s32 @!p1 $0x1082;
	[sflag:s4] =	ssyncset.s32 $0xFFFFF086  }
0x25: {  	[simem:s6], [sflag:s4] =	dma.local [hbm:s3], $0xF7A  }
0x26: {  	[smem:$0x3F99] =	sst s1;
	(tag) =	ssettag s2;
	_ =	strace s9  }
0x27: {  	s1 =	sld [smem:$0x3FA9]  }
0x28: {  	s2 =	sld [smem:$0x3FAA]  }
0x29: {  	s4 =	sld [smem:$0x3FAC]  }
0x2a: {  	p0 =	seq.s32 s5, $0x0;
	s5 =	sld [smem:$0x3FAD]  }
0x2b: {  	s6 =	sld [smem:$0x3FAE]  }
0x2c: {  	s7 =	sld [smem:$0x3FAF]  }
0x2d: {  	s3 =	simm.s32 $0x108;
	s8 =	sld [smem:$0x3FB0]  }
0x2e: {  	s3 =	simm.s32 @!p0 $0x1082;
	s9 =	sld [smem:$0x3FB1]  }
0x2f: {  	lr =	sadd.s32 s0, s3;
	s0 =	sld [smem:$0x3FA8]  }
0x30: {  	s3 =	sld [smem:$0x3FAB]  }
0x31: {  	[smem:$0x3FB4] =	sst s10  }
0x32: {  	s10 =	sld [smem:$0x3FB2];
	_ =	sdelay $0x3  }
0x33: {  	p0 =	seq.s32 s10, $0x1;
	s10 =	sld [smem:$0x3FB4];
	_ =	sdelay $0x3  }
0x34: {  	[smem:$0x3FB4] =	sst s10  }
0x35: {  	s10 =	sld [smem:$0x3FB3];
	_ =	sdelay $0x3  }
0x36: {  	p1 =	seq.s32 s10, $0x1;
	s10 =	sld [smem:$0x3FB4];
	_ =	sdelay $0x3  }
0x37: {  	[smem:$0x3FB4] =	sst s10  }
0x38: {  	s10 =	sld [smem:$0x3FB5]  }
0x39: {  	_ = 	snop;
	(pc) =	sbr.ind lr, $3  }
0x3a: {  	_ = 	snop  }
0x3b: {  	_ = 	snop  }
0x3c: {  	p2 =	seq.s32 s10, $0x1;
	s10 =	sld [smem:$0x3FB4]  }
0x3d: {  	_ =	shalt  }
0x3e: {  	_ =	shalt  }
0x3f: {  	_ =	shalt  }
0x40: {  	_ =	shalt  }
0x41: {  	_ =	shalt  }
0x42: {  	_ =	shalt  }
0x43: {  	_ =	shalt  }
0x44: {  	_ =	shalt  }
0x45: {  	_ =	shalt  }
0x46: {  	_ =	shalt  }
0x47: {  	_ =	shalt  }
0x48: {  	_ =	shalt  }
0x49: {  	_ =	shalt  }
0x4a: {  	_ =	shalt  }
0x4b: {  	_ =	shalt  }
0x4c: {  	_ =	shalt  }
0x4d: {  	_ =	shalt  }
0x4e: {  	_ =	shalt  }
0x4f: {  	_ =	shalt  }
0x50: {  	_ =	shalt  }
0x51: {  	_ =	shalt  }
0x52: {  	_ =	shalt  }
0x53: {  	_ =	shalt  }
0x54: {  	_ =	shalt  }
0x55: {  	_ =	shalt  }
0x56: {  	_ =	shalt  }
0x57: {  	_ =	shalt  }
0x58: {  	_ =	shalt  }
0x59: {  	_ =	shalt  }
0x5a: {  	_ =	shalt  }
0x5b: {  	_ =	shalt  }
0x5c: {  	_ =	shalt  }
0x5d: {  	_ =	shalt  }
0x5e: {  	_ =	shalt  }
0x5f: {  	_ =	shalt  }
0x60: {  	_ =	shalt  }
0x61: {  	_ =	shalt  }
0x62: {  	_ =	shalt  }
0x63: {  	_ =	shalt  }
0x64: {  	_ =	shalt  }
0x65: {  	_ =	shalt  }
0x66: {  	_ =	shalt  }
0x67: {  	_ =	shalt  }
0x68: {  	_ =	shalt  }
0x69: {  	_ =	shalt  }
0x6a: {  	_ =	shalt  }
0x6b: {  	_ =	shalt  }
0x6c: {  	_ =	shalt  }
0x6d: {  	_ =	shalt  }
0x6e: {  	_ =	shalt  }
0x6f: {  	_ =	shalt  }
0x70: {  	_ =	shalt  }
0x71: {  	_ =	shalt  }
0x72: {  	_ =	shalt  }
0x73: {  	_ =	shalt  }
0x74: {  	_ =	shalt  }
0x75: {  	_ =	shalt  }
0x76: {  	_ =	shalt  }
0x77: {  	_ =	shalt  }
0x78: {  	_ =	shalt  }
0x79: {  	_ =	shalt  }
0x7a: {  	_ =	shalt  }
0x7b: {  	_ =	shalt  }
0x7c: {  	_ =	shalt  }
0x7d: {  	_ =	shalt  }
0x7e: {  	_ =	shalt  }
0x7f: {  	_ =	shalt  }
0x80: {  	_ =	shalt  }
0x81: {  	_ =	shalt  }
0x82: {  	_ =	shalt  }
0x83: {  	_ =	shalt  }
0x84: {  	_ =	shalt  }
0x85: {  	_ =	shalt  }
0x86: {  	_ =	shalt  }
0x87: {  	_ =	shalt  }
.Lfunc_end0:
.L_simem_size_0:
called_computation.3_lowered:
.L_overlay_start_0:
0x88: {  	s2 =	sld [smem:$0x3FD9]  }
0x89: {  	s3 =	sld [smem:$0x3FFE];
	_ =	sdelay $0x1  }
0x8a: {  	s1 =	srdreg.scid  }
0x8b: {  	s0 =	sand.u32 $0x1, s1  }
0x8c: {  	s17 =	sshll.u32 s0, $0xA;
	s2 =	sadd.s32 s3, s2  }
0x8d: {  	s2 =	sadd.s32 s2, s17  }
0x8e: {  	[smem:$0x3FC0] =	sst s2  }
0x8f: {  	_ = 	snop  }
0x90: {  	s2 =	sld [smem:$0x3FD0];
	(tm) =	ssettm $0x1  }
0x91: {  	s18 =	sld [smem:$0x3FFB];
	_ =	sdelay $0x3  }
0x92: {  	_ =	strace s18  }
0x93: {  	s3 =	sld [smem:$0x3FFC];
	_ =	sdelay $0x3  }
0x94: {  	_ =	strace s3  }
0x95: {  	s3 =	sld [smem:$0x3FFD];
	_ =	sdelay $0x3  }
0x96: {  	_ =	strace s3  }
0x97: {  	_ =	strace $0x8FFFFFFF  }
0x98: {  	s19 =	sld [smem:$0x3FDB];
	_ =	sdelay $0x1  }
0x99: {  	s4 =	simm.s32 $_scs_section_size  }
0x9a: {  	s5 =	simm.s32 $_size__tile_overlayer_lowered;
	s6 =	simm.s32 $_tile_overlayer_lowered  }
0x9b: {  	s22 =	simm.s32 $0x1BFF;
	s21 =	sshll.u32 s6, $0x1;
	s3 =	sadd.s32 s4, s19  }
0x9c: {  	s7 =	simm.s32 $0x0;
	s20 =	sshll.u32 s5, $0x1;
	s5 =	sadd.s32 s21, s3  }
0x9d: {  	[timem:s7], [sflag:s22] =	dma.local [hbm:s5], s20  }
0x9e: {  	_ =	swait.ge [sflag:s22], s20  }
0x9f: {  	s4 =	ssub.s32 $0x0, s20;
	[sflag:s22] =	ssyncset.done $0x0  }
0xa0: {  	[sflag:s22] =	ssyncadd.s32 s4;
	_ =	sdelay $0x1  }
0xa1: {  	s23 =	simm.s32 $0x1B8B  }
0xa2: {  	_ =	swait.ge [sflag:s23], $0x1  }
0xa3: {  	[sflag:s23] =	ssyncset.done $0x0  }
0xa4: {  	s25 =	simm.s32 $0x1B8E;
	s24 =	sld [smem:$0x3FFE];
	[sflag:s23] =	ssyncadd.s32 $0xFFFFFFFF  }
0xa5: {  	s26 =	simm.s32 $execute0_lowered;
	[smem:$0x3FD2] =	sst s25  }
0xa6: {  	s5 =	sshll.u32 s26, $0x1;
	_ =	strace $0x8000004F;
	[dreg:$0x1] =	wrdreg $0xFFFFFFFF  }
0xa7: {  	s28 =	simm.s32 $_size_execute0_lowered;
	s3 =	sadd.s32 s3, s5;
	[dreg:$0x0] =	wrdreg $0x0  }
0xa8: {  	s5 =	sshll.u32 s28, $0x1;
	[dreg:$0x2] =	wrdreg s3  }
0xa9: {  	[dreg:$0x3] =	wrdreg s5  }
0xaa: {  	[dreg:$0x4] =	wrdreg $0xC0  }
0xab: {  	_ =	task [dreg:s7], $0x5FFFF  }
0xac: {  	[dreg:$0x1] =	wrdreg $0xFFFFFFFF  }
0xad: {  	[dreg:$0x0] =	wrdreg $0x60  }
0xae: {  	[dreg:$0x2] =	wrdreg s24  }
0xaf: {  	[dreg:$0x3] =	wrdreg s2  }
0xb0: {  	[dreg:$0x4] =	wrdreg $0x90000  }
0xb1: {  	[dreg:$0x5] =	wrdreg $0x9  }
0xb2: {  	_ =	task.clear_ibuf [dreg:s7], $0x6FFFF;
	_ =	strace $0x9000004F  }
0xb3: {  	s29 =	simm.s32 $0x9;
	_ =	strace $0x80000051  }
0xb4: {  	_ =	swait.ge [sflag:s29], $0x1  }
0xb5: {  	[sflag:s29] =	ssyncadd.s32 $0xFFFFFFFF  }
0xb6: {  	_ =	strace $0x90000051  }
0xb7: {  	_ =	sfence  }
0xb8: {  	s30 =	sld [smem:$0x0];
	_ =	sdelay $0x2  }
0xb9: {  	s31 =	sshll.u32 s1, $0xD;
	s1 =	sshrl.u32 s1, $0x2  }
0xba: {  	s3 =	sand.u32 $0x4000, s31;
	s1 =	sadd.s32 s1, s30  }
0xbb: {  	s0 =	sor.u32 s3, s0;
	s1 =	sshll.u32 s1, $0x11  }
0xbc: {  	s0 =	sor.u32 s1, s0  }
0xbd: {  	s0 =	sadd.s32 $0x8F2B, s0  }
0xbe: {  	[sflag:s0] =	ssyncadd.remote.s32 $0x1  }
0xbf: {  	_ =	sfence.sel $0xFFFF  }
0xc0: {  	[dreg:$0x0] =	wrdreg $0xFFFFFFFF;
	(pc) =	sbr.abs _section_cstart, $3  }
0xc1: {  	[dreg:$0x1] =	wrdreg $0xFFFFFFFF  }
0xc2: {  	_ =	task.clear_ibuf [dreg:s7], $0x2FFFF;
	_ =	strace $0x9FFFFFFF  }
0xc3: {  	(tm) =	ssettm $0x7FFFFFFF  }
tec
execute0_lowered:
.L_overlay_start_1:
0x0: {  	(tag) =	ssettag $0x1  }
0x1: {  	s5 =	rddreg [dreg:$0x0]  }
0x2: {  	s6 =	rddreg [dreg:$0x1]  }
0x3: {  	s1 =	rddreg [dreg:$0x2];
	s2 =	srdreg.scid  }
0x4: {  	s0 =	rddreg [dreg:$0x3];
	s3 =	simm.s32 $0x0;
	s16 =	simm.s32 $0x2800  }
0x5: {  	s19 =	simm.s32 $0x80;
	s20 =	simm.s32 $0x5000;
	s15 =	sand.u32 $0x1, s2  }
0x6: {  	s21 =	simm.s32 $0x1;
	s2 =	stileid.u32;
	s7 =	smul.u32 $0x140000, s15  }
0x7: {  	s22 =	simm.s32 $0x0;
	[smem:$0x7FF] =	sst s3;
	s9 =	smul.u32 $0x14000, s2  }
0x8: {  	s4 =	sshll.u32 s15, $0x4;
	_ =	strace $0x80000050;
	s10 =	smul.u32 $0x50000, s2  }
0x9: {  	s29 =	ssub.s32 $0x2, s15;
	s31 =	smul.u32 $0x2800, s2;
	p0 =	sne.s32 s15, $0x0  }
0xa: {  	s15 =	simm.s32 $0x2;
	s17 =	sshll.u32 s2, $0x6;
	s8 =	sor.u32 s2, s4  }
0xb: {  	s4 =	sadd.s32 $0xCA00, s5;
	s12 =	sshrl.u32 s29, $0x1;
	s17 =	sor.u32 $0x1C02, s17  }
0xc: {  	s8 =	smul.u32 $0x500, s8;
	s7 =	sadd.s32 s9, s7;
	s14 =	ssub.s32 s29, s12  }
0xd: {  	s30 =	sshrl.u32 s10, $0x2;
	s12 =	sadd.s32 s4, s31;
	s7 =	sshrl.u32 s7, $0x3  }
0xe: {  	s14 =	smax.u32 s14, $0x1;
	s11 =	sadd.s32 s8, s5;
	s13 =	sadd.s32 s7, s5  }
0xf: {  	s5 =	sadd.s32 s6, s8;
	s6 =	sadd.s32 s30, s1;
	s7 =	sadd.s32 $0x2A00, s11  }
0x10: {  	s8 =	sadd.s32 $0x4000, s6;
	s9 =	sadd.s32 $0x8000, s6;
	s10 =	sadd.s32 $0xC000, s6  }
0x11: {  	v0 =	vimm.f32 $0.0e+00;
	s11 =	sadd.s32 $0x10000, s6;
	s13 =	sadd.s32 $0x34A00, s13;
	s18 =	sshrl.u32 s6, $0x3  }
.LBB2_1:
0x12: {  	[tilespmem:s3], [sflag:$0x2] =	stream.linear.gather [hbm4b:s5+s3], $0x2800, $0x38;
	[tilespmem:$0x1D000] =	vst v63  }
0x13: {  	_ =	swait.ge [sflag:s15], $0x2800  }
0x14: {  	[sflag:s15] =	ssyncset.done $0x0  }
.Ltmp0:
0x15: {  	[sflag:s15] =	ssyncadd.s32 $0xFFFFD800;
	(pc) =	sbr.rel @p0 .LBB2_3-.Ltmp0, $4  }
0x16: {  	[tilespmem:s16], [sflag:$0x2] =	stream.linear.gather [hbm4b:s7+s3], $0x2800, $0x38;
	[tilespmem:$0x1D000] =	vst v63  }
0x17: {  	_ =	swait.ge [sflag:s15], $0x2800  }
0x18: {  	[sflag:s15] =	ssyncset.done $0x0  }
0x19: {  	[sflag:s15] =	ssyncadd.s32 $0xFFFFD800  }
.Ltmp1:
0x1a: {  	(pc) =	sbr.rel .LBB2_6-.Ltmp1, $4  }
0x1b: {  	[spmem:s18], [sflag:s17] =	dma.local [hbm:s12], $0x2800  }
0x1c: {  	_ =	swait.ge [sflag:s15], $0x2800  }
0x1d: {  	[sflag:s15] =	ssyncset.done $0x0  }
0x1e: {  	[sflag:s15] =	ssyncadd.s32 $0xFFFFD800  }
.LBB2_3:
0x1f: {  	s23 =	sshra.s32 s3, $0x2;
	s24 =	sadd.s32 $0x200, s3  }
.LBB2_4:
0x20: {  	p1 =	sne.s32 s24, $0xFE00;
	[tilespmem:s23+$0x5070] =	vst v0  }
0x21: {  	[tilespmem:s23+$0x5000] =	vst v0  }
0x22: {  	[tilespmem:s23+$0x5010] =	vst v0  }
.Ltmp2:
0x23: {  	[tilespmem:s23+$0x5020] =	vst v0;
	(pc) =	sbr.rel @p1 .LBB2_4-.Ltmp2, $4  }
0x24: {  	[tilespmem:s23+$0x5030] =	vst v0  }
0x25: {  	[tilespmem:s23+$0x5040] =	vst v0  }
0x26: {  	[tilespmem:s23+$0x5050] =	vst v0  }
0x27: {  	[tilespmem:s23+$0x5060] =	vst v0;
	s23 =	sshra.s32 s24, $0x2;
	s24 =	sadd.s32 $0x200, s24  }
0x28: {  	[tilespmem:s23+$0x5070] =	vst v0  }
0x29: {  	[tilespmem:s23+$0x5000] =	vst v0  }
0x2a: {  	[tilespmem:s23+$0x5010] =	vst v0  }
0x2b: {  	[tilespmem:s23+$0x5020] =	vst v0  }
0x2c: {  	[tilespmem:s23+$0x5030] =	vst v0  }
0x2d: {  	[tilespmem:s23+$0x5040] =	vst v0  }
0x2e: {  	[tilespmem:s23+$0x5050] =	vst v0  }
0x2f: {  	[tilespmem:s23+$0x5060] =	vst v0  }
0x30: {  	[spmem:s6] =	stream.linear.scatter [tilespmem:s20], [sflag:$0x2], $0x4000, $0x38;
	[tilespmem:$0x1D000] =	vst v63  }
0x31: {  	_ =	swait.ge [sflag:s15], $0x4000  }
0x32: {  	[sflag:s15] =	ssyncset.done $0x0  }
0x33: {  	[sflag:s15] =	ssyncadd.s32 $0xFFFFC000  }
0x34: {  	[spmem:s8] =	stream.linear.scatter [tilespmem:s20], [sflag:$0x2], $0x4000, $0x38;
	[tilespmem:$0x1D000] =	vst v63  }
0x35: {  	_ =	swait.ge [sflag:s15], $0x4000  }
0x36: {  	[sflag:s15] =	ssyncset.done $0x0  }
0x37: {  	[sflag:s15] =	ssyncadd.s32 $0xFFFFC000  }
0x38: {  	[spmem:s9] =	stream.linear.scatter [tilespmem:s20], [sflag:$0x2], $0x4000, $0x38;
	[tilespmem:$0x1D000] =	vst v63  }
0x39: {  	_ =	swait.ge [sflag:s15], $0x4000  }
0x3a: {  	[sflag:s15] =	ssyncset.done $0x0  }
0x3b: {  	[sflag:s15] =	ssyncadd.s32 $0xFFFFC000  }
0x3c: {  	[spmem:s10] =	stream.linear.scatter [tilespmem:s20], [sflag:$0x2], $0x4000, $0x38;
	[tilespmem:$0x1D000] =	vst v63  }
0x3d: {  	_ =	swait.ge [sflag:s15], $0x4000  }
0x3e: {  	[sflag:s15] =	ssyncset.done $0x0  }
0x3f: {  	[sflag:s15] =	ssyncadd.s32 $0xFFFFC000  }
0x40: {  	[spmem:s11] =	stream.linear.scatter [tilespmem:s20], [sflag:$0x2], $0x4000, $0x38;
	[tilespmem:$0x1D000] =	vst v63  }
0x41: {  	_ =	swait.ge [sflag:s15], $0x4000  }
0x42: {  	[sflag:s15] =	ssyncset.done $0x0  }
0x43: {  	[sflag:s15] =	ssyncadd.s32 $0xFFFFC000  }
.LBB2_6:
0x44: {  	[bflag:$0x0] =	sbarrier.arrive $0xFFFF;
	s23 =	simm.s32 $0x0  }
0x45: {  	[tilespmem:s20], [sflag:$0x1] =	stream.indirect.gather [hbm4b:s4+s19], $0x80, s23, s19, $0xb8;
	[tilespmem:$0x1D000] =	vst v63  }
0x46: {  	_ =	swait.ge [sflag:s21], $0x4000  }
0x47: {  	[sflag:s21] =	ssyncset.done $0x0  }
0x48: {  	s31 =	simm.s32 $0x2800;
	[sflag:s21] =	ssyncadd.s32 $0xFFFFC000  }
0x49: {  	[spmem:s1] =	stream.indirect.scatter.add.f32 [tilespmem:s20], [sflag:$0x2], $0x80, s31, s19, $0xb8;
	[tilespmem:$0x1D000] =	vst v63  }
0x4a: {  	_ =	swait.ge [sflag:s15], $0x4000  }
0x4b: {  	s24 =	simm.s32 $0x400;
	s23 =	simm.s32 $0x200;
	[sflag:s15] =	ssyncset.done $0x0  }
.LBB2_7:
0x4c: {  	s25 =	sshra.s32 s23, $0x2  }
0x4d: {  	[sflag:s15] =	ssyncadd.s32 $0xFFFFC000;
	s23 =	smov.u32 s24;
	s26 =	sadd.s32 $0x200, s24  }
0x4e: {  	[tilespmem:s20], [sflag:$0x1] =	stream.indirect.gather [hbm4b:s4+s19], $0x80, s25, s19, $0xb8;
	[tilespmem:$0x1D000] =	vst v63  }
0x4f: {  	p1 =	sne.s32 s24, $0x9E00;
	_ =	swait.ge [sflag:s21], $0x4000  }
.Ltmp3:
0x50: {  	[sflag:s21] =	ssyncset.done $0x0;
	(pc) =	sbr.rel @p1 .LBB2_7-.Ltmp3, $4  }
0x51: {  	s24 =	sadd.s32 $0x2800, s25;
	[sflag:s21] =	ssyncadd.s32 $0xFFFFC000  }
0x52: {  	[spmem:s1] =	stream.indirect.scatter.add.f32 [tilespmem:s20], [sflag:$0x2], $0x80, s24, s19, $0xb8;
	[tilespmem:$0x1D000] =	vst v63  }
0x53: {  	_ =	swait.ge [sflag:s15], $0x4000  }
0x54: {  	s24 =	smov.u32 s26;
	[sflag:s15] =	ssyncset.done $0x0  }
0x55: {  	s23 =	sshra.s32 s23, $0x2;
	[sflag:s15] =	ssyncadd.s32 $0xFFFFC000  }
0x56: {  	[tilespmem:s20], [sflag:$0x1] =	stream.indirect.gather [hbm4b:s4+s19], $0x80, s23, s19, $0xb8;
	[tilespmem:$0x1D000] =	vst v63  }
0x57: {  	_ =	swait.ge [sflag:s21], $0x4000  }
0x58: {  	[sflag:s21] =	ssyncset.done $0x0  }
0x59: {  	s23 =	sadd.s32 $0x2800, s23;
	[sflag:s21] =	ssyncadd.s32 $0xFFFFC000  }
0x5a: {  	[spmem:s1] =	stream.indirect.scatter.add.f32 [tilespmem:s20], [sflag:$0x2], $0x80, s23, s19, $0xb8;
	[tilespmem:$0x1D000] =	vst v63  }
0x5b: {  	_ =	swait.ge [sflag:s15], $0x4000  }
0x5c: {  	s22 =	sadd.s32 $0x1, s22;
	[sflag:s15] =	ssyncset.done $0x0  }
0x5d: {  	p1 =	sne.s32 s22, s14;
	[sflag:s15] =	ssyncadd.s32 $0xFFFFC000  }
.Ltmp4:
0x5e: {  	[bflag:$0x0] =	sbarrier.arrive $0xFFFF;
	(pc) =	sbr.rel @p1 .LBB2_1-.Ltmp4, $4  }
0x5f: {  	[hbm:s13], [sflag:s17] =	dma.local [spmem:s18], $0x2800  }
0x60: {  	_ =	swait.ge [sflag:s15], $0x2800  }
0x61: {  	[sflag:s15] =	ssyncset.done $0x0  }
0x62: {  	[sflag:s15] =	ssyncadd.s32 $0xFFFFD800  }
0x63: {  	_ =	sfence.sel $0x180000  }
0x64: {  	[bflag:$0x0] =	sbarrier.arrive $0xFFFF  }
0x65: {  	p0 =	sne.s32 s2, $0x0;
	_ =	strace $0x90000050  }
0x66: {  	s0 =	sadd.s32 @!p0 $0x100000, s0;
	[bflag:$0x2] =	sbarrier.arrive $0xFFFF  }
0x67: {  	[sflag:s0] =	ssyncadd.tile.s32 @!p0 $0x1;
	_ =	shalt  }
.Lfunc_end2:
_tile_overlayer_lowered:
.L_overlay_start_2:
0x68: {  	(tag) =	ssettag $0x2  }
0x69: {  	s0 =	rddreg [dreg:$0x0];
	s2 =	stileid.u32  }
0x6a: {  	s1 =	rddreg [dreg:$0x1];
	p0 =	sne.s32 s2, $0x0  }
0x6b: {  	s3 =	rddreg [dreg:$0x2];
	[bflag:$0x3] =	sbarrier.arrive $0xFFFF;
	s2 =	simm.s32 @!p0 $0x1C02  }
0x6c: {  	[timem:s3], [sflag:s2] =	dma.local @!p0 [hbm:s0], s1  }
0x6d: {  	s0 =	simm.s32 @!p0 $0x2  }
0x6e: {  	_ =	swait.ge @!p0 [sflag:s0], s1  }
0x6f: {  	s1 =	ssub.s32 @!p0 $0x0, s1;
	[sflag:s0] =	ssyncset.done @!p0 $0x0  }
0x70: {  	[sflag:s0] =	ssyncadd.s32 @!p0 s1  }
0x71: {  	[bflag:$0x3] =	sbarrier.arrive $0xFFFF  }
0x72: {  	_ =	shalt  }

</sc_bundles>
